<compile_context>
chip_gen: v7x
topology: tpu7x:2x2x1
jax: 0.10.2.dev20260603
libtpu: 0.0.44.dev20260713+nightly
codegen_flags: <defaults>
</compile_context>

<pallas_src>
import functools

import jax
import jax.numpy as jnp
from jax import lax
from jax.experimental import pallas as pl
from jax.experimental.pallas import tpu as pltpu
from jax.experimental.pallas import tpu_sc as plsc

N = 10000
E = 160000
D_IN = 128
H1 = 128
H2 = 32

NC, NS = 2, 16
NW = NC * NS
CHUNK = 128
CPW = 40
E_PAD = NW * CPW * CHUNK
R_PAD = 10112
RPT = R_PAD // NS

BM = 1024
NBUF = 2
NDST = 4



@functools.lru_cache(maxsize=None)
def _make_sc_agg(with_deg):
    mesh = plsc.VectorSubcoreMesh(core_axis_name="c", subcore_axis_name="s",
                                  num_cores=NC, num_subcores=NS)
    out_type = [jax.ShapeDtypeStruct((NC, R_PAD, H1), jnp.float32)]
    scratch = [
        pltpu.VMEM((CPW, CHUNK), jnp.int32),
        pltpu.VMEM((NDST, CHUNK), jnp.int32),
        pltpu.VMEM((NBUF, CHUNK, H1), jnp.float32),
        pltpu.VMEM_SHARED((R_PAD, H1), jnp.float32),
        pltpu.SemaphoreType.DMA((NBUF,)),
        pltpu.SemaphoreType.DMA((NBUF,)),
        pltpu.SemaphoreType.DMA((NDST,)),
        pltpu.SemaphoreType.DMA,
    ]
    if with_deg:
        out_type.append(jax.ShapeDtypeStruct((NW, R_PAD), jnp.float32))
        scratch.append(pltpu.VMEM((R_PAD,), jnp.float32))

    @functools.partial(pl.kernel, out_type=out_type, mesh=mesh,
                       scratch_types=scratch,
                       compiler_params=pltpu.CompilerParams(
                           needs_layout_passes=False))
    def sc_agg(y_hbm, src_hbm, dst_hbm, zeros_hbm, zerosd_hbm, *refs):
        if with_deg:
            (out_hbm, deg_hbm, src_v, dst_r, rows_v, acc_sh,
             gsem, ssem, dsem, zsem, deg_v) = refs
        else:
            (out_hbm, src_v, dst_r, rows_v, acc_sh,
             gsem, ssem, dsem, zsem) = refs
        cid = lax.axis_index("c")
        sid = lax.axis_index("s")
        wid = cid * NS + sid

        ones16 = jnp.full((16,), 1.0, jnp.float32)

        def dst_load(s, j):
            pltpu.async_copy(dst_hbm.at[wid].at[j], dst_r.at[s], dsem.at[s])

        def gather(r, j):
            pltpu.async_copy(y_hbm.at[src_v.at[j]], rows_v.at[r], gsem.at[r])

        with jax.named_scope("sc_zero"):
            zero_cp = pltpu.async_copy(zeros_hbm.at[pl.ds(sid * RPT, RPT)],
                                       acc_sh.at[pl.ds(sid * RPT, RPT)], zsem)
            pltpu.sync_copy(src_hbm.at[wid], src_v)
            for s in range(NDST):
                dst_load(s, s)
            for r in range(NBUF):
                gather(r, r)
            if with_deg:
                pltpu.sync_copy(zerosd_hbm, deg_v)
            zero_cp.wait()
            plsc.subcore_barrier()

        def body(g, _):
            for b in range(NDST):
                j = g * NDST + b
                r = b % NBUF
                s = b
                pltpu.make_async_copy(y_hbm.at[src_v.at[j]], rows_v.at[r],
                                      gsem.at[r]).wait()
                pltpu.make_async_copy(dst_hbm.at[wid].at[j], dst_r.at[s],
                                      dsem.at[s]).wait()
                pltpu.async_copy(rows_v.at[r], acc_sh.at[dst_r.at[s]],
                                 ssem.at[r], add=True)
                if with_deg:
                    for t in range(CHUNK // 16):
                        idx = dst_r[s, pl.ds(t * 16, 16)]
                        plsc.addupdate_scatter(deg_v, [idx], ones16)
                pltpu.make_async_copy(rows_v.at[r], acc_sh.at[dst_r.at[s]],
                                      ssem.at[r]).wait()

                @pl.when(j + NDST < CPW)
                def _():
                    dst_load(s, j + NDST)

                @pl.when(j + NBUF < CPW)
                def _():
                    gather(r, j + NBUF)
            return ()

        with jax.named_scope("sc_mainloop"):
            lax.fori_loop(0, CPW // NDST, body, ())
        with jax.named_scope("sc_bar"):
            plsc.subcore_barrier()
        with jax.named_scope("sc_copyout"):
            pltpu.sync_copy(acc_sh.at[pl.ds(sid * RPT, RPT)],
                            out_hbm.at[cid, pl.ds(sid * RPT, RPT)])
            if with_deg:
                pltpu.sync_copy(deg_v, deg_hbm.at[wid])

    return sc_agg


def _agg(y, src3, dst3, zeros, zerosd, with_deg):
    return _make_sc_agg(with_deg)(y, src3, dst3, zeros, zerosd)



def _proj1_body(x_ref, wn_ref, ws_ref, y_ref, s_ref):
    x = x_ref[...]
    y_ref[...] = jnp.dot(x, wn_ref[...], preferred_element_type=jnp.float32)
    s_ref[...] = jnp.dot(x, ws_ref[...], preferred_element_type=jnp.float32)


def _proj1(x, w_neigh, w_self):
    return pl.pallas_call(
        _proj1_body,
        grid=(pl.cdiv(N, BM),),
        in_specs=[
            pl.BlockSpec((BM, D_IN), lambda i: (i, 0)),
            pl.BlockSpec((D_IN, H1), lambda i: (0, 0)),
            pl.BlockSpec((D_IN, H1), lambda i: (0, 0)),
        ],
        out_specs=[
            pl.BlockSpec((BM, H1), lambda i: (i, 0)),
            pl.BlockSpec((BM, H1), lambda i: (i, 0)),
        ],
        out_shape=[
            jax.ShapeDtypeStruct((N, H1), jnp.float32),
            jax.ShapeDtypeStruct((N, H1), jnp.float32),
        ],
    )(x, w_neigh, w_self)


def _layerB_body(s1_ref, p0_ref, p1_ref, deg_ref, b1_ref, ws_ref,
                 h_ref, s2_ref):
    agg = p0_ref[0] + p1_ref[0]
    deg = jnp.sum(deg_ref[...], axis=0)
    hn = agg / jnp.maximum(deg, 1.0)[:, None]
    h = jnp.maximum(s1_ref[...] + hn + b1_ref[...], 0.0)
    h_ref[...] = h
    s2_ref[...] = jnp.dot(h, ws_ref[...], preferred_element_type=jnp.float32)


def _layerB(s1, p, deg, b1, w_self):
    return pl.pallas_call(
        _layerB_body,
        grid=(pl.cdiv(N, BM),),
        in_specs=[
            pl.BlockSpec((BM, H1), lambda i: (i, 0)),
            pl.BlockSpec((1, BM, H1), lambda i: (0, i, 0)),
            pl.BlockSpec((1, BM, H1), lambda i: (1, i, 0)),
            pl.BlockSpec((NW, BM), lambda i: (0, i)),
            pl.BlockSpec((1, H1), lambda i: (0, 0)),
            pl.BlockSpec((H1, H2), lambda i: (0, 0)),
        ],
        out_specs=[
            pl.BlockSpec((BM, H1), lambda i: (i, 0)),
            pl.BlockSpec((BM, H2), lambda i: (i, 0)),
        ],
        out_shape=[
            jax.ShapeDtypeStruct((N, H1), jnp.float32),
            jax.ShapeDtypeStruct((N, H2), jnp.float32),
        ],
    )(s1, p, p, deg, b1, w_self)


def _layerC1_body(s2_ref, q0_ref, q1_ref, deg_ref, b2_ref, wn_ref, z_ref):
    agg = q0_ref[0] + q1_ref[0]
    deg = jnp.sum(deg_ref[...], axis=0)
    hn = agg / jnp.maximum(deg, 1.0)[:, None]
    proj = jnp.dot(hn, wn_ref[...], preferred_element_type=jnp.float32)
    z_ref[...] = jnp.maximum(s2_ref[...] + proj + b2_ref[...], 0.0)


def _layerC1(s2, q, deg, b2, w_neigh):
    return pl.pallas_call(
        _layerC1_body,
        grid=(pl.cdiv(N, BM),),
        in_specs=[
            pl.BlockSpec((BM, H2), lambda i: (i, 0)),
            pl.BlockSpec((1, BM, H1), lambda i: (0, i, 0)),
            pl.BlockSpec((1, BM, H1), lambda i: (1, i, 0)),
            pl.BlockSpec((NW, BM), lambda i: (0, i)),
            pl.BlockSpec((1, H2), lambda i: (0, 0)),
            pl.BlockSpec((H1, H2), lambda i: (0, 0)),
        ],
        out_specs=pl.BlockSpec((BM, H2), lambda i: (i, 0)),
        out_shape=jax.ShapeDtypeStruct((N, H2), jnp.float32),
    )(s2, q, q, deg, b2, w_neigh)


def _dec_body(zi_ref, zj_ref, out_ref):
    prod = lax.dot_general(zi_ref[...], zj_ref[...],
                           (((1,), (1,)), ((), ())),
                           preferred_element_type=jnp.float32)
    out_ref[...] = 0.5 * jnp.tanh(0.5 * prod) + 0.5


DEC_BM = 256


def _decoder(z):
    return pl.pallas_call(
        _dec_body,
        grid=(pl.cdiv(N, DEC_BM),),
        in_specs=[
            pl.BlockSpec((DEC_BM, H2), lambda i: (i, 0)),
            pl.BlockSpec((N, H2), lambda i: (0, 0)),
        ],
        out_specs=pl.BlockSpec((DEC_BM, N), lambda i: (i, 0)),
        out_shape=jax.ShapeDtypeStruct((N, N), jnp.float32),
    )(z, z)



def kernel(features, edge_index, W1_self, W1_neigh, b1, W2_self, W2_neigh, b2):
    src = edge_index[0].astype(jnp.int32)
    dst = edge_index[1].astype(jnp.int32)
    pad_ar = jnp.arange(E_PAD - E, dtype=jnp.int32)
    pad_dst = N + pad_ar % (R_PAD - N)
    pad_src = pad_ar % N
    src3 = jnp.concatenate([src, pad_src]).reshape(NW, CPW, CHUNK)
    dst3 = jnp.concatenate([dst, pad_dst]).reshape(NW, CPW, CHUNK)
    zeros2d = jnp.zeros((R_PAD, H1), jnp.float32)
    zeros1d = jnp.zeros((R_PAD,), jnp.float32)

    y1, s1 = _proj1(features, W1_neigh, W1_self)
    p, deg = _agg(y1, src3, dst3, zeros2d, zeros1d, True)
    h, s2 = _layerB(s1, p, deg, b1.reshape(1, H1), W2_self)
    (q,) = _agg(h, src3, dst3, zeros2d, zeros1d, False)
    z = _layerC1(s2, q, deg, b2.reshape(1, H2), W2_neigh)
    return _decoder(z)

# --- scband reference (transcript-rebuilt; emitter-appended) ---
"""Pipeline reference for scband-graph-sage-73237782331507 (READ-ONLY COPY).

The authoritative reference and input builder live on the scoring server;
editing this copy changes nothing except your own understanding.
"""

import jax, jax.numpy as jnp
import numpy as np

N_NODES = 10000
IN_DIM = 128
H1 = 128
H2 = 32
N_EDGES = 160000


def setup_inputs(seed: int = 0) -> dict:
    key = jax.random.key(seed)
    ks = jax.random.split(key, 9)
    features = jax.random.normal(ks[0], (N_NODES, IN_DIM), dtype=jnp.float32)
    edge_index = jax.random.randint(ks[1], (2, N_EDGES), 0, N_NODES, dtype=jnp.int64)
    # SAGEConv (mean aggregator) params: fc_self + fc_neigh + bias, per layer
    s1 = 1.0 / np.sqrt(IN_DIM)
    W1_self = jax.random.uniform(ks[2], (IN_DIM, H1), jnp.float32, -s1, s1)
    W1_neigh = jax.random.uniform(ks[3], (IN_DIM, H1), jnp.float32, -s1, s1)
    b1 = jnp.zeros((H1,), dtype=jnp.float32)
    s2 = 1.0 / np.sqrt(H1)
    W2_self = jax.random.uniform(ks[4], (H1, H2), jnp.float32, -s2, s2)
    W2_neigh = jax.random.uniform(ks[5], (H1, H2), jnp.float32, -s2, s2)
    b2 = jnp.zeros((H2,), dtype=jnp.float32)
    return {"features": features, "edge_index": edge_index,
            "W1_self": W1_self, "W1_neigh": W1_neigh, "b1": b1,
            "W2_self": W2_self, "W2_neigh": W2_neigh, "b2": b2}


def _sage_conv(x, src, dst, W_self, W_neigh, b):
    # mean aggregation over incoming neighbors (dst receives from src)
    msg = jnp.take(x, src, axis=0)                      # gather [E, d]
    agg = jax.ops.segment_sum(msg, dst, num_segments=N_NODES)
    deg = jax.ops.segment_sum(jnp.ones((msg.shape[0],), dtype=x.dtype), dst, num_segments=N_NODES)
    h_neigh = agg / jnp.maximum(deg, 1.0)[:, None]
    h = x @ W_self + h_neigh @ W_neigh + b
    return jax.nn.relu(h)


def reference(features, edge_index, W1_self, W1_neigh, b1, W2_self, W2_neigh, b2):
    src = edge_index[0]
    dst = edge_index[1]
    h = _sage_conv(features, src, dst, W1_self, W1_neigh, b1)
    # dropout with p=0.0 is identity (eval-mode faithful)
    z = _sage_conv(h, src, dst, W2_self, W2_neigh, b2)
    adj_rec = jax.nn.sigmoid(z @ z.T)
    return adj_rec

if __name__ == "__main__":
    import jax
    _d = setup_inputs()
    print(jax.jit(kernel)(*tuple(_d.values())))

</pallas_src>

<mosaic_0001>
#map = affine_map<(d0, d1) -> (0, 0)>
#map1 = affine_map<(d0, d1) -> (0, 0, 0)>
#map2 = affine_map<(d0, d1) -> (0)>
module attributes {stable_mosaic.version = 14 : i64} {
  func.func @sc_agg(%arg0: i32, %arg1: i32, %arg2: memref<10000x128xf32, #tpu.memory_space<hbm>>, %arg3: memref<32x40x128xi32, #tpu.memory_space<hbm>>, %arg4: memref<32x40x128xi32, #tpu.memory_space<hbm>>, %arg5: memref<10112x128xf32, #tpu.memory_space<hbm>>, %arg6: memref<10112xf32, #tpu.memory_space<hbm>>, %arg7: memref<2x10112x128xf32, #tpu.memory_space<hbm>>, %arg8: memref<32x10112xf32, #tpu.memory_space<hbm>>, %arg9: memref<40x128xi32, #tpu.memory_space<vmem>>, %arg10: memref<4x128xi32, #tpu.memory_space<vmem>>, %arg11: memref<2x128x128xf32, #tpu.memory_space<vmem>>, %arg12: memref<10112x128xf32, #tpu.memory_space<vmem_shared>>, %arg13: memref<2x!tpu.dma_semaphore, #tpu.memory_space<semaphore_mem>>, %arg14: memref<2x!tpu.dma_semaphore, #tpu.memory_space<semaphore_mem>>, %arg15: memref<4x!tpu.dma_semaphore, #tpu.memory_space<semaphore_mem>>, %arg16: memref<!tpu.dma_semaphore, #tpu.memory_space<semaphore_mem>>, %arg17: memref<10112xf32, #tpu.memory_space<vmem>>) attributes {dimension_semantics = [#tpu.dimension_semantics<core_parallel>, #tpu.dimension_semantics<subcore_parallel>], iteration_bounds = array<i64: 2, 16>, scalar_prefetch = 0 : i64, scratch_operands = 9 : i64, tpu.core_type = #tpu.core_type<sc_vector_subcore>, window_params = [{transform_indices = #map}, {transform_indices = #map1}, {transform_indices = #map1}, {transform_indices = #map}, {transform_indices = #map2}, {transform_indices = #map1}, {transform_indices = #map}]} {
    %mul3A = arith.constant 16 : i32
    %mul3A_0 = arith.muli %arg0, %mul3A : i32
    %add3A = arith.addi %mul3A_0, %arg1 : i32
    %broadcast_in_dim3A = arith.constant 1.000000e+00 : f32
    %broadcast_in_dim3A_1 = vector.broadcast %broadcast_in_dim3A : f32 to vector<16xf32>
    "tpu.trace_start"() <{level = 10 : i32, message = "sc_zero"}> : () -> ()
    %mul3A_2 = arith.constant 632 : i32
    %mul3A_3 = arith.muli %arg1, %mul3A_2 : i32
    %mul3A_4 = arith.constant 632 : i32
    %mul3A_5 = arith.muli %arg1, %mul3A_4 : i32
    %dma_start3A = arith.constant 0 : i32
    %dma_start3A_6 = tpu.memref_slice %arg12[%mul3A_5, %dma_start3A] : memref<10112x128xf32, #tpu.memory_space<vmem_shared>> -> memref<632x128xf32, #tpu.memory_space<vmem_shared>>
    %dma_start3A_7 = arith.constant 0 : i32
    %dma_start3A_8 = tpu.memref_slice %arg5[%mul3A_3, %dma_start3A_7] : memref<10112x128xf32, #tpu.memory_space<hbm>> -> memref<632x128xf32, #tpu.memory_space<hbm>>
    tpu.enqueue_dma source(%dma_start3A_8 : memref<632x128xf32, #tpu.memory_space<hbm>>) target(%dma_start3A_6 : memref<632x128xf32, #tpu.memory_space<vmem_shared>>) target_semaphore(%arg16 : memref<!tpu.dma_semaphore, #tpu.memory_space<semaphore_mem>>)
    "tpu.region"() ({
      %run_scoped3A = tpu.sem_alloc : memref<!tpu.dma_semaphore, #tpu.memory_space<semaphore_mem>>
      %dma_start3A_151 = arith.constant 0 : i32
      %dma_start3A_152 = arith.constant 0 : i32
      %dma_start3A_153 = tpu.memref_slice %arg3[%add3A, %dma_start3A_151, %dma_start3A_152] : memref<32x40x128xi32, #tpu.memory_space<hbm>> -> memref<1x40x128xi32, #tpu.memory_space<hbm>>
      %dma_start3A_154 = tpu.memref_squeeze %dma_start3A_153 : memref<1x40x128xi32, #tpu.memory_space<hbm>> -> memref<40x128xi32, #tpu.memory_space<hbm>>
      %dma_start3A_155 = arith.constant 0 : i32
      %dma_start3A_156 = arith.constant 0 : i32
      %dma_start3A_157 = tpu.memref_slice %arg3[%add3A, %dma_start3A_155, %dma_start3A_156] : memref<32x40x128xi32, #tpu.memory_space<hbm>> -> memref<1x40x128xi32, #tpu.memory_space<hbm>>
      %dma_start3A_158 = tpu.memref_squeeze %dma_start3A_157 : memref<1x40x128xi32, #tpu.memory_space<hbm>> -> memref<40x128xi32, #tpu.memory_space<hbm>>
      tpu.enqueue_dma source(%dma_start3A_158 : memref<40x128xi32, #tpu.memory_space<hbm>>) target(%arg9 : memref<40x128xi32, #tpu.memory_space<vmem>>) target_semaphore(%run_scoped3A : memref<!tpu.dma_semaphore, #tpu.memory_space<semaphore_mem>>)
      %dma_wait3A_159 = arith.constant 0 : i32
      %dma_wait3A_160 = arith.constant 0 : i32
      %dma_wait3A_161 = tpu.memref_slice %arg3[%add3A, %dma_wait3A_159, %dma_wait3A_160] : memref<32x40x128xi32, #tpu.memory_space<hbm>> -> memref<1x40x128xi32, #tpu.memory_space<hbm>>
      %dma_wait3A_162 = tpu.memref_squeeze %dma_wait3A_161 : memref<1x40x128xi32, #tpu.memory_space<hbm>> -> memref<40x128xi32, #tpu.memory_space<hbm>>
      %dma_wait3A_163 = arith.constant 0 : i32
      %dma_wait3A_164 = arith.constant 0 : i32
      %dma_wait3A_165 = tpu.memref_slice %arg3[%add3A, %dma_wait3A_163, %dma_wait3A_164] : memref<32x40x128xi32, #tpu.memory_space<hbm>> -> memref<1x40x128xi32, #tpu.memory_space<hbm>>
      %dma_wait3A_166 = tpu.memref_squeeze %dma_wait3A_165 : memref<1x40x128xi32, #tpu.memory_space<hbm>> -> memref<40x128xi32, #tpu.memory_space<hbm>>
      tpu.wait_dma2 semaphore(%run_scoped3A : memref<!tpu.dma_semaphore, #tpu.memory_space<semaphore_mem>>) src(%dma_wait3A_166 : memref<40x128xi32, #tpu.memory_space<hbm>>) dst(%arg9 : memref<40x128xi32, #tpu.memory_space<vmem>>)
      tpu.yield
    }) : () -> ()
    %dma_start3A_9 = arith.constant 0 : i32
    %dma_start3A_10 = arith.constant 0 : i32
    %dma_start3A_11 = arith.constant 0 : i32
    %dma_start3A_12 = arith.constant 0 : i32
    %dma_start3A_13 = tpu.memref_slice %arg10[%dma_start3A_10, %dma_start3A_12] : memref<4x128xi32, #tpu.memory_space<vmem>> -> memref<1x128xi32, #tpu.memory_space<vmem>>
    %dma_start3A_14 = tpu.memref_squeeze %dma_start3A_13 : memref<1x128xi32, #tpu.memory_space<vmem>> -> memref<128xi32, #tpu.memory_space<vmem>>
    %dma_start3A_15 = arith.constant 0 : i32
    %dma_start3A_16 = arith.constant 0 : i32
    %dma_start3A_17 = tpu.memref_slice %arg4[%add3A, %dma_start3A_15, %dma_start3A_16] : memref<32x40x128xi32, #tpu.memory_space<hbm>> -> memref<1x40x128xi32, #tpu.memory_space<hbm>>
    %dma_start3A_18 = tpu.memref_squeeze %dma_start3A_17 : memref<1x40x128xi32, #tpu.memory_space<hbm>> -> memref<40x128xi32, #tpu.memory_space<hbm>>
    %dma_start3A_19 = arith.constant 0 : i32
    %dma_start3A_20 = tpu.memref_slice %dma_start3A_18[%dma_start3A_9, %dma_start3A_19] : memref<40x128xi32, #tpu.memory_space<hbm>> -> memref<1x128xi32, #tpu.memory_space<hbm>>
    %dma_start3A_21 = tpu.memref_squeeze %dma_start3A_20 : memref<1x128xi32, #tpu.memory_space<hbm>> -> memref<128xi32, #tpu.memory_space<hbm>>
    %dma_start3A_22 = tpu.memref_slice %arg15[%dma_start3A_11] : memref<4x!tpu.dma_semaphore, #tpu.memory_space<semaphore_mem>> -> memref<1x!tpu.dma_semaphore, #tpu.memory_space<semaphore_mem>>
    %dma_start3A_23 = tpu.memref_squeeze %dma_start3A_22 : memref<1x!tpu.dma_semaphore, #tpu.memory_space<semaphore_mem>> -> memref<!tpu.dma_semaphore, #tpu.memory_space<semaphore_mem>>
    %dma_start3A_24 = arith.constant 0 : i32
    %dma_start3A_25 = tpu.memref_slice %arg10[%dma_start3A_10, %dma_start3A_24] : memref<4x128xi32, #tpu.memory_space<vmem>> -> memref<1x128xi32, #tpu.memory_space<vmem>>
    %dma_start3A_26 = tpu.memref_squeeze %dma_start3A_25 : memref<1x128xi32, #tpu.memory_space<vmem>> -> memref<128xi32, #tpu.memory_space<vmem>>
    %dma_start3A_27 = arith.constant 0 : i32
    %dma_start3A_28 = arith.constant 0 : i32
    %dma_start3A_29 = tpu.memref_slice %arg4[%add3A, %dma_start3A_27, %dma_start3A_28] : memref<32x40x128xi32, #tpu.memory_space<hbm>> -> memref<1x40x128xi32, #tpu.memory_space<hbm>>
    %dma_start3A_30 = tpu.memref_squeeze %dma_start3A_29 : memref<1x40x128xi32, #tpu.memory_space<hbm>> -> memref<40x128xi32, #tpu.memory_space<hbm>>
    %dma_start3A_31 = arith.constant 0 : i32
    %dma_start3A_32 = tpu.memref_slice %dma_start3A_30[%dma_start3A_9, %dma_start3A_31] : memref<40x128xi32, #tpu.memory_space<hbm>> -> memref<1x128xi32, #tpu.memory_space<hbm>>
    %dma_start3A_33 = tpu.memref_squeeze %dma_start3A_32 : memref<1x128xi32, #tpu.memory_space<hbm>> -> memref<128xi32, #tpu.memory_space<hbm>>
    tpu.enqueue_dma source(%dma_start3A_33 : memref<128xi32, #tpu.memory_space<hbm>>) target(%dma_start3A_26 : memref<128xi32, #tpu.memory_space<vmem>>) target_semaphore(%dma_start3A_23 : memref<!tpu.dma_semaphore, #tpu.memory_space<semaphore_mem>>)
    %dma_start3A_34 = arith.constant 1 : i32
    %dma_start3A_35 = arith.constant 1 : i32
    %dma_start3A_36 = arith.constant 1 : i32
    %dma_start3A_37 = arith.constant 0 : i32
    %dma_start3A_38 = tpu.memref_slice %arg10[%dma_start3A_35, %dma_start3A_37] : memref<4x128xi32, #tpu.memory_space<vmem>> -> memref<1x128xi32, #tpu.memory_space<vmem>>
    %dma_start3A_39 = tpu.memref_squeeze %dma_start3A_38 : memref<1x128xi32, #tpu.memory_space<vmem>> -> memref<128xi32, #tpu.memory_space<vmem>>
    %dma_start3A_40 = arith.constant 0 : i32
    %dma_start3A_41 = arith.constant 0 : i32
    %dma_start3A_42 = tpu.memref_slice %arg4[%add3A, %dma_start3A_40, %dma_start3A_41] : memref<32x40x128xi32, #tpu.memory_space<hbm>> -> memref<1x40x128xi32, #tpu.memory_space<hbm>>
    %dma_start3A_43 = tpu.memref_squeeze %dma_start3A_42 : memref<1x40x128xi32, #tpu.memory_space<hbm>> -> memref<40x128xi32, #tpu.memory_space<hbm>>
    %dma_start3A_44 = arith.constant 0 : i32
    %dma_start3A_45 = tpu.memref_slice %dma_start3A_43[%dma_start3A_34, %dma_start3A_44] : memref<40x128xi32, #tpu.memory_space<hbm>> -> memref<1x128xi32, #tpu.memory_space<hbm>>
    %dma_start3A_46 = tpu.memref_squeeze %dma_start3A_45 : memref<1x128xi32, #tpu.memory_space<hbm>> -> memref<128xi32, #tpu.memory_space<hbm>>
    %dma_start3A_47 = tpu.memref_slice %arg15[%dma_start3A_36] : memref<4x!tpu.dma_semaphore, #tpu.memory_space<semaphore_mem>> -> memref<1x!tpu.dma_semaphore, #tpu.memory_space<semaphore_mem>>
    %dma_start3A_48 = tpu.memref_squeeze %dma_start3A_47 : memref<1x!tpu.dma_semaphore, #tpu.memory_space<semaphore_mem>> -> memref<!tpu.dma_semaphore, #tpu.memory_space<semaphore_mem>>
    %dma_start3A_49 = arith.constant 0 : i32
    %dma_start3A_50 = tpu.memref_slice %arg10[%dma_start3A_35, %dma_start3A_49] : memref<4x128xi32, #tpu.memory_space<vmem>> -> memref<1x128xi32, #tpu.memory_space<vmem>>
    %dma_start3A_51 = tpu.memref_squeeze %dma_start3A_50 : memref<1x128xi32, #tpu.memory_space<vmem>> -> memref<128xi32, #tpu.memory_space<vmem>>
    %dma_start3A_52 = arith.constant 0 : i32
    %dma_start3A_53 = arith.constant 0 : i32
    %dma_start3A_54 = tpu.memref_slice %arg4[%add3A, %dma_start3A_52, %dma_start3A_53] : memref<32x40x128xi32, #tpu.memory_space<hbm>> -> memref<1x40x128xi32, #tpu.memory_space<hbm>>
    %dma_start3A_55 = tpu.memref_squeeze %dma_start3A_54 : memref<1x40x128xi32, #tpu.memory_space<hbm>> -> memref<40x128xi32, #tpu.memory_space<hbm>>
    %dma_start3A_56 = arith.constant 0 : i32
    %dma_start3A_57 = tpu.memref_slice %dma_start3A_55[%dma_start3A_34, %dma_start3A_56] : memref<40x128xi32, #tpu.memory_space<hbm>> -> memref<1x128xi32, #tpu.memory_space<hbm>>
    %dma_start3A_58 = tpu.memref_squeeze %dma_start3A_57 : memref<1x128xi32, #tpu.memory_space<hbm>> -> memref<128xi32, #tpu.memory_space<hbm>>
    tpu.enqueue_dma source(%dma_start3A_58 : memref<128xi32, #tpu.memory_space<hbm>>) target(%dma_start3A_51 : memref<128xi32, #tpu.memory_space<vmem>>) target_semaphore(%dma_start3A_48 : memref<!tpu.dma_semaphore, #tpu.memory_space<semaphore_mem>>)
    %dma_start3A_59 = arith.constant 2 : i32
    %dma_start3A_60 = arith.constant 2 : i32
    %dma_start3A_61 = arith.constant 2 : i32
    %dma_start3A_62 = arith.constant 0 : i32
    %dma_start3A_63 = tpu.memref_slice %arg10[%dma_start3A_60, %dma_start3A_62] : memref<4x128xi32, #tpu.memory_space<vmem>> -> memref<1x128xi32, #tpu.memory_space<vmem>>
    %dma_start3A_64 = tpu.memref_squeeze %dma_start3A_63 : memref<1x128xi32, #tpu.memory_space<vmem>> -> memref<128xi32, #tpu.memory_space<vmem>>
    %dma_start3A_65 = arith.constant 0 : i32
    %dma_start3A_66 = arith.constant 0 : i32
    %dma_start3A_67 = tpu.memref_slice %arg4[%add3A, %dma_start3A_65, %dma_start3A_66] : memref<32x40x128xi32, #tpu.memory_space<hbm>> -> memref<1x40x128xi32, #tpu.memory_space<hbm>>
    %dma_start3A_68 = tpu.memref_squeeze %dma_start3A_67 : memref<1x40x128xi32, #tpu.memory_space<hbm>> -> memref<40x128xi32, #tpu.memory_space<hbm>>
    %dma_start3A_69 = arith.constant 0 : i32
    %dma_start3A_70 = tpu.memref_slice %dma_start3A_68[%dma_start3A_59, %dma_start3A_69] : memref<40x128xi32, #tpu.memory_space<hbm>> -> memref<1x128xi32, #tpu.memory_space<hbm>>
    %dma_start3A_71 = tpu.memref_squeeze %dma_start3A_70 : memref<1x128xi32, #tpu.memory_space<hbm>> -> memref<128xi32, #tpu.memory_space<hbm>>
    %dma_start3A_72 = tpu.memref_slice %arg15[%dma_start3A_61] : memref<4x!tpu.dma_semaphore, #tpu.memory_space<semaphore_mem>> -> memref<1x!tpu.dma_semaphore, #tpu.memory_space<semaphore_mem>>
    %dma_start3A_73 = tpu.memref_squeeze %dma_start3A_72 : memref<1x!tpu.dma_semaphore, #tpu.memory_space<semaphore_mem>> -> memref<!tpu.dma_semaphore, #tpu.memory_space<semaphore_mem>>
    %dma_start3A_74 = arith.constant 0 : i32
    %dma_start3A_75 = tpu.memref_slice %arg10[%dma_start3A_60, %dma_start3A_74] : memref<4x128xi32, #tpu.memory_space<vmem>> -> memref<1x128xi32, #tpu.memory_space<vmem>>
    %dma_start3A_76 = tpu.memref_squeeze %dma_start3A_75 : memref<1x128xi32, #tpu.memory_space<vmem>> -> memref<128xi32, #tpu.memory_space<vmem>>
    %dma_start3A_77 = arith.constant 0 : i32
    %dma_start3A_78 = arith.constant 0 : i32
    %dma_start3A_79 = tpu.memref_slice %arg4[%add3A, %dma_start3A_77, %dma_start3A_78] : memref<32x40x128xi32, #tpu.memory_space<hbm>> -> memref<1x40x128xi32, #tpu.memory_space<hbm>>
    %dma_start3A_80 = tpu.memref_squeeze %dma_start3A_79 : memref<1x40x128xi32, #tpu.memory_space<hbm>> -> memref<40x128xi32, #tpu.memory_space<hbm>>
    %dma_start3A_81 = arith.constant 0 : i32
    %dma_start3A_82 = tpu.memref_slice %dma_start3A_80[%dma_start3A_59, %dma_start3A_81] : memref<40x128xi32, #tpu.memory_space<hbm>> -> memref<1x128xi32, #tpu.memory_space<hbm>>
    %dma_start3A_83 = tpu.memref_squeeze %dma_start3A_82 : memref<1x128xi32, #tpu.memory_space<hbm>> -> memref<128xi32, #tpu.memory_space<hbm>>
    tpu.enqueue_dma source(%dma_start3A_83 : memref<128xi32, #tpu.memory_space<hbm>>) target(%dma_start3A_76 : memref<128xi32, #tpu.memory_space<vmem>>) target_semaphore(%dma_start3A_73 : memref<!tpu.dma_semaphore, #tpu.memory_space<semaphore_mem>>)
    %dma_start3A_84 = arith.constant 3 : i32
    %dma_start3A_85 = arith.constant 3 : i32
    %dma_start3A_86 = arith.constant 3 : i32
    %dma_start3A_87 = arith.constant 0 : i32
    %dma_start3A_88 = tpu.memref_slice %arg10[%dma_start3A_85, %dma_start3A_87] : memref<4x128xi32, #tpu.memory_space<vmem>> -> memref<1x128xi32, #tpu.memory_space<vmem>>
    %dma_start3A_89 = tpu.memref_squeeze %dma_start3A_88 : memref<1x128xi32, #tpu.memory_space<vmem>> -> memref<128xi32, #tpu.memory_space<vmem>>
    %dma_start3A_90 = arith.constant 0 : i32
    %dma_start3A_91 = arith.constant 0 : i32
    %dma_start3A_92 = tpu.memref_slice %arg4[%add3A, %dma_start3A_90, %dma_start3A_91] : memref<32x40x128xi32, #tpu.memory_space<hbm>> -> memref<1x40x128xi32, #tpu.memory_space<hbm>>
    %dma_start3A_93 = tpu.memref_squeeze %dma_start3A_92 : memref<1x40x128xi32, #tpu.memory_space<hbm>> -> memref<40x128xi32, #tpu.memory_space<hbm>>
    %dma_start3A_94 = arith.constant 0 : i32
    %dma_start3A_95 = tpu.memref_slice %dma_start3A_93[%dma_start3A_84, %dma_start3A_94] : memref<40x128xi32, #tpu.memory_space<hbm>> -> memref<1x128xi32, #tpu.memory_space<hbm>>
    %dma_start3A_96 = tpu.memref_squeeze %dma_start3A_95 : memref<1x128xi32, #tpu.memory_space<hbm>> -> memref<128xi32, #tpu.memory_space<hbm>>
    %dma_start3A_97 = tpu.memref_slice %arg15[%dma_start3A_86] : memref<4x!tpu.dma_semaphore, #tpu.memory_space<semaphore_mem>> -> memref<1x!tpu.dma_semaphore, #tpu.memory_space<semaphore_mem>>
    %dma_start3A_98 = tpu.memref_squeeze %dma_start3A_97 : memref<1x!tpu.dma_semaphore, #tpu.memory_space<semaphore_mem>> -> memref<!tpu.dma_semaphore, #tpu.memory_space<semaphore_mem>>
    %dma_start3A_99 = arith.constant 0 : i32
    %dma_start3A_100 = tpu.memref_slice %arg10[%dma_start3A_85, %dma_start3A_99] : memref<4x128xi32, #tpu.memory_space<vmem>> -> memref<1x128xi32, #tpu.memory_space<vmem>>
    %dma_start3A_101 = tpu.memref_squeeze %dma_start3A_100 : memref<1x128xi32, #tpu.memory_space<vmem>> -> memref<128xi32, #tpu.memory_space<vmem>>
    %dma_start3A_102 = arith.constant 0 : i32
    %dma_start3A_103 = arith.constant 0 : i32
    %dma_start3A_104 = tpu.memref_slice %arg4[%add3A, %dma_start3A_102, %dma_start3A_103] : memref<32x40x128xi32, #tpu.memory_space<hbm>> -> memref<1x40x128xi32, #tpu.memory_space<hbm>>
    %dma_start3A_105 = tpu.memref_squeeze %dma_start3A_104 : memref<1x40x128xi32, #tpu.memory_space<hbm>> -> memref<40x128xi32, #tpu.memory_space<hbm>>
    %dma_start3A_106 = arith.constant 0 : i32
    %dma_start3A_107 = tpu.memref_slice %dma_start3A_105[%dma_start3A_84, %dma_start3A_106] : memref<40x128xi32, #tpu.memory_space<hbm>> -> memref<1x128xi32, #tpu.memory_space<hbm>>
    %dma_start3A_108 = tpu.memref_squeeze %dma_start3A_107 : memref<1x128xi32, #tpu.memory_space<hbm>> -> memref<128xi32, #tpu.memory_space<hbm>>
    tpu.enqueue_dma source(%dma_start3A_108 : memref<128xi32, #tpu.memory_space<hbm>>) target(%dma_start3A_101 : memref<128xi32, #tpu.memory_space<vmem>>) target_semaphore(%dma_start3A_98 : memref<!tpu.dma_semaphore, #tpu.memory_space<semaphore_mem>>)
    %dma_start3A_109 = arith.constant 0 : i32
    %dma_start3A_110 = arith.constant 0 : i32
    %dma_start3A_111 = arith.constant 0 : i32
    %dma_start3A_112 = arith.constant 0 : i32
    %dma_start3A_113 = arith.constant 0 : i32
    %dma_start3A_114 = tpu.memref_slice %arg11[%dma_start3A_110, %dma_start3A_112, %dma_start3A_113] : memref<2x128x128xf32, #tpu.memory_space<vmem>> -> memref<1x128x128xf32, #tpu.memory_space<vmem>>
    %dma_start3A_115 = tpu.memref_squeeze %dma_start3A_114 : memref<1x128x128xf32, #tpu.memory_space<vmem>> -> memref<128x128xf32, #tpu.memory_space<vmem>>
    %dma_start3A_116 = arith.constant 0 : i32
    %dma_start3A_117 = tpu.memref_slice %arg9[%dma_start3A_109, %dma_start3A_116] : memref<40x128xi32, #tpu.memory_space<vmem>> -> memref<1x128xi32, #tpu.memory_space<vmem>>
    %dma_start3A_118 = tpu.memref_squeeze %dma_start3A_117 : memref<1x128xi32, #tpu.memory_space<vmem>> -> memref<128xi32, #tpu.memory_space<vmem>>
    %dma_start3A_119 = arith.constant 0 : i32
    %dma_start3A_120 = arith.constant 0 : i32
    %dma_start3A_121 = tpu.memref_slice %arg2[%dma_start3A_119, %dma_start3A_120] : memref<10000x128xf32, #tpu.memory_space<hbm>> -> memref<10000x128xf32, #tpu.memory_space<hbm>>
    %dma_start3A_122 = tpu.memref_slice %arg13[%dma_start3A_111] : memref<2x!tpu.dma_semaphore, #tpu.memory_space<semaphore_mem>> -> memref<1x!tpu.dma_semaphore, #tpu.memory_space<semaphore_mem>>
    %dma_start3A_123 = tpu.memref_squeeze %dma_start3A_122 : memref<1x!tpu.dma_semaphore, #tpu.memory_space<semaphore_mem>> -> memref<!tpu.dma_semaphore, #tpu.memory_space<semaphore_mem>>
    tpu.enqueue_indirect_dma source(%dma_start3A_121 : memref<10000x128xf32, #tpu.memory_space<hbm>>) target(%dma_start3A_115 : memref<128x128xf32, #tpu.memory_space<vmem>>) offsets(%dma_start3A_118 : memref<128xi32, #tpu.memory_space<vmem>>) semaphore(%dma_start3A_123 : memref<!tpu.dma_semaphore, #tpu.memory_space<semaphore_mem>>)
    %dma_start3A_124 = arith.constant 1 : i32
    %dma_start3A_125 = arith.constant 1 : i32
    %dma_start3A_126 = arith.constant 1 : i32
    %dma_start3A_127 = arith.constant 0 : i32
    %dma_start3A_128 = arith.constant 0 : i32
    %dma_start3A_129 = tpu.memref_slice %arg11[%dma_start3A_125, %dma_start3A_127, %dma_start3A_128] : memref<2x128x128xf32, #tpu.memory_space<vmem>> -> memref<1x128x128xf32, #tpu.memory_space<vmem>>
    %dma_start3A_130 = tpu.memref_squeeze %dma_start3A_129 : memref<1x128x128xf32, #tpu.memory_space<vmem>> -> memref<128x128xf32, #tpu.memory_space<vmem>>
    %dma_start3A_131 = arith.constant 0 : i32
    %dma_start3A_132 = tpu.memref_slice %arg9[%dma_start3A_124, %dma_start3A_131] : memref<40x128xi32, #tpu.memory_space<vmem>> -> memref<1x128xi32, #tpu.memory_space<vmem>>
    %dma_start3A_133 = tpu.memref_squeeze %dma_start3A_132 : memref<1x128xi32, #tpu.memory_space<vmem>> -> memref<128xi32, #tpu.memory_space<vmem>>
    %dma_start3A_134 = arith.constant 0 : i32
    %dma_start3A_135 = arith.constant 0 : i32
    %dma_start3A_136 = tpu.memref_slice %arg2[%dma_start3A_134, %dma_start3A_135] : memref<10000x128xf32, #tpu.memory_space<hbm>> -> memref<10000x128xf32, #tpu.memory_space<hbm>>
    %dma_start3A_137 = tpu.memref_slice %arg13[%dma_start3A_126] : memref<2x!tpu.dma_semaphore, #tpu.memory_space<semaphore_mem>> -> memref<1x!tpu.dma_semaphore, #tpu.memory_space<semaphore_mem>>
    %dma_start3A_138 = tpu.memref_squeeze %dma_start3A_137 : memref<1x!tpu.dma_semaphore, #tpu.memory_space<semaphore_mem>> -> memref<!tpu.dma_semaphore, #tpu.memory_space<semaphore_mem>>
    tpu.enqueue_indirect_dma source(%dma_start3A_136 : memref<10000x128xf32, #tpu.memory_space<hbm>>) target(%dma_start3A_130 : memref<128x128xf32, #tpu.memory_space<vmem>>) offsets(%dma_start3A_133 : memref<128xi32, #tpu.memory_space<vmem>>) semaphore(%dma_start3A_138 : memref<!tpu.dma_semaphore, #tpu.memory_space<semaphore_mem>>)
    "tpu.region"() ({
      %run_scoped3A = tpu.sem_alloc : memref<!tpu.dma_semaphore, #tpu.memory_space<semaphore_mem>>
      tpu.enqueue_dma source(%arg6 : memref<10112xf32, #tpu.memory_space<hbm>>) target(%arg17 : memref<10112xf32, #tpu.memory_space<vmem>>) target_semaphore(%run_scoped3A : memref<!tpu.dma_semaphore, #tpu.memory_space<semaphore_mem>>)
      tpu.wait_dma2 semaphore(%run_scoped3A : memref<!tpu.dma_semaphore, #tpu.memory_space<semaphore_mem>>) src(%arg6 : memref<10112xf32, #tpu.memory_space<hbm>>) dst(%arg17 : memref<10112xf32, #tpu.memory_space<vmem>>)
      tpu.yield
    }) : () -> ()
    %dma_wait3A = arith.constant 0 : i32
    %dma_wait3A_139 = tpu.memref_slice %arg12[%mul3A_5, %dma_wait3A] : memref<10112x128xf32, #tpu.memory_space<vmem_shared>> -> memref<632x128xf32, #tpu.memory_space<vmem_shared>>
    %dma_wait3A_140 = arith.constant 0 : i32
    %dma_wait3A_141 = tpu.memref_slice %arg5[%mul3A_3, %dma_wait3A_140] : memref<10112x128xf32, #tpu.memory_space<hbm>> -> memref<632x128xf32, #tpu.memory_space<hbm>>
    tpu.wait_dma2 semaphore(%arg16 : memref<!tpu.dma_semaphore, #tpu.memory_space<semaphore_mem>>) src(%dma_wait3A_141 : memref<632x128xf32, #tpu.memory_space<hbm>>) dst(%dma_wait3A_139 : memref<632x128xf32, #tpu.memory_space<vmem_shared>>)
    %barrier3A = arith.constant 0 : index
    tpu.barrier barrier_id(%barrier3A)
    "tpu.trace_stop"() : () -> ()
    "tpu.trace_start"() <{level = 10 : i32, message = "sc_mainloop"}> : () -> ()
    %scan3A = arith.constant 0 : i32
    %scan3A_142 = arith.constant 10 : i32
    %scan3A_143 = arith.addi %scan3A, %scan3A_142 : i32
    %scan3A_144 = arith.constant 1 : i32
    scf.for %scan3A_151 = %scan3A to %scan3A_143 step %scan3A_144  : i32 {
      %mul3A_152 = arith.constant 4 : i32
      %mul3A_153 = arith.muli %scan3A_151, %mul3A_152 : i32
      %add3A_154 = arith.constant 0 : i32
      %add3A_155 = arith.addi %mul3A_153, %add3A_154 : i32
      %dma_wait3A_156 = arith.constant 0 : i32
      %dma_wait3A_157 = arith.constant 0 : i32
      %dma_wait3A_158 = arith.constant 0 : i32
      %dma_wait3A_159 = arith.constant 0 : i32
      %dma_wait3A_160 = tpu.memref_slice %arg11[%dma_wait3A_156, %dma_wait3A_158, %dma_wait3A_159] : memref<2x128x128xf32, #tpu.memory_space<vmem>> -> memref<1x128x128xf32, #tpu.memory_space<vmem>>
      %dma_wait3A_161 = tpu.memref_squeeze %dma_wait3A_160 : memref<1x128x128xf32, #tpu.memory_space<vmem>> -> memref<128x128xf32, #tpu.memory_space<vmem>>
      %dma_wait3A_162 = arith.constant 0 : i32
      %dma_wait3A_163 = tpu.memref_slice %arg9[%add3A_155, %dma_wait3A_162] : memref<40x128xi32, #tpu.memory_space<vmem>> -> memref<1x128xi32, #tpu.memory_space<vmem>>
      %dma_wait3A_164 = tpu.memref_squeeze %dma_wait3A_163 : memref<1x128xi32, #tpu.memory_space<vmem>> -> memref<128xi32, #tpu.memory_space<vmem>>
      %dma_wait3A_165 = arith.constant 0 : i32
      %dma_wait3A_166 = arith.constant 0 : i32
      %dma_wait3A_167 = tpu.memref_slice %arg2[%dma_wait3A_165, %dma_wait3A_166] : memref<10000x128xf32, #tpu.memory_space<hbm>> -> memref<10000x128xf32, #tpu.memory_space<hbm>>
      %dma_wait3A_168 = tpu.memref_slice %arg13[%dma_wait3A_157] : memref<2x!tpu.dma_semaphore, #tpu.memory_space<semaphore_mem>> -> memref<1x!tpu.dma_semaphore, #tpu.memory_space<semaphore_mem>>
      %dma_wait3A_169 = tpu.memref_squeeze %dma_wait3A_168 : memref<1x!tpu.dma_semaphore, #tpu.memory_space<semaphore_mem>> -> memref<!tpu.dma_semaphore, #tpu.memory_space<semaphore_mem>>
      tpu.wait_indirect_dma semaphore(%dma_wait3A_169 : memref<!tpu.dma_semaphore, #tpu.memory_space<semaphore_mem>>) src(%dma_wait3A_167 : memref<10000x128xf32, #tpu.memory_space<hbm>>) dst(%dma_wait3A_161 : memref<128x128xf32, #tpu.memory_space<vmem>>)
      %dma_wait3A_170 = arith.constant 0 : i32
      %dma_wait3A_171 = arith.constant 0 : i32
      %dma_wait3A_172 = arith.constant 0 : i32
      %dma_wait3A_173 = tpu.memref_slice %arg10[%dma_wait3A_170, %dma_wait3A_172] : memref<4x128xi32, #tpu.memory_space<vmem>> -> memref<1x128xi32, #tpu.memory_space<vmem>>
      %dma_wait3A_174 = tpu.memref_squeeze %dma_wait3A_173 : memref<1x128xi32, #tpu.memory_space<vmem>> -> memref<128xi32, #tpu.memory_space<vmem>>
      %dma_wait3A_175 = arith.constant 0 : i32
      %dma_wait3A_176 = arith.constant 0 : i32
      %dma_wait3A_177 = tpu.memref_slice %arg4[%add3A, %dma_wait3A_175, %dma_wait3A_176] : memref<32x40x128xi32, #tpu.memory_space<hbm>> -> memref<1x40x128xi32, #tpu.memory_space<hbm>>
      %dma_wait3A_178 = tpu.memref_squeeze %dma_wait3A_177 : memref<1x40x128xi32, #tpu.memory_space<hbm>> -> memref<40x128xi32, #tpu.memory_space<hbm>>
      %dma_wait3A_179 = arith.constant 0 : i32
      %dma_wait3A_180 = tpu.memref_slice %dma_wait3A_178[%add3A_155, %dma_wait3A_179] : memref<40x128xi32, #tpu.memory_space<hbm>> -> memref<1x128xi32, #tpu.memory_space<hbm>>
      %dma_wait3A_181 = tpu.memref_squeeze %dma_wait3A_180 : memref<1x128xi32, #tpu.memory_space<hbm>> -> memref<128xi32, #tpu.memory_space<hbm>>
      %dma_wait3A_182 = tpu.memref_slice %arg15[%dma_wait3A_171] : memref<4x!tpu.dma_semaphore, #tpu.memory_space<semaphore_mem>> -> memref<1x!tpu.dma_semaphore, #tpu.memory_space<semaphore_mem>>
      %dma_wait3A_183 = tpu.memref_squeeze %dma_wait3A_182 : memref<1x!tpu.dma_semaphore, #tpu.memory_space<semaphore_mem>> -> memref<!tpu.dma_semaphore, #tpu.memory_space<semaphore_mem>>
      %dma_wait3A_184 = arith.constant 0 : i32
      %dma_wait3A_185 = tpu.memref_slice %arg10[%dma_wait3A_170, %dma_wait3A_184] : memref<4x128xi32, #tpu.memory_space<vmem>> -> memref<1x128xi32, #tpu.memory_space<vmem>>
      %dma_wait3A_186 = tpu.memref_squeeze %dma_wait3A_185 : memref<1x128xi32, #tpu.memory_space<vmem>> -> memref<128xi32, #tpu.memory_space<vmem>>
      %dma_wait3A_187 = arith.constant 0 : i32
      %dma_wait3A_188 = arith.constant 0 : i32
      %dma_wait3A_189 = tpu.memref_slice %arg4[%add3A, %dma_wait3A_187, %dma_wait3A_188] : memref<32x40x128xi32, #tpu.memory_space<hbm>> -> memref<1x40x128xi32, #tpu.memory_space<hbm>>
      %dma_wait3A_190 = tpu.memref_squeeze %dma_wait3A_189 : memref<1x40x128xi32, #tpu.memory_space<hbm>> -> memref<40x128xi32, #tpu.memory_space<hbm>>
      %dma_wait3A_191 = arith.constant 0 : i32
      %dma_wait3A_192 = tpu.memref_slice %dma_wait3A_190[%add3A_155, %dma_wait3A_191] : memref<40x128xi32, #tpu.memory_space<hbm>> -> memref<1x128xi32, #tpu.memory_space<hbm>>
      %dma_wait3A_193 = tpu.memref_squeeze %dma_wait3A_192 : memref<1x128xi32, #tpu.memory_space<hbm>> -> memref<128xi32, #tpu.memory_space<hbm>>
      tpu.wait_dma2 semaphore(%dma_wait3A_183 : memref<!tpu.dma_semaphore, #tpu.memory_space<semaphore_mem>>) src(%dma_wait3A_193 : memref<128xi32, #tpu.memory_space<hbm>>) dst(%dma_wait3A_186 : memref<128xi32, #tpu.memory_space<vmem>>)
      %dma_start3A_194 = arith.constant 0 : i32
      %dma_start3A_195 = arith.constant 0 : i32
      %dma_start3A_196 = arith.constant 0 : i32
      %dma_start3A_197 = arith.constant 0 : i32
      %dma_start3A_198 = arith.constant 0 : i32
      %dma_start3A_199 = tpu.memref_slice %arg11[%dma_start3A_194, %dma_start3A_197, %dma_start3A_198] : memref<2x128x128xf32, #tpu.memory_space<vmem>> -> memref<1x128x128xf32, #tpu.memory_space<vmem>>
      %dma_start3A_200 = tpu.memref_squeeze %dma_start3A_199 : memref<1x128x128xf32, #tpu.memory_space<vmem>> -> memref<128x128xf32, #tpu.memory_space<vmem>>
      %dma_start3A_201 = arith.constant 0 : i32
      %dma_start3A_202 = tpu.memref_slice %arg10[%dma_start3A_195, %dma_start3A_201] : memref<4x128xi32, #tpu.memory_space<vmem>> -> memref<1x128xi32, #tpu.memory_space<vmem>>
      %dma_start3A_203 = tpu.memref_squeeze %dma_start3A_202 : memref<1x128xi32, #tpu.memory_space<vmem>> -> memref<128xi32, #tpu.memory_space<vmem>>
      %dma_start3A_204 = arith.constant 0 : i32
      %dma_start3A_205 = arith.constant 0 : i32
      %dma_start3A_206 = tpu.memref_slice %arg12[%dma_start3A_204, %dma_start3A_205] : memref<10112x128xf32, #tpu.memory_space<vmem_shared>> -> memref<10112x128xf32, #tpu.memory_space<vmem_shared>>
      %dma_start3A_207 = tpu.memref_slice %arg14[%dma_start3A_196] : memref<2x!tpu.dma_semaphore, #tpu.memory_space<semaphore_mem>> -> memref<1x!tpu.dma_semaphore, #tpu.memory_space<semaphore_mem>>
      %dma_start3A_208 = tpu.memref_squeeze %dma_start3A_207 : memref<1x!tpu.dma_semaphore, #tpu.memory_space<semaphore_mem>> -> memref<!tpu.dma_semaphore, #tpu.memory_space<semaphore_mem>>
      tpu.enqueue_indirect_dma source(%dma_start3A_200 : memref<128x128xf32, #tpu.memory_space<vmem>>) target(%dma_start3A_206 : memref<10112x128xf32, #tpu.memory_space<vmem_shared>>) offsets(%dma_start3A_203 : memref<128xi32, #tpu.memory_space<vmem>>) semaphore(%dma_start3A_208 : memref<!tpu.dma_semaphore, #tpu.memory_space<semaphore_mem>>) {add = true}
      %get3A = arith.constant 0 : i32
      %get3A_209 = arith.index_cast %get3A : i32 to index
      %get3A_210 = arith.constant 0 : index
      %get3A_211 = tpu.vector_load %arg10[%get3A_209, %get3A_210] {strides = array<i32>} : memref<4x128xi32, #tpu.memory_space<vmem>>, vector<16xi32>,
      tpu.vector_store_idx %arg17[%get3A_211], %broadcast_in_dim3A_1 {add = true} : memref<10112xf32, #tpu.memory_space<vmem>>[vector<16xi32>], vector<16xf32>,
      %get3A_212 = arith.constant 0 : i32
      %get3A_213 = arith.index_cast %get3A_212 : i32 to index
      %get3A_214 = arith.constant 16 : index
      %get3A_215 = tpu.vector_load %arg10[%get3A_213, %get3A_214] {strides = array<i32>} : memref<4x128xi32, #tpu.memory_space<vmem>>, vector<16xi32>,
      tpu.vector_store_idx %arg17[%get3A_215], %broadcast_in_dim3A_1 {add = true} : memref<10112xf32, #tpu.memory_space<vmem>>[vector<16xi32>], vector<16xf32>,
      %get3A_216 = arith.constant 0 : i32
      %get3A_217 = arith.index_cast %get3A_216 : i32 to index
      %get3A_218 = arith.constant 32 : index
      %get3A_219 = tpu.vector_load %arg10[%get3A_217, %get3A_218] {strides = array<i32>} : memref<4x128xi32, #tpu.memory_space<vmem>>, vector<16xi32>,
      tpu.vector_store_idx %arg17[%get3A_219], %broadcast_in_dim3A_1 {add = true} : memref<10112xf32, #tpu.memory_space<vmem>>[vector<16xi32>], vector<16xf32>,
      %get3A_220 = arith.constant 0 : i32
      %get3A_221 = arith.index_cast %get3A_220 : i32 to index
      %get3A_222 = arith.constant 48 : index
      %get3A_223 = tpu.vector_load %arg10[%get3A_221, %get3A_222] {strides = array<i32>} : memref<4x128xi32, #tpu.memory_space<vmem>>, vector<16xi32>,
      tpu.vector_store_idx %arg17[%get3A_223], %broadcast_in_dim3A_1 {add = true} : memref<10112xf32, #tpu.memory_space<vmem>>[vector<16xi32>], vector<16xf32>,
      %get3A_224 = arith.constant 0 : i32
      %get3A_225 = arith.index_cast %get3A_224 : i32 to index
      %get3A_226 = arith.constant 64 : index
      %get3A_227 = tpu.vector_load %arg10[%get3A_225, %get3A_226] {strides = array<i32>} : memref<4x128xi32, #tpu.memory_space<vmem>>, vector<16xi32>,
      tpu.vector_store_idx %arg17[%get3A_227], %broadcast_in_dim3A_1 {add = true} : memref<10112xf32, #tpu.memory_space<vmem>>[vector<16xi32>], vector<16xf32>,
      %get3A_228 = arith.constant 0 : i32
      %get3A_229 = arith.index_cast %get3A_228 : i32 to index
      %get3A_230 = arith.constant 80 : index
      %get3A_231 = tpu.vector_load %arg10[%get3A_229, %get3A_230] {strides = array<i32>} : memref<4x128xi32, #tpu.memory_space<vmem>>, vector<16xi32>,
      tpu.vector_store_idx %arg17[%get3A_231], %broadcast_in_dim3A_1 {add = true} : memref<10112xf32, #tpu.memory_space<vmem>>[vector<16xi32>], vector<16xf32>,
      %get3A_232 = arith.constant 0 : i32
      %get3A_233 = arith.index_cast %get3A_232 : i32 to index
      %get3A_234 = arith.constant 96 : index
      %get3A_235 = tpu.vector_load %arg10[%get3A_233, %get3A_234] {strides = array<i32>} : memref<4x128xi32, #tpu.memory_space<vmem>>, vector<16xi32>,
      tpu.vector_store_idx %arg17[%get3A_235], %broadcast_in_dim3A_1 {add = true} : memref<10112xf32, #tpu.memory_space<vmem>>[vector<16xi32>], vector<16xf32>,
      %get3A_236 = arith.constant 0 : i32
      %get3A_237 = arith.index_cast %get3A_236 : i32 to index
      %get3A_238 = arith.constant 112 : index
      %get3A_239 = tpu.vector_load %arg10[%get3A_237, %get3A_238] {strides = array<i32>} : memref<4x128xi32, #tpu.memory_space<vmem>>, vector<16xi32>,
      tpu.vector_store_idx %arg17[%get3A_239], %broadcast_in_dim3A_1 {add = true} : memref<10112xf32, #tpu.memory_space<vmem>>[vector<16xi32>], vector<16xf32>,
      %dma_wait3A_240 = arith.constant 0 : i32
      %dma_wait3A_241 = arith.constant 0 : i32
      %dma_wait3A_242 = arith.constant 0 : i32
      %dma_wait3A_243 = arith.constant 0 : i32
      %dma_wait3A_244 = arith.constant 0 : i32
      %dma_wait3A_245 = tpu.memref_slice %arg11[%dma_wait3A_240, %dma_wait3A_243, %dma_wait3A_244] : memref<2x128x128xf32, #tpu.memory_space<vmem>> -> memref<1x128x128xf32, #tpu.memory_space<vmem>>
      %dma_wait3A_246 = tpu.memref_squeeze %dma_wait3A_245 : memref<1x128x128xf32, #tpu.memory_space<vmem>> -> memref<128x128xf32, #tpu.memory_space<vmem>>
      %dma_wait3A_247 = arith.constant 0 : i32
      %dma_wait3A_248 = tpu.memref_slice %arg10[%dma_wait3A_241, %dma_wait3A_247] : memref<4x128xi32, #tpu.memory_space<vmem>> -> memref<1x128xi32, #tpu.memory_space<vmem>>
      %dma_wait3A_249 = tpu.memref_squeeze %dma_wait3A_248 : memref<1x128xi32, #tpu.memory_space<vmem>> -> memref<128xi32, #tpu.memory_space<vmem>>
      %dma_wait3A_250 = arith.constant 0 : i32
      %dma_wait3A_251 = arith.constant 0 : i32
      %dma_wait3A_252 = tpu.memref_slice %arg12[%dma_wait3A_250, %dma_wait3A_251] : memref<10112x128xf32, #tpu.memory_space<vmem_shared>> -> memref<10112x128xf32, #tpu.memory_space<vmem_shared>>
      %dma_wait3A_253 = tpu.memref_slice %arg14[%dma_wait3A_242] : memref<2x!tpu.dma_semaphore, #tpu.memory_space<semaphore_mem>> -> memref<1x!tpu.dma_semaphore, #tpu.memory_space<semaphore_mem>>
      %dma_wait3A_254 = tpu.memref_squeeze %dma_wait3A_253 : memref<1x!tpu.dma_semaphore, #tpu.memory_space<semaphore_mem>> -> memref<!tpu.dma_semaphore, #tpu.memory_space<semaphore_mem>>
      tpu.wait_indirect_dma semaphore(%dma_wait3A_254 : memref<!tpu.dma_semaphore, #tpu.memory_space<semaphore_mem>>) src(%dma_wait3A_246 : memref<128x128xf32, #tpu.memory_space<vmem>>) dst(%dma_wait3A_252 : memref<10112x128xf32, #tpu.memory_space<vmem_shared>>)
      %add3A_255 = arith.constant 4 : i32
      %add3A_256 = arith.addi %add3A_155, %add3A_255 : i32
      %lt3A = arith.constant 40 : i32
      %lt3A_257 = arith.cmpi slt, %add3A_256, %lt3A : i32
      %convert_element_type3A = arith.extui %lt3A_257 : i1 to i32
      %cond3A = arith.constant 0 : i32
      %cond3A_258 = arith.cmpi ne, %convert_element_type3A, %cond3A : i32
      scf.if %cond3A_258 {
        %add3A_620 = arith.constant 4 : i32
        %add3A_621 = arith.addi %add3A_155, %add3A_620 : i32
        %dma_start3A_622 = arith.constant 0 : i32
        %dma_start3A_623 = arith.constant 0 : i32
        %dma_start3A_624 = arith.constant 0 : i32
        %dma_start3A_625 = tpu.memref_slice %arg10[%dma_start3A_622, %dma_start3A_624] : memref<4x128xi32, #tpu.memory_space<vmem>> -> memref<1x128xi32, #tpu.memory_space<vmem>>
        %dma_start3A_626 = tpu.memref_squeeze %dma_start3A_625 : memref<1x128xi32, #tpu.memory_space<vmem>> -> memref<128xi32, #tpu.memory_space<vmem>>
        %dma_start3A_627 = arith.constant 0 : i32
        %dma_start3A_628 = arith.constant 0 : i32
        %dma_start3A_629 = tpu.memref_slice %arg4[%add3A, %dma_start3A_627, %dma_start3A_628] : memref<32x40x128xi32, #tpu.memory_space<hbm>> -> memref<1x40x128xi32, #tpu.memory_space<hbm>>
        %dma_start3A_630 = tpu.memref_squeeze %dma_start3A_629 : memref<1x40x128xi32, #tpu.memory_space<hbm>> -> memref<40x128xi32, #tpu.memory_space<hbm>>
        %dma_start3A_631 = arith.constant 0 : i32
        %dma_start3A_632 = tpu.memref_slice %dma_start3A_630[%add3A_621, %dma_start3A_631] : memref<40x128xi32, #tpu.memory_space<hbm>> -> memref<1x128xi32, #tpu.memory_space<hbm>>
        %dma_start3A_633 = tpu.memref_squeeze %dma_start3A_632 : memref<1x128xi32, #tpu.memory_space<hbm>> -> memref<128xi32, #tpu.memory_space<hbm>>
        %dma_start3A_634 = tpu.memref_slice %arg15[%dma_start3A_623] : memref<4x!tpu.dma_semaphore, #tpu.memory_space<semaphore_mem>> -> memref<1x!tpu.dma_semaphore, #tpu.memory_space<semaphore_mem>>
        %dma_start3A_635 = tpu.memref_squeeze %dma_start3A_634 : memref<1x!tpu.dma_semaphore, #tpu.memory_space<semaphore_mem>> -> memref<!tpu.dma_semaphore, #tpu.memory_space<semaphore_mem>>
        %dma_start3A_636 = arith.constant 0 : i32
        %dma_start3A_637 = tpu.memref_slice %arg10[%dma_start3A_622, %dma_start3A_636] : memref<4x128xi32, #tpu.memory_space<vmem>> -> memref<1x128xi32, #tpu.memory_space<vmem>>
        %dma_start3A_638 = tpu.memref_squeeze %dma_start3A_637 : memref<1x128xi32, #tpu.memory_space<vmem>> -> memref<128xi32, #tpu.memory_space<vmem>>
        %dma_start3A_639 = arith.constant 0 : i32
        %dma_start3A_640 = arith.constant 0 : i32
        %dma_start3A_641 = tpu.memref_slice %arg4[%add3A, %dma_start3A_639, %dma_start3A_640] : memref<32x40x128xi32, #tpu.memory_space<hbm>> -> memref<1x40x128xi32, #tpu.memory_space<hbm>>
        %dma_start3A_642 = tpu.memref_squeeze %dma_start3A_641 : memref<1x40x128xi32, #tpu.memory_space<hbm>> -> memref<40x128xi32, #tpu.memory_space<hbm>>
        %dma_start3A_643 = arith.constant 0 : i32
        %dma_start3A_644 = tpu.memref_slice %dma_start3A_642[%add3A_621, %dma_start3A_643] : memref<40x128xi32, #tpu.memory_space<hbm>> -> memref<1x128xi32, #tpu.memory_space<hbm>>
        %dma_start3A_645 = tpu.memref_squeeze %dma_start3A_644 : memref<1x128xi32, #tpu.memory_space<hbm>> -> memref<128xi32, #tpu.memory_space<hbm>>
        tpu.enqueue_dma source(%dma_start3A_645 : memref<128xi32, #tpu.memory_space<hbm>>) target(%dma_start3A_638 : memref<128xi32, #tpu.memory_space<vmem>>) target_semaphore(%dma_start3A_635 : memref<!tpu.dma_semaphore, #tpu.memory_space<semaphore_mem>>)
      } else {
      }
      %add3A_259 = arith.constant 2 : i32
      %add3A_260 = arith.addi %add3A_155, %add3A_259 : i32
      %lt3A_261 = arith.constant 40 : i32
      %lt3A_262 = arith.cmpi slt, %add3A_260, %lt3A_261 : i32
      %convert_element_type3A_263 = arith.extui %lt3A_262 : i1 to i32
      %cond3A_264 = arith.constant 0 : i32
      %cond3A_265 = arith.cmpi ne, %convert_element_type3A_263, %cond3A_264 : i32
      scf.if %cond3A_265 {
        %add3A_620 = arith.constant 2 : i32
        %add3A_621 = arith.addi %add3A_155, %add3A_620 : i32
        %dma_start3A_622 = arith.constant 0 : i32
        %dma_start3A_623 = arith.constant 0 : i32
        %dma_start3A_624 = arith.constant 0 : i32
        %dma_start3A_625 = arith.constant 0 : i32
        %dma_start3A_626 = tpu.memref_slice %arg11[%dma_start3A_622, %dma_start3A_624, %dma_start3A_625] : memref<2x128x128xf32, #tpu.memory_space<vmem>> -> memref<1x128x128xf32, #tpu.memory_space<vmem>>
        %dma_start3A_627 = tpu.memref_squeeze %dma_start3A_626 : memref<1x128x128xf32, #tpu.memory_space<vmem>> -> memref<128x128xf32, #tpu.memory_space<vmem>>
        %dma_start3A_628 = arith.constant 0 : i32
        %dma_start3A_629 = tpu.memref_slice %arg9[%add3A_621, %dma_start3A_628] : memref<40x128xi32, #tpu.memory_space<vmem>> -> memref<1x128xi32, #tpu.memory_space<vmem>>
        %dma_start3A_630 = tpu.memref_squeeze %dma_start3A_629 : memref<1x128xi32, #tpu.memory_space<vmem>> -> memref<128xi32, #tpu.memory_space<vmem>>
        %dma_start3A_631 = arith.constant 0 : i32
        %dma_start3A_632 = arith.constant 0 : i32
        %dma_start3A_633 = tpu.memref_slice %arg2[%dma_start3A_631, %dma_start3A_632] : memref<10000x128xf32, #tpu.memory_space<hbm>> -> memref<10000x128xf32, #tpu.memory_space<hbm>>
        %dma_start3A_634 = tpu.memref_slice %arg13[%dma_start3A_623] : memref<2x!tpu.dma_semaphore, #tpu.memory_space<semaphore_mem>> -> memref<1x!tpu.dma_semaphore, #tpu.memory_space<semaphore_mem>>
        %dma_start3A_635 = tpu.memref_squeeze %dma_start3A_634 : memref<1x!tpu.dma_semaphore, #tpu.memory_space<semaphore_mem>> -> memref<!tpu.dma_semaphore, #tpu.memory_space<semaphore_mem>>
        tpu.enqueue_indirect_dma source(%dma_start3A_633 : memref<10000x128xf32, #tpu.memory_space<hbm>>) target(%dma_start3A_627 : memref<128x128xf32, #tpu.memory_space<vmem>>) offsets(%dma_start3A_630 : memref<128xi32, #tpu.memory_space<vmem>>) semaphore(%dma_start3A_635 : memref<!tpu.dma_semaphore, #tpu.memory_space<semaphore_mem>>)
      } else {
      }
      %mul3A_266 = arith.constant 4 : i32
      %mul3A_267 = arith.muli %scan3A_151, %mul3A_266 : i32
      %add3A_268 = arith.constant 1 : i32
      %add3A_269 = arith.addi %mul3A_267, %add3A_268 : i32
      %dma_wait3A_270 = arith.constant 1 : i32
      %dma_wait3A_271 = arith.constant 1 : i32
      %dma_wait3A_272 = arith.constant 0 : i32
      %dma_wait3A_273 = arith.constant 0 : i32
      %dma_wait3A_274 = tpu.memref_slice %arg11[%dma_wait3A_270, %dma_wait3A_272, %dma_wait3A_273] : memref<2x128x128xf32, #tpu.memory_space<vmem>> -> memref<1x128x128xf32, #tpu.memory_space<vmem>>
      %dma_wait3A_275 = tpu.memref_squeeze %dma_wait3A_274 : memref<1x128x128xf32, #tpu.memory_space<vmem>> -> memref<128x128xf32, #tpu.memory_space<vmem>>
      %dma_wait3A_276 = arith.constant 0 : i32
      %dma_wait3A_277 = tpu.memref_slice %arg9[%add3A_269, %dma_wait3A_276] : memref<40x128xi32, #tpu.memory_space<vmem>> -> memref<1x128xi32, #tpu.memory_space<vmem>>
      %dma_wait3A_278 = tpu.memref_squeeze %dma_wait3A_277 : memref<1x128xi32, #tpu.memory_space<vmem>> -> memref<128xi32, #tpu.memory_space<vmem>>
      %dma_wait3A_279 = arith.constant 0 : i32
      %dma_wait3A_280 = arith.constant 0 : i32
      %dma_wait3A_281 = tpu.memref_slice %arg2[%dma_wait3A_279, %dma_wait3A_280] : memref<10000x128xf32, #tpu.memory_space<hbm>> -> memref<10000x128xf32, #tpu.memory_space<hbm>>
      %dma_wait3A_282 = tpu.memref_slice %arg13[%dma_wait3A_271] : memref<2x!tpu.dma_semaphore, #tpu.memory_space<semaphore_mem>> -> memref<1x!tpu.dma_semaphore, #tpu.memory_space<semaphore_mem>>
      %dma_wait3A_283 = tpu.memref_squeeze %dma_wait3A_282 : memref<1x!tpu.dma_semaphore, #tpu.memory_space<semaphore_mem>> -> memref<!tpu.dma_semaphore, #tpu.memory_space<semaphore_mem>>
      tpu.wait_indirect_dma semaphore(%dma_wait3A_283 : memref<!tpu.dma_semaphore, #tpu.memory_space<semaphore_mem>>) src(%dma_wait3A_281 : memref<10000x128xf32, #tpu.memory_space<hbm>>) dst(%dma_wait3A_275 : memref<128x128xf32, #tpu.memory_space<vmem>>)
      %dma_wait3A_284 = arith.constant 1 : i32
      %dma_wait3A_285 = arith.constant 1 : i32
      %dma_wait3A_286 = arith.constant 0 : i32
      %dma_wait3A_287 = tpu.memref_slice %arg10[%dma_wait3A_284, %dma_wait3A_286] : memref<4x128xi32, #tpu.memory_space<vmem>> -> memref<1x128xi32, #tpu.memory_space<vmem>>
      %dma_wait3A_288 = tpu.memref_squeeze %dma_wait3A_287 : memref<1x128xi32, #tpu.memory_space<vmem>> -> memref<128xi32, #tpu.memory_space<vmem>>
      %dma_wait3A_289 = arith.constant 0 : i32
      %dma_wait3A_290 = arith.constant 0 : i32
      %dma_wait3A_291 = tpu.memref_slice %arg4[%add3A, %dma_wait3A_289, %dma_wait3A_290] : memref<32x40x128xi32, #tpu.memory_space<hbm>> -> memref<1x40x128xi32, #tpu.memory_space<hbm>>
      %dma_wait3A_292 = tpu.memref_squeeze %dma_wait3A_291 : memref<1x40x128xi32, #tpu.memory_space<hbm>> -> memref<40x128xi32, #tpu.memory_space<hbm>>
      %dma_wait3A_293 = arith.constant 0 : i32
      %dma_wait3A_294 = tpu.memref_slice %dma_wait3A_292[%add3A_269, %dma_wait3A_293] : memref<40x128xi32, #tpu.memory_space<hbm>> -> memref<1x128xi32, #tpu.memory_space<hbm>>
      %dma_wait3A_295 = tpu.memref_squeeze %dma_wait3A_294 : memref<1x128xi32, #tpu.memory_space<hbm>> -> memref<128xi32, #tpu.memory_space<hbm>>
      %dma_wait3A_296 = tpu.memref_slice %arg15[%dma_wait3A_285] : memref<4x!tpu.dma_semaphore, #tpu.memory_space<semaphore_mem>> -> memref<1x!tpu.dma_semaphore, #tpu.memory_space<semaphore_mem>>
      %dma_wait3A_297 = tpu.memref_squeeze %dma_wait3A_296 : memref<1x!tpu.dma_semaphore, #tpu.memory_space<semaphore_mem>> -> memref<!tpu.dma_semaphore, #tpu.memory_space<semaphore_mem>>
      %dma_wait3A_298 = arith.constant 0 : i32
      %dma_wait3A_299 = tpu.memref_slice %arg10[%dma_wait3A_284, %dma_wait3A_298] : memref<4x128xi32, #tpu.memory_space<vmem>> -> memref<1x128xi32, #tpu.memory_space<vmem>>
      %dma_wait3A_300 = tpu.memref_squeeze %dma_wait3A_299 : memref<1x128xi32, #tpu.memory_space<vmem>> -> memref<128xi32, #tpu.memory_space<vmem>>
      %dma_wait3A_301 = arith.constant 0 : i32
      %dma_wait3A_302 = arith.constant 0 : i32
      %dma_wait3A_303 = tpu.memref_slice %arg4[%add3A, %dma_wait3A_301, %dma_wait3A_302] : memref<32x40x128xi32, #tpu.memory_space<hbm>> -> memref<1x40x128xi32, #tpu.memory_space<hbm>>
      %dma_wait3A_304 = tpu.memref_squeeze %dma_wait3A_303 : memref<1x40x128xi32, #tpu.memory_space<hbm>> -> memref<40x128xi32, #tpu.memory_space<hbm>>
      %dma_wait3A_305 = arith.constant 0 : i32
      %dma_wait3A_306 = tpu.memref_slice %dma_wait3A_304[%add3A_269, %dma_wait3A_305] : memref<40x128xi32, #tpu.memory_space<hbm>> -> memref<1x128xi32, #tpu.memory_space<hbm>>
      %dma_wait3A_307 = tpu.memref_squeeze %dma_wait3A_306 : memref<1x128xi32, #tpu.memory_space<hbm>> -> memref<128xi32, #tpu.memory_space<hbm>>
      tpu.wait_dma2 semaphore(%dma_wait3A_297 : memref<!tpu.dma_semaphore, #tpu.memory_space<semaphore_mem>>) src(%dma_wait3A_307 : memref<128xi32, #tpu.memory_space<hbm>>) dst(%dma_wait3A_300 : memref<128xi32, #tpu.memory_space<vmem>>)
      %dma_start3A_308 = arith.constant 1 : i32
      %dma_start3A_309 = arith.constant 1 : i32
      %dma_start3A_310 = arith.constant 1 : i32
      %dma_start3A_311 = arith.constant 0 : i32
      %dma_start3A_312 = arith.constant 0 : i32
      %dma_start3A_313 = tpu.memref_slice %arg11[%dma_start3A_308, %dma_start3A_311, %dma_start3A_312] : memref<2x128x128xf32, #tpu.memory_space<vmem>> -> memref<1x128x128xf32, #tpu.memory_space<vmem>>
      %dma_start3A_314 = tpu.memref_squeeze %dma_start3A_313 : memref<1x128x128xf32, #tpu.memory_space<vmem>> -> memref<128x128xf32, #tpu.memory_space<vmem>>
      %dma_start3A_315 = arith.constant 0 : i32
      %dma_start3A_316 = tpu.memref_slice %arg10[%dma_start3A_309, %dma_start3A_315] : memref<4x128xi32, #tpu.memory_space<vmem>> -> memref<1x128xi32, #tpu.memory_space<vmem>>
      %dma_start3A_317 = tpu.memref_squeeze %dma_start3A_316 : memref<1x128xi32, #tpu.memory_space<vmem>> -> memref<128xi32, #tpu.memory_space<vmem>>
      %dma_start3A_318 = arith.constant 0 : i32
      %dma_start3A_319 = arith.constant 0 : i32
      %dma_start3A_320 = tpu.memref_slice %arg12[%dma_start3A_318, %dma_start3A_319] : memref<10112x128xf32, #tpu.memory_space<vmem_shared>> -> memref<10112x128xf32, #tpu.memory_space<vmem_shared>>
      %dma_start3A_321 = tpu.memref_slice %arg14[%dma_start3A_310] : memref<2x!tpu.dma_semaphore, #tpu.memory_space<semaphore_mem>> -> memref<1x!tpu.dma_semaphore, #tpu.memory_space<semaphore_mem>>
      %dma_start3A_322 = tpu.memref_squeeze %dma_start3A_321 : memref<1x!tpu.dma_semaphore, #tpu.memory_space<semaphore_mem>> -> memref<!tpu.dma_semaphore, #tpu.memory_space<semaphore_mem>>
      tpu.enqueue_indirect_dma source(%dma_start3A_314 : memref<128x128xf32, #tpu.memory_space<vmem>>) target(%dma_start3A_320 : memref<10112x128xf32, #tpu.memory_space<vmem_shared>>) offsets(%dma_start3A_317 : memref<128xi32, #tpu.memory_space<vmem>>) semaphore(%dma_start3A_322 : memref<!tpu.dma_semaphore, #tpu.memory_space<semaphore_mem>>) {add = true}
      %get3A_323 = arith.constant 1 : i32
      %get3A_324 = arith.index_cast %get3A_323 : i32 to index
      %get3A_325 = arith.constant 0 : index
      %get3A_326 = tpu.vector_load %arg10[%get3A_324, %get3A_325] {strides = array<i32>} : memref<4x128xi32, #tpu.memory_space<vmem>>, vector<16xi32>,
      tpu.vector_store_idx %arg17[%get3A_326], %broadcast_in_dim3A_1 {add = true} : memref<10112xf32, #tpu.memory_space<vmem>>[vector<16xi32>], vector<16xf32>,
      %get3A_327 = arith.constant 1 : i32
      %get3A_328 = arith.index_cast %get3A_327 : i32 to index
      %get3A_329 = arith.constant 16 : index
      %get3A_330 = tpu.vector_load %arg10[%get3A_328, %get3A_329] {strides = array<i32>} : memref<4x128xi32, #tpu.memory_space<vmem>>, vector<16xi32>,
      tpu.vector_store_idx %arg17[%get3A_330], %broadcast_in_dim3A_1 {add = true} : memref<10112xf32, #tpu.memory_space<vmem>>[vector<16xi32>], vector<16xf32>,
      %get3A_331 = arith.constant 1 : i32
      %get3A_332 = arith.index_cast %get3A_331 : i32 to index
      %get3A_333 = arith.constant 32 : index
      %get3A_334 = tpu.vector_load %arg10[%get3A_332, %get3A_333] {strides = array<i32>} : memref<4x128xi32, #tpu.memory_space<vmem>>, vector<16xi32>,
      tpu.vector_store_idx %arg17[%get3A_334], %broadcast_in_dim3A_1 {add = true} : memref<10112xf32, #tpu.memory_space<vmem>>[vector<16xi32>], vector<16xf32>,
      %get3A_335 = arith.constant 1 : i32
      %get3A_336 = arith.index_cast %get3A_335 : i32 to index
      %get3A_337 = arith.constant 48 : index
      %get3A_338 = tpu.vector_load %arg10[%get3A_336, %get3A_337] {strides = array<i32>} : memref<4x128xi32, #tpu.memory_space<vmem>>, vector<16xi32>,
      tpu.vector_store_idx %arg17[%get3A_338], %broadcast_in_dim3A_1 {add = true} : memref<10112xf32, #tpu.memory_space<vmem>>[vector<16xi32>], vector<16xf32>,
      %get3A_339 = arith.constant 1 : i32
      %get3A_340 = arith.index_cast %get3A_339 : i32 to index
      %get3A_341 = arith.constant 64 : index
      %get3A_342 = tpu.vector_load %arg10[%get3A_340, %get3A_341] {strides = array<i32>} : memref<4x128xi32, #tpu.memory_space<vmem>>, vector<16xi32>,
      tpu.vector_store_idx %arg17[%get3A_342], %broadcast_in_dim3A_1 {add = true} : memref<10112xf32, #tpu.memory_space<vmem>>[vector<16xi32>], vector<16xf32>,
      %get3A_343 = arith.constant 1 : i32
      %get3A_344 = arith.index_cast %get3A_343 : i32 to index
      %get3A_345 = arith.constant 80 : index
      %get3A_346 = tpu.vector_load %arg10[%get3A_344, %get3A_345] {strides = array<i32>} : memref<4x128xi32, #tpu.memory_space<vmem>>, vector<16xi32>,
      tpu.vector_store_idx %arg17[%get3A_346], %broadcast_in_dim3A_1 {add = true} : memref<10112xf32, #tpu.memory_space<vmem>>[vector<16xi32>], vector<16xf32>,
      %get3A_347 = arith.constant 1 : i32
      %get3A_348 = arith.index_cast %get3A_347 : i32 to index
      %get3A_349 = arith.constant 96 : index
      %get3A_350 = tpu.vector_load %arg10[%get3A_348, %get3A_349] {strides = array<i32>} : memref<4x128xi32, #tpu.memory_space<vmem>>, vector<16xi32>,
      tpu.vector_store_idx %arg17[%get3A_350], %broadcast_in_dim3A_1 {add = true} : memref<10112xf32, #tpu.memory_space<vmem>>[vector<16xi32>], vector<16xf32>,
      %get3A_351 = arith.constant 1 : i32
      %get3A_352 = arith.index_cast %get3A_351 : i32 to index
      %get3A_353 = arith.constant 112 : index
      %get3A_354 = tpu.vector_load %arg10[%get3A_352, %get3A_353] {strides = array<i32>} : memref<4x128xi32, #tpu.memory_space<vmem>>, vector<16xi32>,
      tpu.vector_store_idx %arg17[%get3A_354], %broadcast_in_dim3A_1 {add = true} : memref<10112xf32, #tpu.memory_space<vmem>>[vector<16xi32>], vector<16xf32>,
      %dma_wait3A_355 = arith.constant 1 : i32
      %dma_wait3A_356 = arith.constant 1 : i32
      %dma_wait3A_357 = arith.constant 1 : i32
      %dma_wait3A_358 = arith.constant 0 : i32
      %dma_wait3A_359 = arith.constant 0 : i32
      %dma_wait3A_360 = tpu.memref_slice %arg11[%dma_wait3A_355, %dma_wait3A_358, %dma_wait3A_359] : memref<2x128x128xf32, #tpu.memory_space<vmem>> -> memref<1x128x128xf32, #tpu.memory_space<vmem>>
      %dma_wait3A_361 = tpu.memref_squeeze %dma_wait3A_360 : memref<1x128x128xf32, #tpu.memory_space<vmem>> -> memref<128x128xf32, #tpu.memory_space<vmem>>
      %dma_wait3A_362 = arith.constant 0 : i32
      %dma_wait3A_363 = tpu.memref_slice %arg10[%dma_wait3A_356, %dma_wait3A_362] : memref<4x128xi32, #tpu.memory_space<vmem>> -> memref<1x128xi32, #tpu.memory_space<vmem>>
      %dma_wait3A_364 = tpu.memref_squeeze %dma_wait3A_363 : memref<1x128xi32, #tpu.memory_space<vmem>> -> memref<128xi32, #tpu.memory_space<vmem>>
      %dma_wait3A_365 = arith.constant 0 : i32
      %dma_wait3A_366 = arith.constant 0 : i32
      %dma_wait3A_367 = tpu.memref_slice %arg12[%dma_wait3A_365, %dma_wait3A_366] : memref<10112x128xf32, #tpu.memory_space<vmem_shared>> -> memref<10112x128xf32, #tpu.memory_space<vmem_shared>>
      %dma_wait3A_368 = tpu.memref_slice %arg14[%dma_wait3A_357] : memref<2x!tpu.dma_semaphore, #tpu.memory_space<semaphore_mem>> -> memref<1x!tpu.dma_semaphore, #tpu.memory_space<semaphore_mem>>
      %dma_wait3A_369 = tpu.memref_squeeze %dma_wait3A_368 : memref<1x!tpu.dma_semaphore, #tpu.memory_space<semaphore_mem>> -> memref<!tpu.dma_semaphore, #tpu.memory_space<semaphore_mem>>
      tpu.wait_indirect_dma semaphore(%dma_wait3A_369 : memref<!tpu.dma_semaphore, #tpu.memory_space<semaphore_mem>>) src(%dma_wait3A_361 : memref<128x128xf32, #tpu.memory_space<vmem>>) dst(%dma_wait3A_367 : memref<10112x128xf32, #tpu.memory_space<vmem_shared>>)
      %add3A_370 = arith.constant 4 : i32
      %add3A_371 = arith.addi %add3A_269, %add3A_370 : i32
      %lt3A_372 = arith.constant 40 : i32
      %lt3A_373 = arith.cmpi slt, %add3A_371, %lt3A_372 : i32
      %convert_element_type3A_374 = arith.extui %lt3A_373 : i1 to i32
      %cond3A_375 = arith.constant 0 : i32
      %cond3A_376 = arith.cmpi ne, %convert_element_type3A_374, %cond3A_375 : i32
      scf.if %cond3A_376 {
        %add3A_620 = arith.constant 4 : i32
        %add3A_621 = arith.addi %add3A_269, %add3A_620 : i32
        %dma_start3A_622 = arith.constant 1 : i32
        %dma_start3A_623 = arith.constant 1 : i32
        %dma_start3A_624 = arith.constant 0 : i32
        %dma_start3A_625 = tpu.memref_slice %arg10[%dma_start3A_622, %dma_start3A_624] : memref<4x128xi32, #tpu.memory_space<vmem>> -> memref<1x128xi32, #tpu.memory_space<vmem>>
        %dma_start3A_626 = tpu.memref_squeeze %dma_start3A_625 : memref<1x128xi32, #tpu.memory_space<vmem>> -> memref<128xi32, #tpu.memory_space<vmem>>
        %dma_start3A_627 = arith.constant 0 : i32
        %dma_start3A_628 = arith.constant 0 : i32
        %dma_start3A_629 = tpu.memref_slice %arg4[%add3A, %dma_start3A_627, %dma_start3A_628] : memref<32x40x128xi32, #tpu.memory_space<hbm>> -> memref<1x40x128xi32, #tpu.memory_space<hbm>>
        %dma_start3A_630 = tpu.memref_squeeze %dma_start3A_629 : memref<1x40x128xi32, #tpu.memory_space<hbm>> -> memref<40x128xi32, #tpu.memory_space<hbm>>
        %dma_start3A_631 = arith.constant 0 : i32
        %dma_start3A_632 = tpu.memref_slice %dma_start3A_630[%add3A_621, %dma_start3A_631] : memref<40x128xi32, #tpu.memory_space<hbm>> -> memref<1x128xi32, #tpu.memory_space<hbm>>
        %dma_start3A_633 = tpu.memref_squeeze %dma_start3A_632 : memref<1x128xi32, #tpu.memory_space<hbm>> -> memref<128xi32, #tpu.memory_space<hbm>>
        %dma_start3A_634 = tpu.memref_slice %arg15[%dma_start3A_623] : memref<4x!tpu.dma_semaphore, #tpu.memory_space<semaphore_mem>> -> memref<1x!tpu.dma_semaphore, #tpu.memory_space<semaphore_mem>>
        %dma_start3A_635 = tpu.memref_squeeze %dma_start3A_634 : memref<1x!tpu.dma_semaphore, #tpu.memory_space<semaphore_mem>> -> memref<!tpu.dma_semaphore, #tpu.memory_space<semaphore_mem>>
        %dma_start3A_636 = arith.constant 0 : i32
        %dma_start3A_637 = tpu.memref_slice %arg10[%dma_start3A_622, %dma_start3A_636] : memref<4x128xi32, #tpu.memory_space<vmem>> -> memref<1x128xi32, #tpu.memory_space<vmem>>
        %dma_start3A_638 = tpu.memref_squeeze %dma_start3A_637 : memref<1x128xi32, #tpu.memory_space<vmem>> -> memref<128xi32, #tpu.memory_space<vmem>>
        %dma_start3A_639 = arith.constant 0 : i32
        %dma_start3A_640 = arith.constant 0 : i32
        %dma_start3A_641 = tpu.memref_slice %arg4[%add3A, %dma_start3A_639, %dma_start3A_640] : memref<32x40x128xi32, #tpu.memory_space<hbm>> -> memref<1x40x128xi32, #tpu.memory_space<hbm>>
        %dma_start3A_642 = tpu.memref_squeeze %dma_start3A_641 : memref<1x40x128xi32, #tpu.memory_space<hbm>> -> memref<40x128xi32, #tpu.memory_space<hbm>>
        %dma_start3A_643 = arith.constant 0 : i32
        %dma_start3A_644 = tpu.memref_slice %dma_start3A_642[%add3A_621, %dma_start3A_643] : memref<40x128xi32, #tpu.memory_space<hbm>> -> memref<1x128xi32, #tpu.memory_space<hbm>>
        %dma_start3A_645 = tpu.memref_squeeze %dma_start3A_644 : memref<1x128xi32, #tpu.memory_space<hbm>> -> memref<128xi32, #tpu.memory_space<hbm>>
        tpu.enqueue_dma source(%dma_start3A_645 : memref<128xi32, #tpu.memory_space<hbm>>) target(%dma_start3A_638 : memref<128xi32, #tpu.memory_space<vmem>>) target_semaphore(%dma_start3A_635 : memref<!tpu.dma_semaphore, #tpu.memory_space<semaphore_mem>>)
      } else {
      }
      %add3A_377 = arith.constant 2 : i32
      %add3A_378 = arith.addi %add3A_269, %add3A_377 : i32
      %lt3A_379 = arith.constant 40 : i32
      %lt3A_380 = arith.cmpi slt, %add3A_378, %lt3A_379 : i32
      %convert_element_type3A_381 = arith.extui %lt3A_380 : i1 to i32
      %cond3A_382 = arith.constant 0 : i32
      %cond3A_383 = arith.cmpi ne, %convert_element_type3A_381, %cond3A_382 : i32
      scf.if %cond3A_383 {
        %add3A_620 = arith.constant 2 : i32
        %add3A_621 = arith.addi %add3A_269, %add3A_620 : i32
        %dma_start3A_622 = arith.constant 1 : i32
        %dma_start3A_623 = arith.constant 1 : i32
        %dma_start3A_624 = arith.constant 0 : i32
        %dma_start3A_625 = arith.constant 0 : i32
        %dma_start3A_626 = tpu.memref_slice %arg11[%dma_start3A_622, %dma_start3A_624, %dma_start3A_625] : memref<2x128x128xf32, #tpu.memory_space<vmem>> -> memref<1x128x128xf32, #tpu.memory_space<vmem>>
        %dma_start3A_627 = tpu.memref_squeeze %dma_start3A_626 : memref<1x128x128xf32, #tpu.memory_space<vmem>> -> memref<128x128xf32, #tpu.memory_space<vmem>>
        %dma_start3A_628 = arith.constant 0 : i32
        %dma_start3A_629 = tpu.memref_slice %arg9[%add3A_621, %dma_start3A_628] : memref<40x128xi32, #tpu.memory_space<vmem>> -> memref<1x128xi32, #tpu.memory_space<vmem>>
        %dma_start3A_630 = tpu.memref_squeeze %dma_start3A_629 : memref<1x128xi32, #tpu.memory_space<vmem>> -> memref<128xi32, #tpu.memory_space<vmem>>
        %dma_start3A_631 = arith.constant 0 : i32
        %dma_start3A_632 = arith.constant 0 : i32
        %dma_start3A_633 = tpu.memref_slice %arg2[%dma_start3A_631, %dma_start3A_632] : memref<10000x128xf32, #tpu.memory_space<hbm>> -> memref<10000x128xf32, #tpu.memory_space<hbm>>
        %dma_start3A_634 = tpu.memref_slice %arg13[%dma_start3A_623] : memref<2x!tpu.dma_semaphore, #tpu.memory_space<semaphore_mem>> -> memref<1x!tpu.dma_semaphore, #tpu.memory_space<semaphore_mem>>
        %dma_start3A_635 = tpu.memref_squeeze %dma_start3A_634 : memref<1x!tpu.dma_semaphore, #tpu.memory_space<semaphore_mem>> -> memref<!tpu.dma_semaphore, #tpu.memory_space<semaphore_mem>>
        tpu.enqueue_indirect_dma source(%dma_start3A_633 : memref<10000x128xf32, #tpu.memory_space<hbm>>) target(%dma_start3A_627 : memref<128x128xf32, #tpu.memory_space<vmem>>) offsets(%dma_start3A_630 : memref<128xi32, #tpu.memory_space<vmem>>) semaphore(%dma_start3A_635 : memref<!tpu.dma_semaphore, #tpu.memory_space<semaphore_mem>>)
      } else {
      }
      %mul3A_384 = arith.constant 4 : i32
      %mul3A_385 = arith.muli %scan3A_151, %mul3A_384 : i32
      %add3A_386 = arith.constant 2 : i32
      %add3A_387 = arith.addi %mul3A_385, %add3A_386 : i32
      %dma_wait3A_388 = arith.constant 0 : i32
      %dma_wait3A_389 = arith.constant 0 : i32
      %dma_wait3A_390 = arith.constant 0 : i32
      %dma_wait3A_391 = arith.constant 0 : i32
      %dma_wait3A_392 = tpu.memref_slice %arg11[%dma_wait3A_388, %dma_wait3A_390, %dma_wait3A_391] : memref<2x128x128xf32, #tpu.memory_space<vmem>> -> memref<1x128x128xf32, #tpu.memory_space<vmem>>
      %dma_wait3A_393 = tpu.memref_squeeze %dma_wait3A_392 : memref<1x128x128xf32, #tpu.memory_space<vmem>> -> memref<128x128xf32, #tpu.memory_space<vmem>>
      %dma_wait3A_394 = arith.constant 0 : i32
      %dma_wait3A_395 = tpu.memref_slice %arg9[%add3A_387, %dma_wait3A_394] : memref<40x128xi32, #tpu.memory_space<vmem>> -> memref<1x128xi32, #tpu.memory_space<vmem>>
      %dma_wait3A_396 = tpu.memref_squeeze %dma_wait3A_395 : memref<1x128xi32, #tpu.memory_space<vmem>> -> memref<128xi32, #tpu.memory_space<vmem>>
      %dma_wait3A_397 = arith.constant 0 : i32
      %dma_wait3A_398 = arith.constant 0 : i32
      %dma_wait3A_399 = tpu.memref_slice %arg2[%dma_wait3A_397, %dma_wait3A_398] : memref<10000x128xf32, #tpu.memory_space<hbm>> -> memref<10000x128xf32, #tpu.memory_space<hbm>>
      %dma_wait3A_400 = tpu.memref_slice %arg13[%dma_wait3A_389] : memref<2x!tpu.dma_semaphore, #tpu.memory_space<semaphore_mem>> -> memref<1x!tpu.dma_semaphore, #tpu.memory_space<semaphore_mem>>
      %dma_wait3A_401 = tpu.memref_squeeze %dma_wait3A_400 : memref<1x!tpu.dma_semaphore, #tpu.memory_space<semaphore_mem>> -> memref<!tpu.dma_semaphore, #tpu.memory_space<semaphore_mem>>
      tpu.wait_indirect_dma semaphore(%dma_wait3A_401 : memref<!tpu.dma_semaphore, #tpu.memory_space<semaphore_mem>>) src(%dma_wait3A_399 : memref<10000x128xf32, #tpu.memory_space<hbm>>) dst(%dma_wait3A_393 : memref<128x128xf32, #tpu.memory_space<vmem>>)
      %dma_wait3A_402 = arith.constant 2 : i32
      %dma_wait3A_403 = arith.constant 2 : i32
      %dma_wait3A_404 = arith.constant 0 : i32
      %dma_wait3A_405 = tpu.memref_slice %arg10[%dma_wait3A_402, %dma_wait3A_404] : memref<4x128xi32, #tpu.memory_space<vmem>> -> memref<1x128xi32, #tpu.memory_space<vmem>>
      %dma_wait3A_406 = tpu.memref_squeeze %dma_wait3A_405 : memref<1x128xi32, #tpu.memory_space<vmem>> -> memref<128xi32, #tpu.memory_space<vmem>>
      %dma_wait3A_407 = arith.constant 0 : i32
      %dma_wait3A_408 = arith.constant 0 : i32
      %dma_wait3A_409 = tpu.memref_slice %arg4[%add3A, %dma_wait3A_407, %dma_wait3A_408] : memref<32x40x128xi32, #tpu.memory_space<hbm>> -> memref<1x40x128xi32, #tpu.memory_space<hbm>>
      %dma_wait3A_410 = tpu.memref_squeeze %dma_wait3A_409 : memref<1x40x128xi32, #tpu.memory_space<hbm>> -> memref<40x128xi32, #tpu.memory_space<hbm>>
      %dma_wait3A_411 = arith.constant 0 : i32
      %dma_wait3A_412 = tpu.memref_slice %dma_wait3A_410[%add3A_387, %dma_wait3A_411] : memref<40x128xi32, #tpu.memory_space<hbm>> -> memref<1x128xi32, #tpu.memory_space<hbm>>
      %dma_wait3A_413 = tpu.memref_squeeze %dma_wait3A_412 : memref<1x128xi32, #tpu.memory_space<hbm>> -> memref<128xi32, #tpu.memory_space<hbm>>
      %dma_wait3A_414 = tpu.memref_slice %arg15[%dma_wait3A_403] : memref<4x!tpu.dma_semaphore, #tpu.memory_space<semaphore_mem>> -> memref<1x!tpu.dma_semaphore, #tpu.memory_space<semaphore_mem>>
      %dma_wait3A_415 = tpu.memref_squeeze %dma_wait3A_414 : memref<1x!tpu.dma_semaphore, #tpu.memory_space<semaphore_mem>> -> memref<!tpu.dma_semaphore, #tpu.memory_space<semaphore_mem>>
      %dma_wait3A_416 = arith.constant 0 : i32
      %dma_wait3A_417 = tpu.memref_slice %arg10[%dma_wait3A_402, %dma_wait3A_416] : memref<4x128xi32, #tpu.memory_space<vmem>> -> memref<1x128xi32, #tpu.memory_space<vmem>>
      %dma_wait3A_418 = tpu.memref_squeeze %dma_wait3A_417 : memref<1x128xi32, #tpu.memory_space<vmem>> -> memref<128xi32, #tpu.memory_space<vmem>>
      %dma_wait3A_419 = arith.constant 0 : i32
      %dma_wait3A_420 = arith.constant 0 : i32
      %dma_wait3A_421 = tpu.memref_slice %arg4[%add3A, %dma_wait3A_419, %dma_wait3A_420] : memref<32x40x128xi32, #tpu.memory_space<hbm>> -> memref<1x40x128xi32, #tpu.memory_space<hbm>>
      %dma_wait3A_422 = tpu.memref_squeeze %dma_wait3A_421 : memref<1x40x128xi32, #tpu.memory_space<hbm>> -> memref<40x128xi32, #tpu.memory_space<hbm>>
      %dma_wait3A_423 = arith.constant 0 : i32
      %dma_wait3A_424 = tpu.memref_slice %dma_wait3A_422[%add3A_387, %dma_wait3A_423] : memref<40x128xi32, #tpu.memory_space<hbm>> -> memref<1x128xi32, #tpu.memory_space<hbm>>
      %dma_wait3A_425 = tpu.memref_squeeze %dma_wait3A_424 : memref<1x128xi32, #tpu.memory_space<hbm>> -> memref<128xi32, #tpu.memory_space<hbm>>
      tpu.wait_dma2 semaphore(%dma_wait3A_415 : memref<!tpu.dma_semaphore, #tpu.memory_space<semaphore_mem>>) src(%dma_wait3A_425 : memref<128xi32, #tpu.memory_space<hbm>>) dst(%dma_wait3A_418 : memref<128xi32, #tpu.memory_space<vmem>>)
      %dma_start3A_426 = arith.constant 0 : i32
      %dma_start3A_427 = arith.constant 2 : i32
      %dma_start3A_428 = arith.constant 0 : i32
      %dma_start3A_429 = arith.constant 0 : i32
      %dma_start3A_430 = arith.constant 0 : i32
      %dma_start3A_431 = tpu.memref_slice %arg11[%dma_start3A_426, %dma_start3A_429, %dma_start3A_430] : memref<2x128x128xf32, #tpu.memory_space<vmem>> -> memref<1x128x128xf32, #tpu.memory_space<vmem>>
      %dma_start3A_432 = tpu.memref_squeeze %dma_start3A_431 : memref<1x128x128xf32, #tpu.memory_space<vmem>> -> memref<128x128xf32, #tpu.memory_space<vmem>>
      %dma_start3A_433 = arith.constant 0 : i32
      %dma_start3A_434 = tpu.memref_slice %arg10[%dma_start3A_427, %dma_start3A_433] : memref<4x128xi32, #tpu.memory_space<vmem>> -> memref<1x128xi32, #tpu.memory_space<vmem>>
      %dma_start3A_435 = tpu.memref_squeeze %dma_start3A_434 : memref<1x128xi32, #tpu.memory_space<vmem>> -> memref<128xi32, #tpu.memory_space<vmem>>
      %dma_start3A_436 = arith.constant 0 : i32
      %dma_start3A_437 = arith.constant 0 : i32
      %dma_start3A_438 = tpu.memref_slice %arg12[%dma_start3A_436, %dma_start3A_437] : memref<10112x128xf32, #tpu.memory_space<vmem_shared>> -> memref<10112x128xf32, #tpu.memory_space<vmem_shared>>
      %dma_start3A_439 = tpu.memref_slice %arg14[%dma_start3A_428] : memref<2x!tpu.dma_semaphore, #tpu.memory_space<semaphore_mem>> -> memref<1x!tpu.dma_semaphore, #tpu.memory_space<semaphore_mem>>
      %dma_start3A_440 = tpu.memref_squeeze %dma_start3A_439 : memref<1x!tpu.dma_semaphore, #tpu.memory_space<semaphore_mem>> -> memref<!tpu.dma_semaphore, #tpu.memory_space<semaphore_mem>>
      tpu.enqueue_indirect_dma source(%dma_start3A_432 : memref<128x128xf32, #tpu.memory_space<vmem>>) target(%dma_start3A_438 : memref<10112x128xf32, #tpu.memory_space<vmem_shared>>) offsets(%dma_start3A_435 : memref<128xi32, #tpu.memory_space<vmem>>) semaphore(%dma_start3A_440 : memref<!tpu.dma_semaphore, #tpu.memory_space<semaphore_mem>>) {add = true}
      %get3A_441 = arith.constant 2 : i32
      %get3A_442 = arith.index_cast %get3A_441 : i32 to index
      %get3A_443 = arith.constant 0 : index
      %get3A_444 = tpu.vector_load %arg10[%get3A_442, %get3A_443] {strides = array<i32>} : memref<4x128xi32, #tpu.memory_space<vmem>>, vector<16xi32>,
      tpu.vector_store_idx %arg17[%get3A_444], %broadcast_in_dim3A_1 {add = true} : memref<10112xf32, #tpu.memory_space<vmem>>[vector<16xi32>], vector<16xf32>,
      %get3A_445 = arith.constant 2 : i32
      %get3A_446 = arith.index_cast %get3A_445 : i32 to index
      %get3A_447 = arith.constant 16 : index
      %get3A_448 = tpu.vector_load %arg10[%get3A_446, %get3A_447] {strides = array<i32>} : memref<4x128xi32, #tpu.memory_space<vmem>>, vector<16xi32>,
      tpu.vector_store_idx %arg17[%get3A_448], %broadcast_in_dim3A_1 {add = true} : memref<10112xf32, #tpu.memory_space<vmem>>[vector<16xi32>], vector<16xf32>,
      %get3A_449 = arith.constant 2 : i32
      %get3A_450 = arith.index_cast %get3A_449 : i32 to index
      %get3A_451 = arith.constant 32 : index
      %get3A_452 = tpu.vector_load %arg10[%get3A_450, %get3A_451] {strides = array<i32>} : memref<4x128xi32, #tpu.memory_space<vmem>>, vector<16xi32>,
      tpu.vector_store_idx %arg17[%get3A_452], %broadcast_in_dim3A_1 {add = true} : memref<10112xf32, #tpu.memory_space<vmem>>[vector<16xi32>], vector<16xf32>,
      %get3A_453 = arith.constant 2 : i32
      %get3A_454 = arith.index_cast %get3A_453 : i32 to index
      %get3A_455 = arith.constant 48 : index
      %get3A_456 = tpu.vector_load %arg10[%get3A_454, %get3A_455] {strides = array<i32>} : memref<4x128xi32, #tpu.memory_space<vmem>>, vector<16xi32>,
      tpu.vector_store_idx %arg17[%get3A_456], %broadcast_in_dim3A_1 {add = true} : memref<10112xf32, #tpu.memory_space<vmem>>[vector<16xi32>], vector<16xf32>,
      %get3A_457 = arith.constant 2 : i32
      %get3A_458 = arith.index_cast %get3A_457 : i32 to index
      %get3A_459 = arith.constant 64 : index
      %get3A_460 = tpu.vector_load %arg10[%get3A_458, %get3A_459] {strides = array<i32>} : memref<4x128xi32, #tpu.memory_space<vmem>>, vector<16xi32>,
      tpu.vector_store_idx %arg17[%get3A_460], %broadcast_in_dim3A_1 {add = true} : memref<10112xf32, #tpu.memory_space<vmem>>[vector<16xi32>], vector<16xf32>,
      %get3A_461 = arith.constant 2 : i32
      %get3A_462 = arith.index_cast %get3A_461 : i32 to index
      %get3A_463 = arith.constant 80 : index
      %get3A_464 = tpu.vector_load %arg10[%get3A_462, %get3A_463] {strides = array<i32>} : memref<4x128xi32, #tpu.memory_space<vmem>>, vector<16xi32>,
      tpu.vector_store_idx %arg17[%get3A_464], %broadcast_in_dim3A_1 {add = true} : memref<10112xf32, #tpu.memory_space<vmem>>[vector<16xi32>], vector<16xf32>,
      %get3A_465 = arith.constant 2 : i32
      %get3A_466 = arith.index_cast %get3A_465 : i32 to index
      %get3A_467 = arith.constant 96 : index
      %get3A_468 = tpu.vector_load %arg10[%get3A_466, %get3A_467] {strides = array<i32>} : memref<4x128xi32, #tpu.memory_space<vmem>>, vector<16xi32>,
      tpu.vector_store_idx %arg17[%get3A_468], %broadcast_in_dim3A_1 {add = true} : memref<10112xf32, #tpu.memory_space<vmem>>[vector<16xi32>], vector<16xf32>,
      %get3A_469 = arith.constant 2 : i32
      %get3A_470 = arith.index_cast %get3A_469 : i32 to index
      %get3A_471 = arith.constant 112 : index
      %get3A_472 = tpu.vector_load %arg10[%get3A_470, %get3A_471] {strides = array<i32>} : memref<4x128xi32, #tpu.memory_space<vmem>>, vector<16xi32>,
      tpu.vector_store_idx %arg17[%get3A_472], %broadcast_in_dim3A_1 {add = true} : memref<10112xf32, #tpu.memory_space<vmem>>[vector<16xi32>], vector<16xf32>,
      %dma_wait3A_473 = arith.constant 0 : i32
      %dma_wait3A_474 = arith.constant 2 : i32
      %dma_wait3A_475 = arith.constant 0 : i32
      %dma_wait3A_476 = arith.constant 0 : i32
      %dma_wait3A_477 = arith.constant 0 : i32
      %dma_wait3A_478 = tpu.memref_slice %arg11[%dma_wait3A_473, %dma_wait3A_476, %dma_wait3A_477] : memref<2x128x128xf32, #tpu.memory_space<vmem>> -> memref<1x128x128xf32, #tpu.memory_space<vmem>>
      %dma_wait3A_479 = tpu.memref_squeeze %dma_wait3A_478 : memref<1x128x128xf32, #tpu.memory_space<vmem>> -> memref<128x128xf32, #tpu.memory_space<vmem>>
      %dma_wait3A_480 = arith.constant 0 : i32
      %dma_wait3A_481 = tpu.memref_slice %arg10[%dma_wait3A_474, %dma_wait3A_480] : memref<4x128xi32, #tpu.memory_space<vmem>> -> memref<1x128xi32, #tpu.memory_space<vmem>>
      %dma_wait3A_482 = tpu.memref_squeeze %dma_wait3A_481 : memref<1x128xi32, #tpu.memory_space<vmem>> -> memref<128xi32, #tpu.memory_space<vmem>>
      %dma_wait3A_483 = arith.constant 0 : i32
      %dma_wait3A_484 = arith.constant 0 : i32
      %dma_wait3A_485 = tpu.memref_slice %arg12[%dma_wait3A_483, %dma_wait3A_484] : memref<10112x128xf32, #tpu.memory_space<vmem_shared>> -> memref<10112x128xf32, #tpu.memory_space<vmem_shared>>
      %dma_wait3A_486 = tpu.memref_slice %arg14[%dma_wait3A_475] : memref<2x!tpu.dma_semaphore, #tpu.memory_space<semaphore_mem>> -> memref<1x!tpu.dma_semaphore, #tpu.memory_space<semaphore_mem>>
      %dma_wait3A_487 = tpu.memref_squeeze %dma_wait3A_486 : memref<1x!tpu.dma_semaphore, #tpu.memory_space<semaphore_mem>> -> memref<!tpu.dma_semaphore, #tpu.memory_space<semaphore_mem>>
      tpu.wait_indirect_dma semaphore(%dma_wait3A_487 : memref<!tpu.dma_semaphore, #tpu.memory_space<semaphore_mem>>) src(%dma_wait3A_479 : memref<128x128xf32, #tpu.memory_space<vmem>>) dst(%dma_wait3A_485 : memref<10112x128xf32, #tpu.memory_space<vmem_shared>>)
      %add3A_488 = arith.constant 4 : i32
      %add3A_489 = arith.addi %add3A_387, %add3A_488 : i32
      %lt3A_490 = arith.constant 40 : i32
      %lt3A_491 = arith.cmpi slt, %add3A_489, %lt3A_490 : i32
      %convert_element_type3A_492 = arith.extui %lt3A_491 : i1 to i32
      %cond3A_493 = arith.constant 0 : i32
      %cond3A_494 = arith.cmpi ne, %convert_element_type3A_492, %cond3A_493 : i32
      scf.if %cond3A_494 {
        %add3A_620 = arith.constant 4 : i32
        %add3A_621 = arith.addi %add3A_387, %add3A_620 : i32
        %dma_start3A_622 = arith.constant 2 : i32
        %dma_start3A_623 = arith.constant 2 : i32
        %dma_start3A_624 = arith.constant 0 : i32
        %dma_start3A_625 = tpu.memref_slice %arg10[%dma_start3A_622, %dma_start3A_624] : memref<4x128xi32, #tpu.memory_space<vmem>> -> memref<1x128xi32, #tpu.memory_space<vmem>>
        %dma_start3A_626 = tpu.memref_squeeze %dma_start3A_625 : memref<1x128xi32, #tpu.memory_space<vmem>> -> memref<128xi32, #tpu.memory_space<vmem>>
        %dma_start3A_627 = arith.constant 0 : i32
        %dma_start3A_628 = arith.constant 0 : i32
        %dma_start3A_629 = tpu.memref_slice %arg4[%add3A, %dma_start3A_627, %dma_start3A_628] : memref<32x40x128xi32, #tpu.memory_space<hbm>> -> memref<1x40x128xi32, #tpu.memory_space<hbm>>
        %dma_start3A_630 = tpu.memref_squeeze %dma_start3A_629 : memref<1x40x128xi32, #tpu.memory_space<hbm>> -> memref<40x128xi32, #tpu.memory_space<hbm>>
        %dma_start3A_631 = arith.constant 0 : i32
        %dma_start3A_632 = tpu.memref_slice %dma_start3A_630[%add3A_621, %dma_start3A_631] : memref<40x128xi32, #tpu.memory_space<hbm>> -> memref<1x128xi32, #tpu.memory_space<hbm>>
        %dma_start3A_633 = tpu.memref_squeeze %dma_start3A_632 : memref<1x128xi32, #tpu.memory_space<hbm>> -> memref<128xi32, #tpu.memory_space<hbm>>
        %dma_start3A_634 = tpu.memref_slice %arg15[%dma_start3A_623] : memref<4x!tpu.dma_semaphore, #tpu.memory_space<semaphore_mem>> -> memref<1x!tpu.dma_semaphore, #tpu.memory_space<semaphore_mem>>
        %dma_start3A_635 = tpu.memref_squeeze %dma_start3A_634 : memref<1x!tpu.dma_semaphore, #tpu.memory_space<semaphore_mem>> -> memref<!tpu.dma_semaphore, #tpu.memory_space<semaphore_mem>>
        %dma_start3A_636 = arith.constant 0 : i32
        %dma_start3A_637 = tpu.memref_slice %arg10[%dma_start3A_622, %dma_start3A_636] : memref<4x128xi32, #tpu.memory_space<vmem>> -> memref<1x128xi32, #tpu.memory_space<vmem>>
        %dma_start3A_638 = tpu.memref_squeeze %dma_start3A_637 : memref<1x128xi32, #tpu.memory_space<vmem>> -> memref<128xi32, #tpu.memory_space<vmem>>
        %dma_start3A_639 = arith.constant 0 : i32
        %dma_start3A_640 = arith.constant 0 : i32
        %dma_start3A_641 = tpu.memref_slice %arg4[%add3A, %dma_start3A_639, %dma_start3A_640] : memref<32x40x128xi32, #tpu.memory_space<hbm>> -> memref<1x40x128xi32, #tpu.memory_space<hbm>>
        %dma_start3A_642 = tpu.memref_squeeze %dma_start3A_641 : memref<1x40x128xi32, #tpu.memory_space<hbm>> -> memref<40x128xi32, #tpu.memory_space<hbm>>
        %dma_start3A_643 = arith.constant 0 : i32
        %dma_start3A_644 = tpu.memref_slice %dma_start3A_642[%add3A_621, %dma_start3A_643] : memref<40x128xi32, #tpu.memory_space<hbm>> -> memref<1x128xi32, #tpu.memory_space<hbm>>
        %dma_start3A_645 = tpu.memref_squeeze %dma_start3A_644 : memref<1x128xi32, #tpu.memory_space<hbm>> -> memref<128xi32, #tpu.memory_space<hbm>>
        tpu.enqueue_dma source(%dma_start3A_645 : memref<128xi32, #tpu.memory_space<hbm>>) target(%dma_start3A_638 : memref<128xi32, #tpu.memory_space<vmem>>) target_semaphore(%dma_start3A_635 : memref<!tpu.dma_semaphore, #tpu.memory_space<semaphore_mem>>)
      } else {
      }
      %add3A_495 = arith.constant 2 : i32
      %add3A_496 = arith.addi %add3A_387, %add3A_495 : i32
      %lt3A_497 = arith.constant 40 : i32
      %lt3A_498 = arith.cmpi slt, %add3A_496, %lt3A_497 : i32
      %convert_element_type3A_499 = arith.extui %lt3A_498 : i1 to i32
      %cond3A_500 = arith.constant 0 : i32
      %cond3A_501 = arith.cmpi ne, %convert_element_type3A_499, %cond3A_500 : i32
      scf.if %cond3A_501 {
        %add3A_620 = arith.constant 2 : i32
        %add3A_621 = arith.addi %add3A_387, %add3A_620 : i32
        %dma_start3A_622 = arith.constant 0 : i32
        %dma_start3A_623 = arith.constant 0 : i32
        %dma_start3A_624 = arith.constant 0 : i32
        %dma_start3A_625 = arith.constant 0 : i32
        %dma_start3A_626 = tpu.memref_slice %arg11[%dma_start3A_622, %dma_start3A_624, %dma_start3A_625] : memref<2x128x128xf32, #tpu.memory_space<vmem>> -> memref<1x128x128xf32, #tpu.memory_space<vmem>>
        %dma_start3A_627 = tpu.memref_squeeze %dma_start3A_626 : memref<1x128x128xf32, #tpu.memory_space<vmem>> -> memref<128x128xf32, #tpu.memory_space<vmem>>
        %dma_start3A_628 = arith.constant 0 : i32
        %dma_start3A_629 = tpu.memref_slice %arg9[%add3A_621, %dma_start3A_628] : memref<40x128xi32, #tpu.memory_space<vmem>> -> memref<1x128xi32, #tpu.memory_space<vmem>>
        %dma_start3A_630 = tpu.memref_squeeze %dma_start3A_629 : memref<1x128xi32, #tpu.memory_space<vmem>> -> memref<128xi32, #tpu.memory_space<vmem>>
        %dma_start3A_631 = arith.constant 0 : i32
        %dma_start3A_632 = arith.constant 0 : i32
        %dma_start3A_633 = tpu.memref_slice %arg2[%dma_start3A_631, %dma_start3A_632] : memref<10000x128xf32, #tpu.memory_space<hbm>> -> memref<10000x128xf32, #tpu.memory_space<hbm>>
        %dma_start3A_634 = tpu.memref_slice %arg13[%dma_start3A_623] : memref<2x!tpu.dma_semaphore, #tpu.memory_space<semaphore_mem>> -> memref<1x!tpu.dma_semaphore, #tpu.memory_space<semaphore_mem>>
        %dma_start3A_635 = tpu.memref_squeeze %dma_start3A_634 : memref<1x!tpu.dma_semaphore, #tpu.memory_space<semaphore_mem>> -> memref<!tpu.dma_semaphore, #tpu.memory_space<semaphore_mem>>
        tpu.enqueue_indirect_dma source(%dma_start3A_633 : memref<10000x128xf32, #tpu.memory_space<hbm>>) target(%dma_start3A_627 : memref<128x128xf32, #tpu.memory_space<vmem>>) offsets(%dma_start3A_630 : memref<128xi32, #tpu.memory_space<vmem>>) semaphore(%dma_start3A_635 : memref<!tpu.dma_semaphore, #tpu.memory_space<semaphore_mem>>)
      } else {
      }
      %mul3A_502 = arith.constant 4 : i32
      %mul3A_503 = arith.muli %scan3A_151, %mul3A_502 : i32
      %add3A_504 = arith.constant 3 : i32
      %add3A_505 = arith.addi %mul3A_503, %add3A_504 : i32
      %dma_wait3A_506 = arith.constant 1 : i32
      %dma_wait3A_507 = arith.constant 1 : i32
      %dma_wait3A_508 = arith.constant 0 : i32
      %dma_wait3A_509 = arith.constant 0 : i32
      %dma_wait3A_510 = tpu.memref_slice %arg11[%dma_wait3A_506, %dma_wait3A_508, %dma_wait3A_509] : memref<2x128x128xf32, #tpu.memory_space<vmem>> -> memref<1x128x128xf32, #tpu.memory_space<vmem>>
      %dma_wait3A_511 = tpu.memref_squeeze %dma_wait3A_510 : memref<1x128x128xf32, #tpu.memory_space<vmem>> -> memref<128x128xf32, #tpu.memory_space<vmem>>
      %dma_wait3A_512 = arith.constant 0 : i32
      %dma_wait3A_513 = tpu.memref_slice %arg9[%add3A_505, %dma_wait3A_512] : memref<40x128xi32, #tpu.memory_space<vmem>> -> memref<1x128xi32, #tpu.memory_space<vmem>>
      %dma_wait3A_514 = tpu.memref_squeeze %dma_wait3A_513 : memref<1x128xi32, #tpu.memory_space<vmem>> -> memref<128xi32, #tpu.memory_space<vmem>>
      %dma_wait3A_515 = arith.constant 0 : i32
      %dma_wait3A_516 = arith.constant 0 : i32
      %dma_wait3A_517 = tpu.memref_slice %arg2[%dma_wait3A_515, %dma_wait3A_516] : memref<10000x128xf32, #tpu.memory_space<hbm>> -> memref<10000x128xf32, #tpu.memory_space<hbm>>
      %dma_wait3A_518 = tpu.memref_slice %arg13[%dma_wait3A_507] : memref<2x!tpu.dma_semaphore, #tpu.memory_space<semaphore_mem>> -> memref<1x!tpu.dma_semaphore, #tpu.memory_space<semaphore_mem>>
      %dma_wait3A_519 = tpu.memref_squeeze %dma_wait3A_518 : memref<1x!tpu.dma_semaphore, #tpu.memory_space<semaphore_mem>> -> memref<!tpu.dma_semaphore, #tpu.memory_space<semaphore_mem>>
      tpu.wait_indirect_dma semaphore(%dma_wait3A_519 : memref<!tpu.dma_semaphore, #tpu.memory_space<semaphore_mem>>) src(%dma_wait3A_517 : memref<10000x128xf32, #tpu.memory_space<hbm>>) dst(%dma_wait3A_511 : memref<128x128xf32, #tpu.memory_space<vmem>>)
      %dma_wait3A_520 = arith.constant 3 : i32
      %dma_wait3A_521 = arith.constant 3 : i32
      %dma_wait3A_522 = arith.constant 0 : i32
      %dma_wait3A_523 = tpu.memref_slice %arg10[%dma_wait3A_520, %dma_wait3A_522] : memref<4x128xi32, #tpu.memory_space<vmem>> -> memref<1x128xi32, #tpu.memory_space<vmem>>
      %dma_wait3A_524 = tpu.memref_squeeze %dma_wait3A_523 : memref<1x128xi32, #tpu.memory_space<vmem>> -> memref<128xi32, #tpu.memory_space<vmem>>
      %dma_wait3A_525 = arith.constant 0 : i32
      %dma_wait3A_526 = arith.constant 0 : i32
      %dma_wait3A_527 = tpu.memref_slice %arg4[%add3A, %dma_wait3A_525, %dma_wait3A_526] : memref<32x40x128xi32, #tpu.memory_space<hbm>> -> memref<1x40x128xi32, #tpu.memory_space<hbm>>
      %dma_wait3A_528 = tpu.memref_squeeze %dma_wait3A_527 : memref<1x40x128xi32, #tpu.memory_space<hbm>> -> memref<40x128xi32, #tpu.memory_space<hbm>>
      %dma_wait3A_529 = arith.constant 0 : i32
      %dma_wait3A_530 = tpu.memref_slice %dma_wait3A_528[%add3A_505, %dma_wait3A_529] : memref<40x128xi32, #tpu.memory_space<hbm>> -> memref<1x128xi32, #tpu.memory_space<hbm>>
      %dma_wait3A_531 = tpu.memref_squeeze %dma_wait3A_530 : memref<1x128xi32, #tpu.memory_space<hbm>> -> memref<128xi32, #tpu.memory_space<hbm>>
      %dma_wait3A_532 = tpu.memref_slice %arg15[%dma_wait3A_521] : memref<4x!tpu.dma_semaphore, #tpu.memory_space<semaphore_mem>> -> memref<1x!tpu.dma_semaphore, #tpu.memory_space<semaphore_mem>>
      %dma_wait3A_533 = tpu.memref_squeeze %dma_wait3A_532 : memref<1x!tpu.dma_semaphore, #tpu.memory_space<semaphore_mem>> -> memref<!tpu.dma_semaphore, #tpu.memory_space<semaphore_mem>>
      %dma_wait3A_534 = arith.constant 0 : i32
      %dma_wait3A_535 = tpu.memref_slice %arg10[%dma_wait3A_520, %dma_wait3A_534] : memref<4x128xi32, #tpu.memory_space<vmem>> -> memref<1x128xi32, #tpu.memory_space<vmem>>
      %dma_wait3A_536 = tpu.memref_squeeze %dma_wait3A_535 : memref<1x128xi32, #tpu.memory_space<vmem>> -> memref<128xi32, #tpu.memory_space<vmem>>
      %dma_wait3A_537 = arith.constant 0 : i32
      %dma_wait3A_538 = arith.constant 0 : i32
      %dma_wait3A_539 = tpu.memref_slice %arg4[%add3A, %dma_wait3A_537, %dma_wait3A_538] : memref<32x40x128xi32, #tpu.memory_space<hbm>> -> memref<1x40x128xi32, #tpu.memory_space<hbm>>
      %dma_wait3A_540 = tpu.memref_squeeze %dma_wait3A_539 : memref<1x40x128xi32, #tpu.memory_space<hbm>> -> memref<40x128xi32, #tpu.memory_space<hbm>>
      %dma_wait3A_541 = arith.constant 0 : i32
      %dma_wait3A_542 = tpu.memref_slice %dma_wait3A_540[%add3A_505, %dma_wait3A_541] : memref<40x128xi32, #tpu.memory_space<hbm>> -> memref<1x128xi32, #tpu.memory_space<hbm>>
      %dma_wait3A_543 = tpu.memref_squeeze %dma_wait3A_542 : memref<1x128xi32, #tpu.memory_space<hbm>> -> memref<128xi32, #tpu.memory_space<hbm>>
      tpu.wait_dma2 semaphore(%dma_wait3A_533 : memref<!tpu.dma_semaphore, #tpu.memory_space<semaphore_mem>>) src(%dma_wait3A_543 : memref<128xi32, #tpu.memory_space<hbm>>) dst(%dma_wait3A_536 : memref<128xi32, #tpu.memory_space<vmem>>)
      %dma_start3A_544 = arith.constant 1 : i32
      %dma_start3A_545 = arith.constant 3 : i32
      %dma_start3A_546 = arith.constant 1 : i32
      %dma_start3A_547 = arith.constant 0 : i32
      %dma_start3A_548 = arith.constant 0 : i32
      %dma_start3A_549 = tpu.memref_slice %arg11[%dma_start3A_544, %dma_start3A_547, %dma_start3A_548] : memref<2x128x128xf32, #tpu.memory_space<vmem>> -> memref<1x128x128xf32, #tpu.memory_space<vmem>>
      %dma_start3A_550 = tpu.memref_squeeze %dma_start3A_549 : memref<1x128x128xf32, #tpu.memory_space<vmem>> -> memref<128x128xf32, #tpu.memory_space<vmem>>
      %dma_start3A_551 = arith.constant 0 : i32
      %dma_start3A_552 = tpu.memref_slice %arg10[%dma_start3A_545, %dma_start3A_551] : memref<4x128xi32, #tpu.memory_space<vmem>> -> memref<1x128xi32, #tpu.memory_space<vmem>>
      %dma_start3A_553 = tpu.memref_squeeze %dma_start3A_552 : memref<1x128xi32, #tpu.memory_space<vmem>> -> memref<128xi32, #tpu.memory_space<vmem>>
      %dma_start3A_554 = arith.constant 0 : i32
      %dma_start3A_555 = arith.constant 0 : i32
      %dma_start3A_556 = tpu.memref_slice %arg12[%dma_start3A_554, %dma_start3A_555] : memref<10112x128xf32, #tpu.memory_space<vmem_shared>> -> memref<10112x128xf32, #tpu.memory_space<vmem_shared>>
      %dma_start3A_557 = tpu.memref_slice %arg14[%dma_start3A_546] : memref<2x!tpu.dma_semaphore, #tpu.memory_space<semaphore_mem>> -> memref<1x!tpu.dma_semaphore, #tpu.memory_space<semaphore_mem>>
      %dma_start3A_558 = tpu.memref_squeeze %dma_start3A_557 : memref<1x!tpu.dma_semaphore, #tpu.memory_space<semaphore_mem>> -> memref<!tpu.dma_semaphore, #tpu.memory_space<semaphore_mem>>
      tpu.enqueue_indirect_dma source(%dma_start3A_550 : memref<128x128xf32, #tpu.memory_space<vmem>>) target(%dma_start3A_556 : memref<10112x128xf32, #tpu.memory_space<vmem_shared>>) offsets(%dma_start3A_553 : memref<128xi32, #tpu.memory_space<vmem>>) semaphore(%dma_start3A_558 : memref<!tpu.dma_semaphore, #tpu.memory_space<semaphore_mem>>) {add = true}
      %get3A_559 = arith.constant 3 : i32
      %get3A_560 = arith.index_cast %get3A_559 : i32 to index
      %get3A_561 = arith.constant 0 : index
      %get3A_562 = tpu.vector_load %arg10[%get3A_560, %get3A_561] {strides = array<i32>} : memref<4x128xi32, #tpu.memory_space<vmem>>, vector<16xi32>,
      tpu.vector_store_idx %arg17[%get3A_562], %broadcast_in_dim3A_1 {add = true} : memref<10112xf32, #tpu.memory_space<vmem>>[vector<16xi32>], vector<16xf32>,
      %get3A_563 = arith.constant 3 : i32
      %get3A_564 = arith.index_cast %get3A_563 : i32 to index
      %get3A_565 = arith.constant 16 : index
      %get3A_566 = tpu.vector_load %arg10[%get3A_564, %get3A_565] {strides = array<i32>} : memref<4x128xi32, #tpu.memory_space<vmem>>, vector<16xi32>,
      tpu.vector_store_idx %arg17[%get3A_566], %broadcast_in_dim3A_1 {add = true} : memref<10112xf32, #tpu.memory_space<vmem>>[vector<16xi32>], vector<16xf32>,
      %get3A_567 = arith.constant 3 : i32
      %get3A_568 = arith.index_cast %get3A_567 : i32 to index
      %get3A_569 = arith.constant 32 : index
      %get3A_570 = tpu.vector_load %arg10[%get3A_568, %get3A_569] {strides = array<i32>} : memref<4x128xi32, #tpu.memory_space<vmem>>, vector<16xi32>,
      tpu.vector_store_idx %arg17[%get3A_570], %broadcast_in_dim3A_1 {add = true} : memref<10112xf32, #tpu.memory_space<vmem>>[vector<16xi32>], vector<16xf32>,
      %get3A_571 = arith.constant 3 : i32
      %get3A_572 = arith.index_cast %get3A_571 : i32 to index
      %get3A_573 = arith.constant 48 : index
      %get3A_574 = tpu.vector_load %arg10[%get3A_572, %get3A_573] {strides = array<i32>} : memref<4x128xi32, #tpu.memory_space<vmem>>, vector<16xi32>,
      tpu.vector_store_idx %arg17[%get3A_574], %broadcast_in_dim3A_1 {add = true} : memref<10112xf32, #tpu.memory_space<vmem>>[vector<16xi32>], vector<16xf32>,
      %get3A_575 = arith.constant 3 : i32
      %get3A_576 = arith.index_cast %get3A_575 : i32 to index
      %get3A_577 = arith.constant 64 : index
      %get3A_578 = tpu.vector_load %arg10[%get3A_576, %get3A_577] {strides = array<i32>} : memref<4x128xi32, #tpu.memory_space<vmem>>, vector<16xi32>,
      tpu.vector_store_idx %arg17[%get3A_578], %broadcast_in_dim3A_1 {add = true} : memref<10112xf32, #tpu.memory_space<vmem>>[vector<16xi32>], vector<16xf32>,
      %get3A_579 = arith.constant 3 : i32
      %get3A_580 = arith.index_cast %get3A_579 : i32 to index
      %get3A_581 = arith.constant 80 : index
      %get3A_582 = tpu.vector_load %arg10[%get3A_580, %get3A_581] {strides = array<i32>} : memref<4x128xi32, #tpu.memory_space<vmem>>, vector<16xi32>,
      tpu.vector_store_idx %arg17[%get3A_582], %broadcast_in_dim3A_1 {add = true} : memref<10112xf32, #tpu.memory_space<vmem>>[vector<16xi32>], vector<16xf32>,
      %get3A_583 = arith.constant 3 : i32
      %get3A_584 = arith.index_cast %get3A_583 : i32 to index
      %get3A_585 = arith.constant 96 : index
      %get3A_586 = tpu.vector_load %arg10[%get3A_584, %get3A_585] {strides = array<i32>} : memref<4x128xi32, #tpu.memory_space<vmem>>, vector<16xi32>,
      tpu.vector_store_idx %arg17[%get3A_586], %broadcast_in_dim3A_1 {add = true} : memref<10112xf32, #tpu.memory_space<vmem>>[vector<16xi32>], vector<16xf32>,
      %get3A_587 = arith.constant 3 : i32
      %get3A_588 = arith.index_cast %get3A_587 : i32 to index
      %get3A_589 = arith.constant 112 : index
      %get3A_590 = tpu.vector_load %arg10[%get3A_588, %get3A_589] {strides = array<i32>} : memref<4x128xi32, #tpu.memory_space<vmem>>, vector<16xi32>,
      tpu.vector_store_idx %arg17[%get3A_590], %broadcast_in_dim3A_1 {add = true} : memref<10112xf32, #tpu.memory_space<vmem>>[vector<16xi32>], vector<16xf32>,
      %dma_wait3A_591 = arith.constant 1 : i32
      %dma_wait3A_592 = arith.constant 3 : i32
      %dma_wait3A_593 = arith.constant 1 : i32
      %dma_wait3A_594 = arith.constant 0 : i32
      %dma_wait3A_595 = arith.constant 0 : i32
      %dma_wait3A_596 = tpu.memref_slice %arg11[%dma_wait3A_591, %dma_wait3A_594, %dma_wait3A_595] : memref<2x128x128xf32, #tpu.memory_space<vmem>> -> memref<1x128x128xf32, #tpu.memory_space<vmem>>
      %dma_wait3A_597 = tpu.memref_squeeze %dma_wait3A_596 : memref<1x128x128xf32, #tpu.memory_space<vmem>> -> memref<128x128xf32, #tpu.memory_space<vmem>>
      %dma_wait3A_598 = arith.constant 0 : i32
      %dma_wait3A_599 = tpu.memref_slice %arg10[%dma_wait3A_592, %dma_wait3A_598] : memref<4x128xi32, #tpu.memory_space<vmem>> -> memref<1x128xi32, #tpu.memory_space<vmem>>
      %dma_wait3A_600 = tpu.memref_squeeze %dma_wait3A_599 : memref<1x128xi32, #tpu.memory_space<vmem>> -> memref<128xi32, #tpu.memory_space<vmem>>
      %dma_wait3A_601 = arith.constant 0 : i32
      %dma_wait3A_602 = arith.constant 0 : i32
      %dma_wait3A_603 = tpu.memref_slice %arg12[%dma_wait3A_601, %dma_wait3A_602] : memref<10112x128xf32, #tpu.memory_space<vmem_shared>> -> memref<10112x128xf32, #tpu.memory_space<vmem_shared>>
      %dma_wait3A_604 = tpu.memref_slice %arg14[%dma_wait3A_593] : memref<2x!tpu.dma_semaphore, #tpu.memory_space<semaphore_mem>> -> memref<1x!tpu.dma_semaphore, #tpu.memory_space<semaphore_mem>>
      %dma_wait3A_605 = tpu.memref_squeeze %dma_wait3A_604 : memref<1x!tpu.dma_semaphore, #tpu.memory_space<semaphore_mem>> -> memref<!tpu.dma_semaphore, #tpu.memory_space<semaphore_mem>>
      tpu.wait_indirect_dma semaphore(%dma_wait3A_605 : memref<!tpu.dma_semaphore, #tpu.memory_space<semaphore_mem>>) src(%dma_wait3A_597 : memref<128x128xf32, #tpu.memory_space<vmem>>) dst(%dma_wait3A_603 : memref<10112x128xf32, #tpu.memory_space<vmem_shared>>)
      %add3A_606 = arith.constant 4 : i32
      %add3A_607 = arith.addi %add3A_505, %add3A_606 : i32
      %lt3A_608 = arith.constant 40 : i32
      %lt3A_609 = arith.cmpi slt, %add3A_607, %lt3A_608 : i32
      %convert_element_type3A_610 = arith.extui %lt3A_609 : i1 to i32
      %cond3A_611 = arith.constant 0 : i32
      %cond3A_612 = arith.cmpi ne, %convert_element_type3A_610, %cond3A_611 : i32
      scf.if %cond3A_612 {
        %add3A_620 = arith.constant 4 : i32
        %add3A_621 = arith.addi %add3A_505, %add3A_620 : i32
        %dma_start3A_622 = arith.constant 3 : i32
        %dma_start3A_623 = arith.constant 3 : i32
        %dma_start3A_624 = arith.constant 0 : i32
        %dma_start3A_625 = tpu.memref_slice %arg10[%dma_start3A_622, %dma_start3A_624] : memref<4x128xi32, #tpu.memory_space<vmem>> -> memref<1x128xi32, #tpu.memory_space<vmem>>
        %dma_start3A_626 = tpu.memref_squeeze %dma_start3A_625 : memref<1x128xi32, #tpu.memory_space<vmem>> -> memref<128xi32, #tpu.memory_space<vmem>>
        %dma_start3A_627 = arith.constant 0 : i32
        %dma_start3A_628 = arith.constant 0 : i32
        %dma_start3A_629 = tpu.memref_slice %arg4[%add3A, %dma_start3A_627, %dma_start3A_628] : memref<32x40x128xi32, #tpu.memory_space<hbm>> -> memref<1x40x128xi32, #tpu.memory_space<hbm>>
        %dma_start3A_630 = tpu.memref_squeeze %dma_start3A_629 : memref<1x40x128xi32, #tpu.memory_space<hbm>> -> memref<40x128xi32, #tpu.memory_space<hbm>>
        %dma_start3A_631 = arith.constant 0 : i32
        %dma_start3A_632 = tpu.memref_slice %dma_start3A_630[%add3A_621, %dma_start3A_631] : memref<40x128xi32, #tpu.memory_space<hbm>> -> memref<1x128xi32, #tpu.memory_space<hbm>>
        %dma_start3A_633 = tpu.memref_squeeze %dma_start3A_632 : memref<1x128xi32, #tpu.memory_space<hbm>> -> memref<128xi32, #tpu.memory_space<hbm>>
        %dma_start3A_634 = tpu.memref_slice %arg15[%dma_start3A_623] : memref<4x!tpu.dma_semaphore, #tpu.memory_space<semaphore_mem>> -> memref<1x!tpu.dma_semaphore, #tpu.memory_space<semaphore_mem>>
        %dma_start3A_635 = tpu.memref_squeeze %dma_start3A_634 : memref<1x!tpu.dma_semaphore, #tpu.memory_space<semaphore_mem>> -> memref<!tpu.dma_semaphore, #tpu.memory_space<semaphore_mem>>
        %dma_start3A_636 = arith.constant 0 : i32
        %dma_start3A_637 = tpu.memref_slice %arg10[%dma_start3A_622, %dma_start3A_636] : memref<4x128xi32, #tpu.memory_space<vmem>> -> memref<1x128xi32, #tpu.memory_space<vmem>>
        %dma_start3A_638 = tpu.memref_squeeze %dma_start3A_637 : memref<1x128xi32, #tpu.memory_space<vmem>> -> memref<128xi32, #tpu.memory_space<vmem>>
        %dma_start3A_639 = arith.constant 0 : i32
        %dma_start3A_640 = arith.constant 0 : i32
        %dma_start3A_641 = tpu.memref_slice %arg4[%add3A, %dma_start3A_639, %dma_start3A_640] : memref<32x40x128xi32, #tpu.memory_space<hbm>> -> memref<1x40x128xi32, #tpu.memory_space<hbm>>
        %dma_start3A_642 = tpu.memref_squeeze %dma_start3A_641 : memref<1x40x128xi32, #tpu.memory_space<hbm>> -> memref<40x128xi32, #tpu.memory_space<hbm>>
        %dma_start3A_643 = arith.constant 0 : i32
        %dma_start3A_644 = tpu.memref_slice %dma_start3A_642[%add3A_621, %dma_start3A_643] : memref<40x128xi32, #tpu.memory_space<hbm>> -> memref<1x128xi32, #tpu.memory_space<hbm>>
        %dma_start3A_645 = tpu.memref_squeeze %dma_start3A_644 : memref<1x128xi32, #tpu.memory_space<hbm>> -> memref<128xi32, #tpu.memory_space<hbm>>
        tpu.enqueue_dma source(%dma_start3A_645 : memref<128xi32, #tpu.memory_space<hbm>>) target(%dma_start3A_638 : memref<128xi32, #tpu.memory_space<vmem>>) target_semaphore(%dma_start3A_635 : memref<!tpu.dma_semaphore, #tpu.memory_space<semaphore_mem>>)
      } else {
      }
      %add3A_613 = arith.constant 2 : i32
      %add3A_614 = arith.addi %add3A_505, %add3A_613 : i32
      %lt3A_615 = arith.constant 40 : i32
      %lt3A_616 = arith.cmpi slt, %add3A_614, %lt3A_615 : i32
      %convert_element_type3A_617 = arith.extui %lt3A_616 : i1 to i32
      %cond3A_618 = arith.constant 0 : i32
      %cond3A_619 = arith.cmpi ne, %convert_element_type3A_617, %cond3A_618 : i32
      scf.if %cond3A_619 {
        %add3A_620 = arith.constant 2 : i32
        %add3A_621 = arith.addi %add3A_505, %add3A_620 : i32
        %dma_start3A_622 = arith.constant 1 : i32
        %dma_start3A_623 = arith.constant 1 : i32
        %dma_start3A_624 = arith.constant 0 : i32
        %dma_start3A_625 = arith.constant 0 : i32
        %dma_start3A_626 = tpu.memref_slice %arg11[%dma_start3A_622, %dma_start3A_624, %dma_start3A_625] : memref<2x128x128xf32, #tpu.memory_space<vmem>> -> memref<1x128x128xf32, #tpu.memory_space<vmem>>
        %dma_start3A_627 = tpu.memref_squeeze %dma_start3A_626 : memref<1x128x128xf32, #tpu.memory_space<vmem>> -> memref<128x128xf32, #tpu.memory_space<vmem>>
        %dma_start3A_628 = arith.constant 0 : i32
        %dma_start3A_629 = tpu.memref_slice %arg9[%add3A_621, %dma_start3A_628] : memref<40x128xi32, #tpu.memory_space<vmem>> -> memref<1x128xi32, #tpu.memory_space<vmem>>
        %dma_start3A_630 = tpu.memref_squeeze %dma_start3A_629 : memref<1x128xi32, #tpu.memory_space<vmem>> -> memref<128xi32, #tpu.memory_space<vmem>>
        %dma_start3A_631 = arith.constant 0 : i32
        %dma_start3A_632 = arith.constant 0 : i32
        %dma_start3A_633 = tpu.memref_slice %arg2[%dma_start3A_631, %dma_start3A_632] : memref<10000x128xf32, #tpu.memory_space<hbm>> -> memref<10000x128xf32, #tpu.memory_space<hbm>>
        %dma_start3A_634 = tpu.memref_slice %arg13[%dma_start3A_623] : memref<2x!tpu.dma_semaphore, #tpu.memory_space<semaphore_mem>> -> memref<1x!tpu.dma_semaphore, #tpu.memory_space<semaphore_mem>>
        %dma_start3A_635 = tpu.memref_squeeze %dma_start3A_634 : memref<1x!tpu.dma_semaphore, #tpu.memory_space<semaphore_mem>> -> memref<!tpu.dma_semaphore, #tpu.memory_space<semaphore_mem>>
        tpu.enqueue_indirect_dma source(%dma_start3A_633 : memref<10000x128xf32, #tpu.memory_space<hbm>>) target(%dma_start3A_627 : memref<128x128xf32, #tpu.memory_space<vmem>>) offsets(%dma_start3A_630 : memref<128xi32, #tpu.memory_space<vmem>>) semaphore(%dma_start3A_635 : memref<!tpu.dma_semaphore, #tpu.memory_space<semaphore_mem>>)
      } else {
      }
    }
    %scan3A_145 = arith.constant 10 : i32
    "tpu.trace_stop"() : () -> ()
    "tpu.trace_start"() <{level = 10 : i32, message = "sc_bar"}> : () -> ()
    %barrier3A_146 = arith.constant 0 : index
    tpu.barrier barrier_id(%barrier3A_146)
    "tpu.trace_stop"() : () -> ()
    "tpu.trace_start"() <{level = 10 : i32, message = "sc_copyout"}> : () -> ()
    %mul3A_147 = arith.constant 632 : i32
    %mul3A_148 = arith.muli %arg1, %mul3A_147 : i32
    %mul3A_149 = arith.constant 632 : i32
    %mul3A_150 = arith.muli %arg1, %mul3A_149 : i32
    "tpu.region"() ({
      %run_scoped3A = tpu.sem_alloc : memref<!tpu.dma_semaphore, #tpu.memory_space<semaphore_mem>>
      %dma_start3A_151 = arith.constant 0 : i32
      %dma_start3A_152 = tpu.memref_slice %arg7[%arg0, %mul3A_150, %dma_start3A_151] : memref<2x10112x128xf32, #tpu.memory_space<hbm>> -> memref<1x632x128xf32, #tpu.memory_space<hbm>>
      %dma_start3A_153 = tpu.memref_squeeze %dma_start3A_152 : memref<1x632x128xf32, #tpu.memory_space<hbm>> -> memref<632x128xf32, #tpu.memory_space<hbm>>
      %dma_start3A_154 = arith.constant 0 : i32
      %dma_start3A_155 = tpu.memref_slice %arg12[%mul3A_148, %dma_start3A_154] : memref<10112x128xf32, #tpu.memory_space<vmem_shared>> -> memref<632x128xf32, #tpu.memory_space<vmem_shared>>
      tpu.enqueue_dma source(%dma_start3A_155 : memref<632x128xf32, #tpu.memory_space<vmem_shared>>) target(%dma_start3A_153 : memref<632x128xf32, #tpu.memory_space<hbm>>) target_semaphore(%run_scoped3A : memref<!tpu.dma_semaphore, #tpu.memory_space<semaphore_mem>>)
      %dma_wait3A_156 = arith.constant 0 : i32
      %dma_wait3A_157 = tpu.memref_slice %arg7[%arg0, %mul3A_150, %dma_wait3A_156] : memref<2x10112x128xf32, #tpu.memory_space<hbm>> -> memref<1x632x128xf32, #tpu.memory_space<hbm>>
      %dma_wait3A_158 = tpu.memref_squeeze %dma_wait3A_157 : memref<1x632x128xf32, #tpu.memory_space<hbm>> -> memref<632x128xf32, #tpu.memory_space<hbm>>
      %dma_wait3A_159 = arith.constant 0 : i32
      %dma_wait3A_160 = tpu.memref_slice %arg12[%mul3A_148, %dma_wait3A_159] : memref<10112x128xf32, #tpu.memory_space<vmem_shared>> -> memref<632x128xf32, #tpu.memory_space<vmem_shared>>
      tpu.wait_dma2 semaphore(%run_scoped3A : memref<!tpu.dma_semaphore, #tpu.memory_space<semaphore_mem>>) src(%dma_wait3A_160 : memref<632x128xf32, #tpu.memory_space<vmem_shared>>) dst(%dma_wait3A_158 : memref<632x128xf32, #tpu.memory_space<hbm>>)
      tpu.yield
    }) : () -> ()
    "tpu.region"() ({
      %run_scoped3A = tpu.sem_alloc : memref<!tpu.dma_semaphore, #tpu.memory_space<semaphore_mem>>
      %dma_start3A_151 = arith.constant 0 : i32
      %dma_start3A_152 = tpu.memref_slice %arg8[%add3A, %dma_start3A_151] : memref<32x10112xf32, #tpu.memory_space<hbm>> -> memref<1x10112xf32, #tpu.memory_space<hbm>>
      %dma_start3A_153 = tpu.memref_squeeze %dma_start3A_152 : memref<1x10112xf32, #tpu.memory_space<hbm>> -> memref<10112xf32, #tpu.memory_space<hbm>>
      %dma_start3A_154 = arith.constant 0 : i32
      %dma_start3A_155 = tpu.memref_slice %arg8[%add3A, %dma_start3A_154] : memref<32x10112xf32, #tpu.memory_space<hbm>> -> memref<1x10112xf32, #tpu.memory_space<hbm>>
      %dma_start3A_156 = tpu.memref_squeeze %dma_start3A_155 : memref<1x10112xf32, #tpu.memory_space<hbm>> -> memref<10112xf32, #tpu.memory_space<hbm>>
      tpu.enqueue_dma source(%arg17 : memref<10112xf32, #tpu.memory_space<vmem>>) target(%dma_start3A_156 : memref<10112xf32, #tpu.memory_space<hbm>>) target_semaphore(%run_scoped3A : memref<!tpu.dma_semaphore, #tpu.memory_space<semaphore_mem>>)
      %dma_wait3A_157 = arith.constant 0 : i32
      %dma_wait3A_158 = tpu.memref_slice %arg8[%add3A, %dma_wait3A_157] : memref<32x10112xf32, #tpu.memory_space<hbm>> -> memref<1x10112xf32, #tpu.memory_space<hbm>>
      %dma_wait3A_159 = tpu.memref_squeeze %dma_wait3A_158 : memref<1x10112xf32, #tpu.memory_space<hbm>> -> memref<10112xf32, #tpu.memory_space<hbm>>
      %dma_wait3A_160 = arith.constant 0 : i32
      %dma_wait3A_161 = tpu.memref_slice %arg8[%add3A, %dma_wait3A_160] : memref<32x10112xf32, #tpu.memory_space<hbm>> -> memref<1x10112xf32, #tpu.memory_space<hbm>>
      %dma_wait3A_162 = tpu.memref_squeeze %dma_wait3A_161 : memref<1x10112xf32, #tpu.memory_space<hbm>> -> memref<10112xf32, #tpu.memory_space<hbm>>
      tpu.wait_dma2 semaphore(%run_scoped3A : memref<!tpu.dma_semaphore, #tpu.memory_space<semaphore_mem>>) src(%arg17 : memref<10112xf32, #tpu.memory_space<vmem>>) dst(%dma_wait3A_162 : memref<10112xf32, #tpu.memory_space<hbm>>)
      tpu.yield
    }) : () -> ()
    "tpu.trace_stop"() : () -> ()
    return
  }
}

#map = affine_map<(d0, d1) -> (0, 0)>
#map1 = affine_map<(d0, d1) -> (0, 0, 0)>
#map2 = affine_map<(d0, d1) -> (0)>
module attributes {stable_mosaic.version = 14 : i64} {
  func.func @sc_agg(%arg0: i32, %arg1: i32, %arg2: memref<10000x128xf32, #tpu.memory_space<hbm>>, %arg3: memref<32x40x128xi32, #tpu.memory_space<hbm>>, %arg4: memref<32x40x128xi32, #tpu.memory_space<hbm>>, %arg5: memref<10112x128xf32, #tpu.memory_space<hbm>>, %arg6: memref<10112xf32, #tpu.memory_space<hbm>>, %arg7: memref<2x10112x128xf32, #tpu.memory_space<hbm>>, %arg8: memref<40x128xi32, #tpu.memory_space<vmem>>, %arg9: memref<4x128xi32, #tpu.memory_space<vmem>>, %arg10: memref<2x128x128xf32, #tpu.memory_space<vmem>>, %arg11: memref<10112x128xf32, #tpu.memory_space<vmem_shared>>, %arg12: memref<2x!tpu.dma_semaphore, #tpu.memory_space<semaphore_mem>>, %arg13: memref<2x!tpu.dma_semaphore, #tpu.memory_space<semaphore_mem>>, %arg14: memref<4x!tpu.dma_semaphore, #tpu.memory_space<semaphore_mem>>, %arg15: memref<!tpu.dma_semaphore, #tpu.memory_space<semaphore_mem>>) attributes {dimension_semantics = [#tpu.dimension_semantics<core_parallel>, #tpu.dimension_semantics<subcore_parallel>], iteration_bounds = array<i64: 2, 16>, scalar_prefetch = 0 : i64, scratch_operands = 8 : i64, tpu.core_type = #tpu.core_type<sc_vector_subcore>, window_params = [{transform_indices = #map}, {transform_indices = #map1}, {transform_indices = #map1}, {transform_indices = #map}, {transform_indices = #map2}, {transform_indices = #map1}]} {
    %mul3A = arith.constant 16 : i32
    %mul3A_0 = arith.muli %arg0, %mul3A : i32
    %add3A = arith.addi %mul3A_0, %arg1 : i32
    %broadcast_in_dim3A = arith.constant 1.000000e+00 : f32
    %broadcast_in_dim3A_1 = vector.broadcast %broadcast_in_dim3A : f32 to vector<16xf32>
    "tpu.trace_start"() <{level = 10 : i32, message = "sc_zero"}> : () -> ()
    %mul3A_2 = arith.constant 632 : i32
    %mul3A_3 = arith.muli %arg1, %mul3A_2 : i32
    %mul3A_4 = arith.constant 632 : i32
    %mul3A_5 = arith.muli %arg1, %mul3A_4 : i32
    %dma_start3A = arith.constant 0 : i32
    %dma_start3A_6 = tpu.memref_slice %arg11[%mul3A_5, %dma_start3A] : memref<10112x128xf32, #tpu.memory_space<vmem_shared>> -> memref<632x128xf32, #tpu.memory_space<vmem_shared>>
    %dma_start3A_7 = arith.constant 0 : i32
    %dma_start3A_8 = tpu.memref_slice %arg5[%mul3A_3, %dma_start3A_7] : memref<10112x128xf32, #tpu.memory_space<hbm>> -> memref<632x128xf32, #tpu.memory_space<hbm>>
    tpu.enqueue_dma source(%dma_start3A_8 : memref<632x128xf32, #tpu.memory_space<hbm>>) target(%dma_start3A_6 : memref<632x128xf32, #tpu.memory_space<vmem_shared>>) target_semaphore(%arg15 : memref<!tpu.dma_semaphore, #tpu.memory_space<semaphore_mem>>)
    "tpu.region"() ({
      %run_scoped3A = tpu.sem_alloc : memref<!tpu.dma_semaphore, #tpu.memory_space<semaphore_mem>>
      %dma_start3A_151 = arith.constant 0 : i32
      %dma_start3A_152 = arith.constant 0 : i32
      %dma_start3A_153 = tpu.memref_slice %arg3[%add3A, %dma_start3A_151, %dma_start3A_152] : memref<32x40x128xi32, #tpu.memory_space<hbm>> -> memref<1x40x128xi32, #tpu.memory_space<hbm>>
      %dma_start3A_154 = tpu.memref_squeeze %dma_start3A_153 : memref<1x40x128xi32, #tpu.memory_space<hbm>> -> memref<40x128xi32, #tpu.memory_space<hbm>>
      %dma_start3A_155 = arith.constant 0 : i32
      %dma_start3A_156 = arith.constant 0 : i32
      %dma_start3A_157 = tpu.memref_slice %arg3[%add3A, %dma_start3A_155, %dma_start3A_156] : memref<32x40x128xi32, #tpu.memory_space<hbm>> -> memref<1x40x128xi32, #tpu.memory_space<hbm>>
      %dma_start3A_158 = tpu.memref_squeeze %dma_start3A_157 : memref<1x40x128xi32, #tpu.memory_space<hbm>> -> memref<40x128xi32, #tpu.memory_space<hbm>>
      tpu.enqueue_dma source(%dma_start3A_158 : memref<40x128xi32, #tpu.memory_space<hbm>>) target(%arg8 : memref<40x128xi32, #tpu.memory_space<vmem>>) target_semaphore(%run_scoped3A : memref<!tpu.dma_semaphore, #tpu.memory_space<semaphore_mem>>)
      %dma_wait3A_159 = arith.constant 0 : i32
      %dma_wait3A_160 = arith.constant 0 : i32
      %dma_wait3A_161 = tpu.memref_slice %arg3[%add3A, %dma_wait3A_159, %dma_wait3A_160] : memref<32x40x128xi32, #tpu.memory_space<hbm>> -> memref<1x40x128xi32, #tpu.memory_space<hbm>>
      %dma_wait3A_162 = tpu.memref_squeeze %dma_wait3A_161 : memref<1x40x128xi32, #tpu.memory_space<hbm>> -> memref<40x128xi32, #tpu.memory_space<hbm>>
      %dma_wait3A_163 = arith.constant 0 : i32
      %dma_wait3A_164 = arith.constant 0 : i32
      %dma_wait3A_165 = tpu.memref_slice %arg3[%add3A, %dma_wait3A_163, %dma_wait3A_164] : memref<32x40x128xi32, #tpu.memory_space<hbm>> -> memref<1x40x128xi32, #tpu.memory_space<hbm>>
      %dma_wait3A_166 = tpu.memref_squeeze %dma_wait3A_165 : memref<1x40x128xi32, #tpu.memory_space<hbm>> -> memref<40x128xi32, #tpu.memory_space<hbm>>
      tpu.wait_dma2 semaphore(%run_scoped3A : memref<!tpu.dma_semaphore, #tpu.memory_space<semaphore_mem>>) src(%dma_wait3A_166 : memref<40x128xi32, #tpu.memory_space<hbm>>) dst(%arg8 : memref<40x128xi32, #tpu.memory_space<vmem>>)
      tpu.yield
    }) : () -> ()
    %dma_start3A_9 = arith.constant 0 : i32
    %dma_start3A_10 = arith.constant 0 : i32
    %dma_start3A_11 = arith.constant 0 : i32
    %dma_start3A_12 = arith.constant 0 : i32
    %dma_start3A_13 = tpu.memref_slice %arg9[%dma_start3A_10, %dma_start3A_12] : memref<4x128xi32, #tpu.memory_space<vmem>> -> memref<1x128xi32, #tpu.memory_space<vmem>>
    %dma_start3A_14 = tpu.memref_squeeze %dma_start3A_13 : memref<1x128xi32, #tpu.memory_space<vmem>> -> memref<128xi32, #tpu.memory_space<vmem>>
    %dma_start3A_15 = arith.constant 0 : i32
    %dma_start3A_16 = arith.constant 0 : i32
    %dma_start3A_17 = tpu.memref_slice %arg4[%add3A, %dma_start3A_15, %dma_start3A_16] : memref<32x40x128xi32, #tpu.memory_space<hbm>> -> memref<1x40x128xi32, #tpu.memory_space<hbm>>
    %dma_start3A_18 = tpu.memref_squeeze %dma_start3A_17 : memref<1x40x128xi32, #tpu.memory_space<hbm>> -> memref<40x128xi32, #tpu.memory_space<hbm>>
    %dma_start3A_19 = arith.constant 0 : i32
    %dma_start3A_20 = tpu.memref_slice %dma_start3A_18[%dma_start3A_9, %dma_start3A_19] : memref<40x128xi32, #tpu.memory_space<hbm>> -> memref<1x128xi32, #tpu.memory_space<hbm>>
    %dma_start3A_21 = tpu.memref_squeeze %dma_start3A_20 : memref<1x128xi32, #tpu.memory_space<hbm>> -> memref<128xi32, #tpu.memory_space<hbm>>
    %dma_start3A_22 = tpu.memref_slice %arg14[%dma_start3A_11] : memref<4x!tpu.dma_semaphore, #tpu.memory_space<semaphore_mem>> -> memref<1x!tpu.dma_semaphore, #tpu.memory_space<semaphore_mem>>
    %dma_start3A_23 = tpu.memref_squeeze %dma_start3A_22 : memref<1x!tpu.dma_semaphore, #tpu.memory_space<semaphore_mem>> -> memref<!tpu.dma_semaphore, #tpu.memory_space<semaphore_mem>>
    %dma_start3A_24 = arith.constant 0 : i32
    %dma_start3A_25 = tpu.memref_slice %arg9[%dma_start3A_10, %dma_start3A_24] : memref<4x128xi32, #tpu.memory_space<vmem>> -> memref<1x128xi32, #tpu.memory_space<vmem>>
    %dma_start3A_26 = tpu.memref_squeeze %dma_start3A_25 : memref<1x128xi32, #tpu.memory_space<vmem>> -> memref<128xi32, #tpu.memory_space<vmem>>
    %dma_start3A_27 = arith.constant 0 : i32
    %dma_start3A_28 = arith.constant 0 : i32
    %dma_start3A_29 = tpu.memref_slice %arg4[%add3A, %dma_start3A_27, %dma_start3A_28] : memref<32x40x128xi32, #tpu.memory_space<hbm>> -> memref<1x40x128xi32, #tpu.memory_space<hbm>>
    %dma_start3A_30 = tpu.memref_squeeze %dma_start3A_29 : memref<1x40x128xi32, #tpu.memory_space<hbm>> -> memref<40x128xi32, #tpu.memory_space<hbm>>
    %dma_start3A_31 = arith.constant 0 : i32
    %dma_start3A_32 = tpu.memref_slice %dma_start3A_30[%dma_start3A_9, %dma_start3A_31] : memref<40x128xi32, #tpu.memory_space<hbm>> -> memref<1x128xi32, #tpu.memory_space<hbm>>
    %dma_start3A_33 = tpu.memref_squeeze %dma_start3A_32 : memref<1x128xi32, #tpu.memory_space<hbm>> -> memref<128xi32, #tpu.memory_space<hbm>>
    tpu.enqueue_dma source(%dma_start3A_33 : memref<128xi32, #tpu.memory_space<hbm>>) target(%dma_start3A_26 : memref<128xi32, #tpu.memory_space<vmem>>) target_semaphore(%dma_start3A_23 : memref<!tpu.dma_semaphore, #tpu.memory_space<semaphore_mem>>)
    %dma_start3A_34 = arith.constant 1 : i32
    %dma_start3A_35 = arith.constant 1 : i32
    %dma_start3A_36 = arith.constant 1 : i32
    %dma_start3A_37 = arith.constant 0 : i32
    %dma_start3A_38 = tpu.memref_slice %arg9[%dma_start3A_35, %dma_start3A_37] : memref<4x128xi32, #tpu.memory_space<vmem>> -> memref<1x128xi32, #tpu.memory_space<vmem>>
    %dma_start3A_39 = tpu.memref_squeeze %dma_start3A_38 : memref<1x128xi32, #tpu.memory_space<vmem>> -> memref<128xi32, #tpu.memory_space<vmem>>
    %dma_start3A_40 = arith.constant 0 : i32
    %dma_start3A_41 = arith.constant 0 : i32
    %dma_start3A_42 = tpu.memref_slice %arg4[%add3A, %dma_start3A_40, %dma_start3A_41] : memref<32x40x128xi32, #tpu.memory_space<hbm>> -> memref<1x40x128xi32, #tpu.memory_space<hbm>>
    %dma_start3A_43 = tpu.memref_squeeze %dma_start3A_42 : memref<1x40x128xi32, #tpu.memory_space<hbm>> -> memref<40x128xi32, #tpu.memory_space<hbm>>
    %dma_start3A_44 = arith.constant 0 : i32
    %dma_start3A_45 = tpu.memref_slice %dma_start3A_43[%dma_start3A_34, %dma_start3A_44] : memref<40x128xi32, #tpu.memory_space<hbm>> -> memref<1x128xi32, #tpu.memory_space<hbm>>
    %dma_start3A_46 = tpu.memref_squeeze %dma_start3A_45 : memref<1x128xi32, #tpu.memory_space<hbm>> -> memref<128xi32, #tpu.memory_space<hbm>>
    %dma_start3A_47 = tpu.memref_slice %arg14[%dma_start3A_36] : memref<4x!tpu.dma_semaphore, #tpu.memory_space<semaphore_mem>> -> memref<1x!tpu.dma_semaphore, #tpu.memory_space<semaphore_mem>>
    %dma_start3A_48 = tpu.memref_squeeze %dma_start3A_47 : memref<1x!tpu.dma_semaphore, #tpu.memory_space<semaphore_mem>> -> memref<!tpu.dma_semaphore, #tpu.memory_space<semaphore_mem>>
    %dma_start3A_49 = arith.constant 0 : i32
    %dma_start3A_50 = tpu.memref_slice %arg9[%dma_start3A_35, %dma_start3A_49] : memref<4x128xi32, #tpu.memory_space<vmem>> -> memref<1x128xi32, #tpu.memory_space<vmem>>
    %dma_start3A_51 = tpu.memref_squeeze %dma_start3A_50 : memref<1x128xi32, #tpu.memory_space<vmem>> -> memref<128xi32, #tpu.memory_space<vmem>>
    %dma_start3A_52 = arith.constant 0 : i32
    %dma_start3A_53 = arith.constant 0 : i32
    %dma_start3A_54 = tpu.memref_slice %arg4[%add3A, %dma_start3A_52, %dma_start3A_53] : memref<32x40x128xi32, #tpu.memory_space<hbm>> -> memref<1x40x128xi32, #tpu.memory_space<hbm>>
    %dma_start3A_55 = tpu.memref_squeeze %dma_start3A_54 : memref<1x40x128xi32, #tpu.memory_space<hbm>> -> memref<40x128xi32, #tpu.memory_space<hbm>>
    %dma_start3A_56 = arith.constant 0 : i32
    %dma_start3A_57 = tpu.memref_slice %dma_start3A_55[%dma_start3A_34, %dma_start3A_56] : memref<40x128xi32, #tpu.memory_space<hbm>> -> memref<1x128xi32, #tpu.memory_space<hbm>>
    %dma_start3A_58 = tpu.memref_squeeze %dma_start3A_57 : memref<1x128xi32, #tpu.memory_space<hbm>> -> memref<128xi32, #tpu.memory_space<hbm>>
    tpu.enqueue_dma source(%dma_start3A_58 : memref<128xi32, #tpu.memory_space<hbm>>) target(%dma_start3A_51 : memref<128xi32, #tpu.memory_space<vmem>>) target_semaphore(%dma_start3A_48 : memref<!tpu.dma_semaphore, #tpu.memory_space<semaphore_mem>>)
    %dma_start3A_59 = arith.constant 2 : i32
    %dma_start3A_60 = arith.constant 2 : i32
    %dma_start3A_61 = arith.constant 2 : i32
    %dma_start3A_62 = arith.constant 0 : i32
    %dma_start3A_63 = tpu.memref_slice %arg9[%dma_start3A_60, %dma_start3A_62] : memref<4x128xi32, #tpu.memory_space<vmem>> -> memref<1x128xi32, #tpu.memory_space<vmem>>
    %dma_start3A_64 = tpu.memref_squeeze %dma_start3A_63 : memref<1x128xi32, #tpu.memory_space<vmem>> -> memref<128xi32, #tpu.memory_space<vmem>>
    %dma_start3A_65 = arith.constant 0 : i32
    %dma_start3A_66 = arith.constant 0 : i32
    %dma_start3A_67 = tpu.memref_slice %arg4[%add3A, %dma_start3A_65, %dma_start3A_66] : memref<32x40x128xi32, #tpu.memory_space<hbm>> -> memref<1x40x128xi32, #tpu.memory_space<hbm>>
    %dma_start3A_68 = tpu.memref_squeeze %dma_start3A_67 : memref<1x40x128xi32, #tpu.memory_space<hbm>> -> memref<40x128xi32, #tpu.memory_space<hbm>>
    %dma_start3A_69 = arith.constant 0 : i32
    %dma_start3A_70 = tpu.memref_slice %dma_start3A_68[%dma_start3A_59, %dma_start3A_69] : memref<40x128xi32, #tpu.memory_space<hbm>> -> memref<1x128xi32, #tpu.memory_space<hbm>>
    %dma_start3A_71 = tpu.memref_squeeze %dma_start3A_70 : memref<1x128xi32, #tpu.memory_space<hbm>> -> memref<128xi32, #tpu.memory_space<hbm>>
    %dma_start3A_72 = tpu.memref_slice %arg14[%dma_start3A_61] : memref<4x!tpu.dma_semaphore, #tpu.memory_space<semaphore_mem>> -> memref<1x!tpu.dma_semaphore, #tpu.memory_space<semaphore_mem>>
    %dma_start3A_73 = tpu.memref_squeeze %dma_start3A_72 : memref<1x!tpu.dma_semaphore, #tpu.memory_space<semaphore_mem>> -> memref<!tpu.dma_semaphore, #tpu.memory_space<semaphore_mem>>
    %dma_start3A_74 = arith.constant 0 : i32
    %dma_start3A_75 = tpu.memref_slice %arg9[%dma_start3A_60, %dma_start3A_74] : memref<4x128xi32, #tpu.memory_space<vmem>> -> memref<1x128xi32, #tpu.memory_space<vmem>>
    %dma_start3A_76 = tpu.memref_squeeze %dma_start3A_75 : memref<1x128xi32, #tpu.memory_space<vmem>> -> memref<128xi32, #tpu.memory_space<vmem>>
    %dma_start3A_77 = arith.constant 0 : i32
    %dma_start3A_78 = arith.constant 0 : i32
    %dma_start3A_79 = tpu.memref_slice %arg4[%add3A, %dma_start3A_77, %dma_start3A_78] : memref<32x40x128xi32, #tpu.memory_space<hbm>> -> memref<1x40x128xi32, #tpu.memory_space<hbm>>
    %dma_start3A_80 = tpu.memref_squeeze %dma_start3A_79 : memref<1x40x128xi32, #tpu.memory_space<hbm>> -> memref<40x128xi32, #tpu.memory_space<hbm>>
    %dma_start3A_81 = arith.constant 0 : i32
    %dma_start3A_82 = tpu.memref_slice %dma_start3A_80[%dma_start3A_59, %dma_start3A_81] : memref<40x128xi32, #tpu.memory_space<hbm>> -> memref<1x128xi32, #tpu.memory_space<hbm>>
    %dma_start3A_83 = tpu.memref_squeeze %dma_start3A_82 : memref<1x128xi32, #tpu.memory_space<hbm>> -> memref<128xi32, #tpu.memory_space<hbm>>
    tpu.enqueue_dma source(%dma_start3A_83 : memref<128xi32, #tpu.memory_space<hbm>>) target(%dma_start3A_76 : memref<128xi32, #tpu.memory_space<vmem>>) target_semaphore(%dma_start3A_73 : memref<!tpu.dma_semaphore, #tpu.memory_space<semaphore_mem>>)
    %dma_start3A_84 = arith.constant 3 : i32
    %dma_start3A_85 = arith.constant 3 : i32
    %dma_start3A_86 = arith.constant 3 : i32
    %dma_start3A_87 = arith.constant 0 : i32
    %dma_start3A_88 = tpu.memref_slice %arg9[%dma_start3A_85, %dma_start3A_87] : memref<4x128xi32, #tpu.memory_space<vmem>> -> memref<1x128xi32, #tpu.memory_space<vmem>>
    %dma_start3A_89 = tpu.memref_squeeze %dma_start3A_88 : memref<1x128xi32, #tpu.memory_space<vmem>> -> memref<128xi32, #tpu.memory_space<vmem>>
    %dma_start3A_90 = arith.constant 0 : i32
    %dma_start3A_91 = arith.constant 0 : i32
    %dma_start3A_92 = tpu.memref_slice %arg4[%add3A, %dma_start3A_90, %dma_start3A_91] : memref<32x40x128xi32, #tpu.memory_space<hbm>> -> memref<1x40x128xi32, #tpu.memory_space<hbm>>
    %dma_start3A_93 = tpu.memref_squeeze %dma_start3A_92 : memref<1x40x128xi32, #tpu.memory_space<hbm>> -> memref<40x128xi32, #tpu.memory_space<hbm>>
    %dma_start3A_94 = arith.constant 0 : i32
    %dma_start3A_95 = tpu.memref_slice %dma_start3A_93[%dma_start3A_84, %dma_start3A_94] : memref<40x128xi32, #tpu.memory_space<hbm>> -> memref<1x128xi32, #tpu.memory_space<hbm>>
    %dma_start3A_96 = tpu.memref_squeeze %dma_start3A_95 : memref<1x128xi32, #tpu.memory_space<hbm>> -> memref<128xi32, #tpu.memory_space<hbm>>
    %dma_start3A_97 = tpu.memref_slice %arg14[%dma_start3A_86] : memref<4x!tpu.dma_semaphore, #tpu.memory_space<semaphore_mem>> -> memref<1x!tpu.dma_semaphore, #tpu.memory_space<semaphore_mem>>
    %dma_start3A_98 = tpu.memref_squeeze %dma_start3A_97 : memref<1x!tpu.dma_semaphore, #tpu.memory_space<semaphore_mem>> -> memref<!tpu.dma_semaphore, #tpu.memory_space<semaphore_mem>>
    %dma_start3A_99 = arith.constant 0 : i32
    %dma_start3A_100 = tpu.memref_slice %arg9[%dma_start3A_85, %dma_start3A_99] : memref<4x128xi32, #tpu.memory_space<vmem>> -> memref<1x128xi32, #tpu.memory_space<vmem>>
    %dma_start3A_101 = tpu.memref_squeeze %dma_start3A_100 : memref<1x128xi32, #tpu.memory_space<vmem>> -> memref<128xi32, #tpu.memory_space<vmem>>
    %dma_start3A_102 = arith.constant 0 : i32
    %dma_start3A_103 = arith.constant 0 : i32
    %dma_start3A_104 = tpu.memref_slice %arg4[%add3A, %dma_start3A_102, %dma_start3A_103] : memref<32x40x128xi32, #tpu.memory_space<hbm>> -> memref<1x40x128xi32, #tpu.memory_space<hbm>>
    %dma_start3A_105 = tpu.memref_squeeze %dma_start3A_104 : memref<1x40x128xi32, #tpu.memory_space<hbm>> -> memref<40x128xi32, #tpu.memory_space<hbm>>
    %dma_start3A_106 = arith.constant 0 : i32
    %dma_start3A_107 = tpu.memref_slice %dma_start3A_105[%dma_start3A_84, %dma_start3A_106] : memref<40x128xi32, #tpu.memory_space<hbm>> -> memref<1x128xi32, #tpu.memory_space<hbm>>
    %dma_start3A_108 = tpu.memref_squeeze %dma_start3A_107 : memref<1x128xi32, #tpu.memory_space<hbm>> -> memref<128xi32, #tpu.memory_space<hbm>>
    tpu.enqueue_dma source(%dma_start3A_108 : memref<128xi32, #tpu.memory_space<hbm>>) target(%dma_start3A_101 : memref<128xi32, #tpu.memory_space<vmem>>) target_semaphore(%dma_start3A_98 : memref<!tpu.dma_semaphore, #tpu.memory_space<semaphore_mem>>)
    %dma_start3A_109 = arith.constant 0 : i32
    %dma_start3A_110 = arith.constant 0 : i32
    %dma_start3A_111 = arith.constant 0 : i32
    %dma_start3A_112 = arith.constant 0 : i32
    %dma_start3A_113 = arith.constant 0 : i32
    %dma_start3A_114 = tpu.memref_slice %arg10[%dma_start3A_110, %dma_start3A_112, %dma_start3A_113] : memref<2x128x128xf32, #tpu.memory_space<vmem>> -> memref<1x128x128xf32, #tpu.memory_space<vmem>>
    %dma_start3A_115 = tpu.memref_squeeze %dma_start3A_114 : memref<1x128x128xf32, #tpu.memory_space<vmem>> -> memref<128x128xf32, #tpu.memory_space<vmem>>
    %dma_start3A_116 = arith.constant 0 : i32
    %dma_start3A_117 = tpu.memref_slice %arg8[%dma_start3A_109, %dma_start3A_116] : memref<40x128xi32, #tpu.memory_space<vmem>> -> memref<1x128xi32, #tpu.memory_space<vmem>>
    %dma_start3A_118 = tpu.memref_squeeze %dma_start3A_117 : memref<1x128xi32, #tpu.memory_space<vmem>> -> memref<128xi32, #tpu.memory_space<vmem>>
    %dma_start3A_119 = arith.constant 0 : i32
    %dma_start3A_120 = arith.constant 0 : i32
    %dma_start3A_121 = tpu.memref_slice %arg2[%dma_start3A_119, %dma_start3A_120] : memref<10000x128xf32, #tpu.memory_space<hbm>> -> memref<10000x128xf32, #tpu.memory_space<hbm>>
    %dma_start3A_122 = tpu.memref_slice %arg12[%dma_start3A_111] : memref<2x!tpu.dma_semaphore, #tpu.memory_space<semaphore_mem>> -> memref<1x!tpu.dma_semaphore, #tpu.memory_space<semaphore_mem>>
    %dma_start3A_123 = tpu.memref_squeeze %dma_start3A_122 : memref<1x!tpu.dma_semaphore, #tpu.memory_space<semaphore_mem>> -> memref<!tpu.dma_semaphore, #tpu.memory_space<semaphore_mem>>
    tpu.enqueue_indirect_dma source(%dma_start3A_121 : memref<10000x128xf32, #tpu.memory_space<hbm>>) target(%dma_start3A_115 : memref<128x128xf32, #tpu.memory_space<vmem>>) offsets(%dma_start3A_118 : memref<128xi32, #tpu.memory_space<vmem>>) semaphore(%dma_start3A_123 : memref<!tpu.dma_semaphore, #tpu.memory_space<semaphore_mem>>)
    %dma_start3A_124 = arith.constant 1 : i32
    %dma_start3A_125 = arith.constant 1 : i32
    %dma_start3A_126 = arith.constant 1 : i32
    %dma_start3A_127 = arith.constant 0 : i32
    %dma_start3A_128 = arith.constant 0 : i32
    %dma_start3A_129 = tpu.memref_slice %arg10[%dma_start3A_125, %dma_start3A_127, %dma_start3A_128] : memref<2x128x128xf32, #tpu.memory_space<vmem>> -> memref<1x128x128xf32, #tpu.memory_space<vmem>>
    %dma_start3A_130 = tpu.memref_squeeze %dma_start3A_129 : memref<1x128x128xf32, #tpu.memory_space<vmem>> -> memref<128x128xf32, #tpu.memory_space<vmem>>
    %dma_start3A_131 = arith.constant 0 : i32
    %dma_start3A_132 = tpu.memref_slice %arg8[%dma_start3A_124, %dma_start3A_131] : memref<40x128xi32, #tpu.memory_space<vmem>> -> memref<1x128xi32, #tpu.memory_space<vmem>>
    %dma_start3A_133 = tpu.memref_squeeze %dma_start3A_132 : memref<1x128xi32, #tpu.memory_space<vmem>> -> memref<128xi32, #tpu.memory_space<vmem>>
    %dma_start3A_134 = arith.constant 0 : i32
    %dma_start3A_135 = arith.constant 0 : i32
    %dma_start3A_136 = tpu.memref_slice %arg2[%dma_start3A_134, %dma_start3A_135] : memref<10000x128xf32, #tpu.memory_space<hbm>> -> memref<10000x128xf32, #tpu.memory_space<hbm>>
    %dma_start3A_137 = tpu.memref_slice %arg12[%dma_start3A_126] : memref<2x!tpu.dma_semaphore, #tpu.memory_space<semaphore_mem>> -> memref<1x!tpu.dma_semaphore, #tpu.memory_space<semaphore_mem>>
    %dma_start3A_138 = tpu.memref_squeeze %dma_start3A_137 : memref<1x!tpu.dma_semaphore, #tpu.memory_space<semaphore_mem>> -> memref<!tpu.dma_semaphore, #tpu.memory_space<semaphore_mem>>
    tpu.enqueue_indirect_dma source(%dma_start3A_136 : memref<10000x128xf32, #tpu.memory_space<hbm>>) target(%dma_start3A_130 : memref<128x128xf32, #tpu.memory_space<vmem>>) offsets(%dma_start3A_133 : memref<128xi32, #tpu.memory_space<vmem>>) semaphore(%dma_start3A_138 : memref<!tpu.dma_semaphore, #tpu.memory_space<semaphore_mem>>)
    %dma_wait3A = arith.constant 0 : i32
    %dma_wait3A_139 = tpu.memref_slice %arg11[%mul3A_5, %dma_wait3A] : memref<10112x128xf32, #tpu.memory_space<vmem_shared>> -> memref<632x128xf32, #tpu.memory_space<vmem_shared>>
    %dma_wait3A_140 = arith.constant 0 : i32
    %dma_wait3A_141 = tpu.memref_slice %arg5[%mul3A_3, %dma_wait3A_140] : memref<10112x128xf32, #tpu.memory_space<hbm>> -> memref<632x128xf32, #tpu.memory_space<hbm>>
    tpu.wait_dma2 semaphore(%arg15 : memref<!tpu.dma_semaphore, #tpu.memory_space<semaphore_mem>>) src(%dma_wait3A_141 : memref<632x128xf32, #tpu.memory_space<hbm>>) dst(%dma_wait3A_139 : memref<632x128xf32, #tpu.memory_space<vmem_shared>>)
    %barrier3A = arith.constant 0 : index
    tpu.barrier barrier_id(%barrier3A)
    "tpu.trace_stop"() : () -> ()
    "tpu.trace_start"() <{level = 10 : i32, message = "sc_mainloop"}> : () -> ()
    %scan3A = arith.constant 0 : i32
    %scan3A_142 = arith.constant 10 : i32
    %scan3A_143 = arith.addi %scan3A, %scan3A_142 : i32
    %scan3A_144 = arith.constant 1 : i32
    scf.for %scan3A_151 = %scan3A to %scan3A_143 step %scan3A_144  : i32 {
      %mul3A_152 = arith.constant 4 : i32
      %mul3A_153 = arith.muli %scan3A_151, %mul3A_152 : i32
      %add3A_154 = arith.constant 0 : i32
      %add3A_155 = arith.addi %mul3A_153, %add3A_154 : i32
      %dma_wait3A_156 = arith.constant 0 : i32
      %dma_wait3A_157 = arith.constant 0 : i32
      %dma_wait3A_158 = arith.constant 0 : i32
      %dma_wait3A_159 = arith.constant 0 : i32
      %dma_wait3A_160 = tpu.memref_slice %arg10[%dma_wait3A_156, %dma_wait3A_158, %dma_wait3A_159] : memref<2x128x128xf32, #tpu.memory_space<vmem>> -> memref<1x128x128xf32, #tpu.memory_space<vmem>>
      %dma_wait3A_161 = tpu.memref_squeeze %dma_wait3A_160 : memref<1x128x128xf32, #tpu.memory_space<vmem>> -> memref<128x128xf32, #tpu.memory_space<vmem>>
      %dma_wait3A_162 = arith.constant 0 : i32
      %dma_wait3A_163 = tpu.memref_slice %arg8[%add3A_155, %dma_wait3A_162] : memref<40x128xi32, #tpu.memory_space<vmem>> -> memref<1x128xi32, #tpu.memory_space<vmem>>
      %dma_wait3A_164 = tpu.memref_squeeze %dma_wait3A_163 : memref<1x128xi32, #tpu.memory_space<vmem>> -> memref<128xi32, #tpu.memory_space<vmem>>
      %dma_wait3A_165 = arith.constant 0 : i32
      %dma_wait3A_166 = arith.constant 0 : i32
      %dma_wait3A_167 = tpu.memref_slice %arg2[%dma_wait3A_165, %dma_wait3A_166] : memref<10000x128xf32, #tpu.memory_space<hbm>> -> memref<10000x128xf32, #tpu.memory_space<hbm>>
      %dma_wait3A_168 = tpu.memref_slice %arg12[%dma_wait3A_157] : memref<2x!tpu.dma_semaphore, #tpu.memory_space<semaphore_mem>> -> memref<1x!tpu.dma_semaphore, #tpu.memory_space<semaphore_mem>>
      %dma_wait3A_169 = tpu.memref_squeeze %dma_wait3A_168 : memref<1x!tpu.dma_semaphore, #tpu.memory_space<semaphore_mem>> -> memref<!tpu.dma_semaphore, #tpu.memory_space<semaphore_mem>>
      tpu.wait_indirect_dma semaphore(%dma_wait3A_169 : memref<!tpu.dma_semaphore, #tpu.memory_space<semaphore_mem>>) src(%dma_wait3A_167 : memref<10000x128xf32, #tpu.memory_space<hbm>>) dst(%dma_wait3A_161 : memref<128x128xf32, #tpu.memory_space<vmem>>)
      %dma_wait3A_170 = arith.constant 0 : i32
      %dma_wait3A_171 = arith.constant 0 : i32
      %dma_wait3A_172 = arith.constant 0 : i32
      %dma_wait3A_173 = tpu.memref_slice %arg9[%dma_wait3A_170, %dma_wait3A_172] : memref<4x128xi32, #tpu.memory_space<vmem>> -> memref<1x128xi32, #tpu.memory_space<vmem>>
      %dma_wait3A_174 = tpu.memref_squeeze %dma_wait3A_173 : memref<1x128xi32, #tpu.memory_space<vmem>> -> memref<128xi32, #tpu.memory_space<vmem>>
      %dma_wait3A_175 = arith.constant 0 : i32
      %dma_wait3A_176 = arith.constant 0 : i32
      %dma_wait3A_177 = tpu.memref_slice %arg4[%add3A, %dma_wait3A_175, %dma_wait3A_176] : memref<32x40x128xi32, #tpu.memory_space<hbm>> -> memref<1x40x128xi32, #tpu.memory_space<hbm>>
      %dma_wait3A_178 = tpu.memref_squeeze %dma_wait3A_177 : memref<1x40x128xi32, #tpu.memory_space<hbm>> -> memref<40x128xi32, #tpu.memory_space<hbm>>
      %dma_wait3A_179 = arith.constant 0 : i32
      %dma_wait3A_180 = tpu.memref_slice %dma_wait3A_178[%add3A_155, %dma_wait3A_179] : memref<40x128xi32, #tpu.memory_space<hbm>> -> memref<1x128xi32, #tpu.memory_space<hbm>>
      %dma_wait3A_181 = tpu.memref_squeeze %dma_wait3A_180 : memref<1x128xi32, #tpu.memory_space<hbm>> -> memref<128xi32, #tpu.memory_space<hbm>>
      %dma_wait3A_182 = tpu.memref_slice %arg14[%dma_wait3A_171] : memref<4x!tpu.dma_semaphore, #tpu.memory_space<semaphore_mem>> -> memref<1x!tpu.dma_semaphore, #tpu.memory_space<semaphore_mem>>
      %dma_wait3A_183 = tpu.memref_squeeze %dma_wait3A_182 : memref<1x!tpu.dma_semaphore, #tpu.memory_space<semaphore_mem>> -> memref<!tpu.dma_semaphore, #tpu.memory_space<semaphore_mem>>
      %dma_wait3A_184 = arith.constant 0 : i32
      %dma_wait3A_185 = tpu.memref_slice %arg9[%dma_wait3A_170, %dma_wait3A_184] : memref<4x128xi32, #tpu.memory_space<vmem>> -> memref<1x128xi32, #tpu.memory_space<vmem>>
      %dma_wait3A_186 = tpu.memref_squeeze %dma_wait3A_185 : memref<1x128xi32, #tpu.memory_space<vmem>> -> memref<128xi32, #tpu.memory_space<vmem>>
      %dma_wait3A_187 = arith.constant 0 : i32
      %dma_wait3A_188 = arith.constant 0 : i32
      %dma_wait3A_189 = tpu.memref_slice %arg4[%add3A, %dma_wait3A_187, %dma_wait3A_188] : memref<32x40x128xi32, #tpu.memory_space<hbm>> -> memref<1x40x128xi32, #tpu.memory_space<hbm>>
      %dma_wait3A_190 = tpu.memref_squeeze %dma_wait3A_189 : memref<1x40x128xi32, #tpu.memory_space<hbm>> -> memref<40x128xi32, #tpu.memory_space<hbm>>
      %dma_wait3A_191 = arith.constant 0 : i32
      %dma_wait3A_192 = tpu.memref_slice %dma_wait3A_190[%add3A_155, %dma_wait3A_191] : memref<40x128xi32, #tpu.memory_space<hbm>> -> memref<1x128xi32, #tpu.memory_space<hbm>>
      %dma_wait3A_193 = tpu.memref_squeeze %dma_wait3A_192 : memref<1x128xi32, #tpu.memory_space<hbm>> -> memref<128xi32, #tpu.memory_space<hbm>>
      tpu.wait_dma2 semaphore(%dma_wait3A_183 : memref<!tpu.dma_semaphore, #tpu.memory_space<semaphore_mem>>) src(%dma_wait3A_193 : memref<128xi32, #tpu.memory_space<hbm>>) dst(%dma_wait3A_186 : memref<128xi32, #tpu.memory_space<vmem>>)
      %dma_start3A_194 = arith.constant 0 : i32
      %dma_start3A_195 = arith.constant 0 : i32
      %dma_start3A_196 = arith.constant 0 : i32
      %dma_start3A_197 = arith.constant 0 : i32
      %dma_start3A_198 = arith.constant 0 : i32
      %dma_start3A_199 = tpu.memref_slice %arg10[%dma_start3A_194, %dma_start3A_197, %dma_start3A_198] : memref<2x128x128xf32, #tpu.memory_space<vmem>> -> memref<1x128x128xf32, #tpu.memory_space<vmem>>
      %dma_start3A_200 = tpu.memref_squeeze %dma_start3A_199 : memref<1x128x128xf32, #tpu.memory_space<vmem>> -> memref<128x128xf32, #tpu.memory_space<vmem>>
      %dma_start3A_201 = arith.constant 0 : i32
      %dma_start3A_202 = tpu.memref_slice %arg9[%dma_start3A_195, %dma_start3A_201] : memref<4x128xi32, #tpu.memory_space<vmem>> -> memref<1x128xi32, #tpu.memory_space<vmem>>
      %dma_start3A_203 = tpu.memref_squeeze %dma_start3A_202 : memref<1x128xi32, #tpu.memory_space<vmem>> -> memref<128xi32, #tpu.memory_space<vmem>>
      %dma_start3A_204 = arith.constant 0 : i32
      %dma_start3A_205 = arith.constant 0 : i32
      %dma_start3A_206 = tpu.memref_slice %arg11[%dma_start3A_204, %dma_start3A_205] : memref<10112x128xf32, #tpu.memory_space<vmem_shared>> -> memref<10112x128xf32, #tpu.memory_space<vmem_shared>>
      %dma_start3A_207 = tpu.memref_slice %arg13[%dma_start3A_196] : memref<2x!tpu.dma_semaphore, #tpu.memory_space<semaphore_mem>> -> memref<1x!tpu.dma_semaphore, #tpu.memory_space<semaphore_mem>>
      %dma_start3A_208 = tpu.memref_squeeze %dma_start3A_207 : memref<1x!tpu.dma_semaphore, #tpu.memory_space<semaphore_mem>> -> memref<!tpu.dma_semaphore, #tpu.memory_space<semaphore_mem>>
      tpu.enqueue_indirect_dma source(%dma_start3A_200 : memref<128x128xf32, #tpu.memory_space<vmem>>) target(%dma_start3A_206 : memref<10112x128xf32, #tpu.memory_space<vmem_shared>>) offsets(%dma_start3A_203 : memref<128xi32, #tpu.memory_space<vmem>>) semaphore(%dma_start3A_208 : memref<!tpu.dma_semaphore, #tpu.memory_space<semaphore_mem>>) {add = true}
      %dma_wait3A_209 = arith.constant 0 : i32
      %dma_wait3A_210 = arith.constant 0 : i32
      %dma_wait3A_211 = arith.constant 0 : i32
      %dma_wait3A_212 = arith.constant 0 : i32
      %dma_wait3A_213 = arith.constant 0 : i32
      %dma_wait3A_214 = tpu.memref_slice %arg10[%dma_wait3A_209, %dma_wait3A_212, %dma_wait3A_213] : memref<2x128x128xf32, #tpu.memory_space<vmem>> -> memref<1x128x128xf32, #tpu.memory_space<vmem>>
      %dma_wait3A_215 = tpu.memref_squeeze %dma_wait3A_214 : memref<1x128x128xf32, #tpu.memory_space<vmem>> -> memref<128x128xf32, #tpu.memory_space<vmem>>
      %dma_wait3A_216 = arith.constant 0 : i32
      %dma_wait3A_217 = tpu.memref_slice %arg9[%dma_wait3A_210, %dma_wait3A_216] : memref<4x128xi32, #tpu.memory_space<vmem>> -> memref<1x128xi32, #tpu.memory_space<vmem>>
      %dma_wait3A_218 = tpu.memref_squeeze %dma_wait3A_217 : memref<1x128xi32, #tpu.memory_space<vmem>> -> memref<128xi32, #tpu.memory_space<vmem>>
      %dma_wait3A_219 = arith.constant 0 : i32
      %dma_wait3A_220 = arith.constant 0 : i32
      %dma_wait3A_221 = tpu.memref_slice %arg11[%dma_wait3A_219, %dma_wait3A_220] : memref<10112x128xf32, #tpu.memory_space<vmem_shared>> -> memref<10112x128xf32, #tpu.memory_space<vmem_shared>>
      %dma_wait3A_222 = tpu.memref_slice %arg13[%dma_wait3A_211] : memref<2x!tpu.dma_semaphore, #tpu.memory_space<semaphore_mem>> -> memref<1x!tpu.dma_semaphore, #tpu.memory_space<semaphore_mem>>
      %dma_wait3A_223 = tpu.memref_squeeze %dma_wait3A_222 : memref<1x!tpu.dma_semaphore, #tpu.memory_space<semaphore_mem>> -> memref<!tpu.dma_semaphore, #tpu.memory_space<semaphore_mem>>
      tpu.wait_indirect_dma semaphore(%dma_wait3A_223 : memref<!tpu.dma_semaphore, #tpu.memory_space<semaphore_mem>>) src(%dma_wait3A_215 : memref<128x128xf32, #tpu.memory_space<vmem>>) dst(%dma_wait3A_221 : memref<10112x128xf32, #tpu.memory_space<vmem_shared>>)
      %add3A_224 = arith.constant 4 : i32
      %add3A_225 = arith.addi %add3A_155, %add3A_224 : i32
      %lt3A = arith.constant 40 : i32
      %lt3A_226 = arith.cmpi slt, %add3A_225, %lt3A : i32
      %convert_element_type3A = arith.extui %lt3A_226 : i1 to i32
      %cond3A = arith.constant 0 : i32
      %cond3A_227 = arith.cmpi ne, %convert_element_type3A, %cond3A : i32
      scf.if %cond3A_227 {
        %add3A_493 = arith.constant 4 : i32
        %add3A_494 = arith.addi %add3A_155, %add3A_493 : i32
        %dma_start3A_495 = arith.constant 0 : i32
        %dma_start3A_496 = arith.constant 0 : i32
        %dma_start3A_497 = arith.constant 0 : i32
        %dma_start3A_498 = tpu.memref_slice %arg9[%dma_start3A_495, %dma_start3A_497] : memref<4x128xi32, #tpu.memory_space<vmem>> -> memref<1x128xi32, #tpu.memory_space<vmem>>
        %dma_start3A_499 = tpu.memref_squeeze %dma_start3A_498 : memref<1x128xi32, #tpu.memory_space<vmem>> -> memref<128xi32, #tpu.memory_space<vmem>>
        %dma_start3A_500 = arith.constant 0 : i32
        %dma_start3A_501 = arith.constant 0 : i32
        %dma_start3A_502 = tpu.memref_slice %arg4[%add3A, %dma_start3A_500, %dma_start3A_501] : memref<32x40x128xi32, #tpu.memory_space<hbm>> -> memref<1x40x128xi32, #tpu.memory_space<hbm>>
        %dma_start3A_503 = tpu.memref_squeeze %dma_start3A_502 : memref<1x40x128xi32, #tpu.memory_space<hbm>> -> memref<40x128xi32, #tpu.memory_space<hbm>>
        %dma_start3A_504 = arith.constant 0 : i32
        %dma_start3A_505 = tpu.memref_slice %dma_start3A_503[%add3A_494, %dma_start3A_504] : memref<40x128xi32, #tpu.memory_space<hbm>> -> memref<1x128xi32, #tpu.memory_space<hbm>>
        %dma_start3A_506 = tpu.memref_squeeze %dma_start3A_505 : memref<1x128xi32, #tpu.memory_space<hbm>> -> memref<128xi32, #tpu.memory_space<hbm>>
        %dma_start3A_507 = tpu.memref_slice %arg14[%dma_start3A_496] : memref<4x!tpu.dma_semaphore, #tpu.memory_space<semaphore_mem>> -> memref<1x!tpu.dma_semaphore, #tpu.memory_space<semaphore_mem>>
        %dma_start3A_508 = tpu.memref_squeeze %dma_start3A_507 : memref<1x!tpu.dma_semaphore, #tpu.memory_space<semaphore_mem>> -> memref<!tpu.dma_semaphore, #tpu.memory_space<semaphore_mem>>
        %dma_start3A_509 = arith.constant 0 : i32
        %dma_start3A_510 = tpu.memref_slice %arg9[%dma_start3A_495, %dma_start3A_509] : memref<4x128xi32, #tpu.memory_space<vmem>> -> memref<1x128xi32, #tpu.memory_space<vmem>>
        %dma_start3A_511 = tpu.memref_squeeze %dma_start3A_510 : memref<1x128xi32, #tpu.memory_space<vmem>> -> memref<128xi32, #tpu.memory_space<vmem>>
        %dma_start3A_512 = arith.constant 0 : i32
        %dma_start3A_513 = arith.constant 0 : i32
        %dma_start3A_514 = tpu.memref_slice %arg4[%add3A, %dma_start3A_512, %dma_start3A_513] : memref<32x40x128xi32, #tpu.memory_space<hbm>> -> memref<1x40x128xi32, #tpu.memory_space<hbm>>
        %dma_start3A_515 = tpu.memref_squeeze %dma_start3A_514 : memref<1x40x128xi32, #tpu.memory_space<hbm>> -> memref<40x128xi32, #tpu.memory_space<hbm>>
        %dma_start3A_516 = arith.constant 0 : i32
        %dma_start3A_517 = tpu.memref_slice %dma_start3A_515[%add3A_494, %dma_start3A_516] : memref<40x128xi32, #tpu.memory_space<hbm>> -> memref<1x128xi32, #tpu.memory_space<hbm>>
        %dma_start3A_518 = tpu.memref_squeeze %dma_start3A_517 : memref<1x128xi32, #tpu.memory_space<hbm>> -> memref<128xi32, #tpu.memory_space<hbm>>
        tpu.enqueue_dma source(%dma_start3A_518 : memref<128xi32, #tpu.memory_space<hbm>>) target(%dma_start3A_511 : memref<128xi32, #tpu.memory_space<vmem>>) target_semaphore(%dma_start3A_508 : memref<!tpu.dma_semaphore, #tpu.memory_space<semaphore_mem>>)
      } else {
      }
      %add3A_228 = arith.constant 2 : i32
      %add3A_229 = arith.addi %add3A_155, %add3A_228 : i32
      %lt3A_230 = arith.constant 40 : i32
      %lt3A_231 = arith.cmpi slt, %add3A_229, %lt3A_230 : i32
      %convert_element_type3A_232 = arith.extui %lt3A_231 : i1 to i32
      %cond3A_233 = arith.constant 0 : i32
      %cond3A_234 = arith.cmpi ne, %convert_element_type3A_232, %cond3A_233 : i32
      scf.if %cond3A_234 {
        %add3A_493 = arith.constant 2 : i32
        %add3A_494 = arith.addi %add3A_155, %add3A_493 : i32
        %dma_start3A_495 = arith.constant 0 : i32
        %dma_start3A_496 = arith.constant 0 : i32
        %dma_start3A_497 = arith.constant 0 : i32
        %dma_start3A_498 = arith.constant 0 : i32
        %dma_start3A_499 = tpu.memref_slice %arg10[%dma_start3A_495, %dma_start3A_497, %dma_start3A_498] : memref<2x128x128xf32, #tpu.memory_space<vmem>> -> memref<1x128x128xf32, #tpu.memory_space<vmem>>
        %dma_start3A_500 = tpu.memref_squeeze %dma_start3A_499 : memref<1x128x128xf32, #tpu.memory_space<vmem>> -> memref<128x128xf32, #tpu.memory_space<vmem>>
        %dma_start3A_501 = arith.constant 0 : i32
        %dma_start3A_502 = tpu.memref_slice %arg8[%add3A_494, %dma_start3A_501] : memref<40x128xi32, #tpu.memory_space<vmem>> -> memref<1x128xi32, #tpu.memory_space<vmem>>
        %dma_start3A_503 = tpu.memref_squeeze %dma_start3A_502 : memref<1x128xi32, #tpu.memory_space<vmem>> -> memref<128xi32, #tpu.memory_space<vmem>>
        %dma_start3A_504 = arith.constant 0 : i32
        %dma_start3A_505 = arith.constant 0 : i32
        %dma_start3A_506 = tpu.memref_slice %arg2[%dma_start3A_504, %dma_start3A_505] : memref<10000x128xf32, #tpu.memory_space<hbm>> -> memref<10000x128xf32, #tpu.memory_space<hbm>>
        %dma_start3A_507 = tpu.memref_slice %arg12[%dma_start3A_496] : memref<2x!tpu.dma_semaphore, #tpu.memory_space<semaphore_mem>> -> memref<1x!tpu.dma_semaphore, #tpu.memory_space<semaphore_mem>>
        %dma_start3A_508 = tpu.memref_squeeze %dma_start3A_507 : memref<1x!tpu.dma_semaphore, #tpu.memory_space<semaphore_mem>> -> memref<!tpu.dma_semaphore, #tpu.memory_space<semaphore_mem>>
        tpu.enqueue_indirect_dma source(%dma_start3A_506 : memref<10000x128xf32, #tpu.memory_space<hbm>>) target(%dma_start3A_500 : memref<128x128xf32, #tpu.memory_space<vmem>>) offsets(%dma_start3A_503 : memref<128xi32, #tpu.memory_space<vmem>>) semaphore(%dma_start3A_508 : memref<!tpu.dma_semaphore, #tpu.memory_space<semaphore_mem>>)
      } else {
      }
      %mul3A_235 = arith.constant 4 : i32
      %mul3A_236 = arith.muli %scan3A_151, %mul3A_235 : i32
      %add3A_237 = arith.constant 1 : i32
      %add3A_238 = arith.addi %mul3A_236, %add3A_237 : i32
      %dma_wait3A_239 = arith.constant 1 : i32
      %dma_wait3A_240 = arith.constant 1 : i32
      %dma_wait3A_241 = arith.constant 0 : i32
      %dma_wait3A_242 = arith.constant 0 : i32
      %dma_wait3A_243 = tpu.memref_slice %arg10[%dma_wait3A_239, %dma_wait3A_241, %dma_wait3A_242] : memref<2x128x128xf32, #tpu.memory_space<vmem>> -> memref<1x128x128xf32, #tpu.memory_space<vmem>>
      %dma_wait3A_244 = tpu.memref_squeeze %dma_wait3A_243 : memref<1x128x128xf32, #tpu.memory_space<vmem>> -> memref<128x128xf32, #tpu.memory_space<vmem>>
      %dma_wait3A_245 = arith.constant 0 : i32
      %dma_wait3A_246 = tpu.memref_slice %arg8[%add3A_238, %dma_wait3A_245] : memref<40x128xi32, #tpu.memory_space<vmem>> -> memref<1x128xi32, #tpu.memory_space<vmem>>
      %dma_wait3A_247 = tpu.memref_squeeze %dma_wait3A_246 : memref<1x128xi32, #tpu.memory_space<vmem>> -> memref<128xi32, #tpu.memory_space<vmem>>
      %dma_wait3A_248 = arith.constant 0 : i32
      %dma_wait3A_249 = arith.constant 0 : i32
      %dma_wait3A_250 = tpu.memref_slice %arg2[%dma_wait3A_248, %dma_wait3A_249] : memref<10000x128xf32, #tpu.memory_space<hbm>> -> memref<10000x128xf32, #tpu.memory_space<hbm>>
      %dma_wait3A_251 = tpu.memref_slice %arg12[%dma_wait3A_240] : memref<2x!tpu.dma_semaphore, #tpu.memory_space<semaphore_mem>> -> memref<1x!tpu.dma_semaphore, #tpu.memory_space<semaphore_mem>>
      %dma_wait3A_252 = tpu.memref_squeeze %dma_wait3A_251 : memref<1x!tpu.dma_semaphore, #tpu.memory_space<semaphore_mem>> -> memref<!tpu.dma_semaphore, #tpu.memory_space<semaphore_mem>>
      tpu.wait_indirect_dma semaphore(%dma_wait3A_252 : memref<!tpu.dma_semaphore, #tpu.memory_space<semaphore_mem>>) src(%dma_wait3A_250 : memref<10000x128xf32, #tpu.memory_space<hbm>>) dst(%dma_wait3A_244 : memref<128x128xf32, #tpu.memory_space<vmem>>)
      %dma_wait3A_253 = arith.constant 1 : i32
      %dma_wait3A_254 = arith.constant 1 : i32
      %dma_wait3A_255 = arith.constant 0 : i32
      %dma_wait3A_256 = tpu.memref_slice %arg9[%dma_wait3A_253, %dma_wait3A_255] : memref<4x128xi32, #tpu.memory_space<vmem>> -> memref<1x128xi32, #tpu.memory_space<vmem>>
      %dma_wait3A_257 = tpu.memref_squeeze %dma_wait3A_256 : memref<1x128xi32, #tpu.memory_space<vmem>> -> memref<128xi32, #tpu.memory_space<vmem>>
      %dma_wait3A_258 = arith.constant 0 : i32
      %dma_wait3A_259 = arith.constant 0 : i32
      %dma_wait3A_260 = tpu.memref_slice %arg4[%add3A, %dma_wait3A_258, %dma_wait3A_259] : memref<32x40x128xi32, #tpu.memory_space<hbm>> -> memref<1x40x128xi32, #tpu.memory_space<hbm>>
      %dma_wait3A_261 = tpu.memref_squeeze %dma_wait3A_260 : memref<1x40x128xi32, #tpu.memory_space<hbm>> -> memref<40x128xi32, #tpu.memory_space<hbm>>
      %dma_wait3A_262 = arith.constant 0 : i32
      %dma_wait3A_263 = tpu.memref_slice %dma_wait3A_261[%add3A_238, %dma_wait3A_262] : memref<40x128xi32, #tpu.memory_space<hbm>> -> memref<1x128xi32, #tpu.memory_space<hbm>>
      %dma_wait3A_264 = tpu.memref_squeeze %dma_wait3A_263 : memref<1x128xi32, #tpu.memory_space<hbm>> -> memref<128xi32, #tpu.memory_space<hbm>>
      %dma_wait3A_265 = tpu.memref_slice %arg14[%dma_wait3A_254] : memref<4x!tpu.dma_semaphore, #tpu.memory_space<semaphore_mem>> -> memref<1x!tpu.dma_semaphore, #tpu.memory_space<semaphore_mem>>
      %dma_wait3A_266 = tpu.memref_squeeze %dma_wait3A_265 : memref<1x!tpu.dma_semaphore, #tpu.memory_space<semaphore_mem>> -> memref<!tpu.dma_semaphore, #tpu.memory_space<semaphore_mem>>
      %dma_wait3A_267 = arith.constant 0 : i32
      %dma_wait3A_268 = tpu.memref_slice %arg9[%dma_wait3A_253, %dma_wait3A_267] : memref<4x128xi32, #tpu.memory_space<vmem>> -> memref<1x128xi32, #tpu.memory_space<vmem>>
      %dma_wait3A_269 = tpu.memref_squeeze %dma_wait3A_268 : memref<1x128xi32, #tpu.memory_space<vmem>> -> memref<128xi32, #tpu.memory_space<vmem>>
      %dma_wait3A_270 = arith.constant 0 : i32
      %dma_wait3A_271 = arith.constant 0 : i32
      %dma_wait3A_272 = tpu.memref_slice %arg4[%add3A, %dma_wait3A_270, %dma_wait3A_271] : memref<32x40x128xi32, #tpu.memory_space<hbm>> -> memref<1x40x128xi32, #tpu.memory_space<hbm>>
      %dma_wait3A_273 = tpu.memref_squeeze %dma_wait3A_272 : memref<1x40x128xi32, #tpu.memory_space<hbm>> -> memref<40x128xi32, #tpu.memory_space<hbm>>
      %dma_wait3A_274 = arith.constant 0 : i32
      %dma_wait3A_275 = tpu.memref_slice %dma_wait3A_273[%add3A_238, %dma_wait3A_274] : memref<40x128xi32, #tpu.memory_space<hbm>> -> memref<1x128xi32, #tpu.memory_space<hbm>>
      %dma_wait3A_276 = tpu.memref_squeeze %dma_wait3A_275 : memref<1x128xi32, #tpu.memory_space<hbm>> -> memref<128xi32, #tpu.memory_space<hbm>>
      tpu.wait_dma2 semaphore(%dma_wait3A_266 : memref<!tpu.dma_semaphore, #tpu.memory_space<semaphore_mem>>) src(%dma_wait3A_276 : memref<128xi32, #tpu.memory_space<hbm>>) dst(%dma_wait3A_269 : memref<128xi32, #tpu.memory_space<vmem>>)
      %dma_start3A_277 = arith.constant 1 : i32
      %dma_start3A_278 = arith.constant 1 : i32
      %dma_start3A_279 = arith.constant 1 : i32
      %dma_start3A_280 = arith.constant 0 : i32
      %dma_start3A_281 = arith.constant 0 : i32
      %dma_start3A_282 = tpu.memref_slice %arg10[%dma_start3A_277, %dma_start3A_280, %dma_start3A_281] : memref<2x128x128xf32, #tpu.memory_space<vmem>> -> memref<1x128x128xf32, #tpu.memory_space<vmem>>
      %dma_start3A_283 = tpu.memref_squeeze %dma_start3A_282 : memref<1x128x128xf32, #tpu.memory_space<vmem>> -> memref<128x128xf32, #tpu.memory_space<vmem>>
      %dma_start3A_284 = arith.constant 0 : i32
      %dma_start3A_285 = tpu.memref_slice %arg9[%dma_start3A_278, %dma_start3A_284] : memref<4x128xi32, #tpu.memory_space<vmem>> -> memref<1x128xi32, #tpu.memory_space<vmem>>
      %dma_start3A_286 = tpu.memref_squeeze %dma_start3A_285 : memref<1x128xi32, #tpu.memory_space<vmem>> -> memref<128xi32, #tpu.memory_space<vmem>>
      %dma_start3A_287 = arith.constant 0 : i32
      %dma_start3A_288 = arith.constant 0 : i32
      %dma_start3A_289 = tpu.memref_slice %arg11[%dma_start3A_287, %dma_start3A_288] : memref<10112x128xf32, #tpu.memory_space<vmem_shared>> -> memref<10112x128xf32, #tpu.memory_space<vmem_shared>>
      %dma_start3A_290 = tpu.memref_slice %arg13[%dma_start3A_279] : memref<2x!tpu.dma_semaphore, #tpu.memory_space<semaphore_mem>> -> memref<1x!tpu.dma_semaphore, #tpu.memory_space<semaphore_mem>>
      %dma_start3A_291 = tpu.memref_squeeze %dma_start3A_290 : memref<1x!tpu.dma_semaphore, #tpu.memory_space<semaphore_mem>> -> memref<!tpu.dma_semaphore, #tpu.memory_space<semaphore_mem>>
      tpu.enqueue_indirect_dma source(%dma_start3A_283 : memref<128x128xf32, #tpu.memory_space<vmem>>) target(%dma_start3A_289 : memref<10112x128xf32, #tpu.memory_space<vmem_shared>>) offsets(%dma_start3A_286 : memref<128xi32, #tpu.memory_space<vmem>>) semaphore(%dma_start3A_291 : memref<!tpu.dma_semaphore, #tpu.memory_space<semaphore_mem>>) {add = true}
      %dma_wait3A_292 = arith.constant 1 : i32
      %dma_wait3A_293 = arith.constant 1 : i32
      %dma_wait3A_294 = arith.constant 1 : i32
      %dma_wait3A_295 = arith.constant 0 : i32
      %dma_wait3A_296 = arith.constant 0 : i32
      %dma_wait3A_297 = tpu.memref_slice %arg10[%dma_wait3A_292, %dma_wait3A_295, %dma_wait3A_296] : memref<2x128x128xf32, #tpu.memory_space<vmem>> -> memref<1x128x128xf32, #tpu.memory_space<vmem>>
      %dma_wait3A_298 = tpu.memref_squeeze %dma_wait3A_297 : memref<1x128x128xf32, #tpu.memory_space<vmem>> -> memref<128x128xf32, #tpu.memory_space<vmem>>
      %dma_wait3A_299 = arith.constant 0 : i32
      %dma_wait3A_300 = tpu.memref_slice %arg9[%dma_wait3A_293, %dma_wait3A_299] : memref<4x128xi32, #tpu.memory_space<vmem>> -> memref<1x128xi32, #tpu.memory_space<vmem>>
      %dma_wait3A_301 = tpu.memref_squeeze %dma_wait3A_300 : memref<1x128xi32, #tpu.memory_space<vmem>> -> memref<128xi32, #tpu.memory_space<vmem>>
      %dma_wait3A_302 = arith.constant 0 : i32
      %dma_wait3A_303 = arith.constant 0 : i32
      %dma_wait3A_304 = tpu.memref_slice %arg11[%dma_wait3A_302, %dma_wait3A_303] : memref<10112x128xf32, #tpu.memory_space<vmem_shared>> -> memref<10112x128xf32, #tpu.memory_space<vmem_shared>>
      %dma_wait3A_305 = tpu.memref_slice %arg13[%dma_wait3A_294] : memref<2x!tpu.dma_semaphore, #tpu.memory_space<semaphore_mem>> -> memref<1x!tpu.dma_semaphore, #tpu.memory_space<semaphore_mem>>
      %dma_wait3A_306 = tpu.memref_squeeze %dma_wait3A_305 : memref<1x!tpu.dma_semaphore, #tpu.memory_space<semaphore_mem>> -> memref<!tpu.dma_semaphore, #tpu.memory_space<semaphore_mem>>
      tpu.wait_indirect_dma semaphore(%dma_wait3A_306 : memref<!tpu.dma_semaphore, #tpu.memory_space<semaphore_mem>>) src(%dma_wait3A_298 : memref<128x128xf32, #tpu.memory_space<vmem>>) dst(%dma_wait3A_304 : memref<10112x128xf32, #tpu.memory_space<vmem_shared>>)
      %add3A_307 = arith.constant 4 : i32
      %add3A_308 = arith.addi %add3A_238, %add3A_307 : i32
      %lt3A_309 = arith.constant 40 : i32
      %lt3A_310 = arith.cmpi slt, %add3A_308, %lt3A_309 : i32
      %convert_element_type3A_311 = arith.extui %lt3A_310 : i1 to i32
      %cond3A_312 = arith.constant 0 : i32
      %cond3A_313 = arith.cmpi ne, %convert_element_type3A_311, %cond3A_312 : i32
      scf.if %cond3A_313 {
        %add3A_493 = arith.constant 4 : i32
        %add3A_494 = arith.addi %add3A_238, %add3A_493 : i32
        %dma_start3A_495 = arith.constant 1 : i32
        %dma_start3A_496 = arith.constant 1 : i32
        %dma_start3A_497 = arith.constant 0 : i32
        %dma_start3A_498 = tpu.memref_slice %arg9[%dma_start3A_495, %dma_start3A_497] : memref<4x128xi32, #tpu.memory_space<vmem>> -> memref<1x128xi32, #tpu.memory_space<vmem>>
        %dma_start3A_499 = tpu.memref_squeeze %dma_start3A_498 : memref<1x128xi32, #tpu.memory_space<vmem>> -> memref<128xi32, #tpu.memory_space<vmem>>
        %dma_start3A_500 = arith.constant 0 : i32
        %dma_start3A_501 = arith.constant 0 : i32
        %dma_start3A_502 = tpu.memref_slice %arg4[%add3A, %dma_start3A_500, %dma_start3A_501] : memref<32x40x128xi32, #tpu.memory_space<hbm>> -> memref<1x40x128xi32, #tpu.memory_space<hbm>>
        %dma_start3A_503 = tpu.memref_squeeze %dma_start3A_502 : memref<1x40x128xi32, #tpu.memory_space<hbm>> -> memref<40x128xi32, #tpu.memory_space<hbm>>
        %dma_start3A_504 = arith.constant 0 : i32
        %dma_start3A_505 = tpu.memref_slice %dma_start3A_503[%add3A_494, %dma_start3A_504] : memref<40x128xi32, #tpu.memory_space<hbm>> -> memref<1x128xi32, #tpu.memory_space<hbm>>
        %dma_start3A_506 = tpu.memref_squeeze %dma_start3A_505 : memref<1x128xi32, #tpu.memory_space<hbm>> -> memref<128xi32, #tpu.memory_space<hbm>>
        %dma_start3A_507 = tpu.memref_slice %arg14[%dma_start3A_496] : memref<4x!tpu.dma_semaphore, #tpu.memory_space<semaphore_mem>> -> memref<1x!tpu.dma_semaphore, #tpu.memory_space<semaphore_mem>>
        %dma_start3A_508 = tpu.memref_squeeze %dma_start3A_507 : memref<1x!tpu.dma_semaphore, #tpu.memory_space<semaphore_mem>> -> memref<!tpu.dma_semaphore, #tpu.memory_space<semaphore_mem>>
        %dma_start3A_509 = arith.constant 0 : i32
        %dma_start3A_510 = tpu.memref_slice %arg9[%dma_start3A_495, %dma_start3A_509] : memref<4x128xi32, #tpu.memory_space<vmem>> -> memref<1x128xi32, #tpu.memory_space<vmem>>
        %dma_start3A_511 = tpu.memref_squeeze %dma_start3A_510 : memref<1x128xi32, #tpu.memory_space<vmem>> -> memref<128xi32, #tpu.memory_space<vmem>>
        %dma_start3A_512 = arith.constant 0 : i32
        %dma_start3A_513 = arith.constant 0 : i32
        %dma_start3A_514 = tpu.memref_slice %arg4[%add3A, %dma_start3A_512, %dma_start3A_513] : memref<32x40x128xi32, #tpu.memory_space<hbm>> -> memref<1x40x128xi32, #tpu.memory_space<hbm>>
        %dma_start3A_515 = tpu.memref_squeeze %dma_start3A_514 : memref<1x40x128xi32, #tpu.memory_space<hbm>> -> memref<40x128xi32, #tpu.memory_space<hbm>>
        %dma_start3A_516 = arith.constant 0 : i32
        %dma_start3A_517 = tpu.memref_slice %dma_start3A_515[%add3A_494, %dma_start3A_516] : memref<40x128xi32, #tpu.memory_space<hbm>> -> memref<1x128xi32, #tpu.memory_space<hbm>>
        %dma_start3A_518 = tpu.memref_squeeze %dma_start3A_517 : memref<1x128xi32, #tpu.memory_space<hbm>> -> memref<128xi32, #tpu.memory_space<hbm>>
        tpu.enqueue_dma source(%dma_start3A_518 : memref<128xi32, #tpu.memory_space<hbm>>) target(%dma_start3A_511 : memref<128xi32, #tpu.memory_space<vmem>>) target_semaphore(%dma_start3A_508 : memref<!tpu.dma_semaphore, #tpu.memory_space<semaphore_mem>>)
      } else {
      }
      %add3A_314 = arith.constant 2 : i32
      %add3A_315 = arith.addi %add3A_238, %add3A_314 : i32
      %lt3A_316 = arith.constant 40 : i32
      %lt3A_317 = arith.cmpi slt, %add3A_315, %lt3A_316 : i32
      %convert_element_type3A_318 = arith.extui %lt3A_317 : i1 to i32
      %cond3A_319 = arith.constant 0 : i32
      %cond3A_320 = arith.cmpi ne, %convert_element_type3A_318, %cond3A_319 : i32
      scf.if %cond3A_320 {
        %add3A_493 = arith.constant 2 : i32
        %add3A_494 = arith.addi %add3A_238, %add3A_493 : i32
        %dma_start3A_495 = arith.constant 1 : i32
        %dma_start3A_496 = arith.constant 1 : i32
        %dma_start3A_497 = arith.constant 0 : i32
        %dma_start3A_498 = arith.constant 0 : i32
        %dma_start3A_499 = tpu.memref_slice %arg10[%dma_start3A_495, %dma_start3A_497, %dma_start3A_498] : memref<2x128x128xf32, #tpu.memory_space<vmem>> -> memref<1x128x128xf32, #tpu.memory_space<vmem>>
        %dma_start3A_500 = tpu.memref_squeeze %dma_start3A_499 : memref<1x128x128xf32, #tpu.memory_space<vmem>> -> memref<128x128xf32, #tpu.memory_space<vmem>>
        %dma_start3A_501 = arith.constant 0 : i32
        %dma_start3A_502 = tpu.memref_slice %arg8[%add3A_494, %dma_start3A_501] : memref<40x128xi32, #tpu.memory_space<vmem>> -> memref<1x128xi32, #tpu.memory_space<vmem>>
        %dma_start3A_503 = tpu.memref_squeeze %dma_start3A_502 : memref<1x128xi32, #tpu.memory_space<vmem>> -> memref<128xi32, #tpu.memory_space<vmem>>
        %dma_start3A_504 = arith.constant 0 : i32
        %dma_start3A_505 = arith.constant 0 : i32
        %dma_start3A_506 = tpu.memref_slice %arg2[%dma_start3A_504, %dma_start3A_505] : memref<10000x128xf32, #tpu.memory_space<hbm>> -> memref<10000x128xf32, #tpu.memory_space<hbm>>
        %dma_start3A_507 = tpu.memref_slice %arg12[%dma_start3A_496] : memref<2x!tpu.dma_semaphore, #tpu.memory_space<semaphore_mem>> -> memref<1x!tpu.dma_semaphore, #tpu.memory_space<semaphore_mem>>
        %dma_start3A_508 = tpu.memref_squeeze %dma_start3A_507 : memref<1x!tpu.dma_semaphore, #tpu.memory_space<semaphore_mem>> -> memref<!tpu.dma_semaphore, #tpu.memory_space<semaphore_mem>>
        tpu.enqueue_indirect_dma source(%dma_start3A_506 : memref<10000x128xf32, #tpu.memory_space<hbm>>) target(%dma_start3A_500 : memref<128x128xf32, #tpu.memory_space<vmem>>) offsets(%dma_start3A_503 : memref<128xi32, #tpu.memory_space<vmem>>) semaphore(%dma_start3A_508 : memref<!tpu.dma_semaphore, #tpu.memory_space<semaphore_mem>>)
      } else {
      }
      %mul3A_321 = arith.constant 4 : i32
      %mul3A_322 = arith.muli %scan3A_151, %mul3A_321 : i32
      %add3A_323 = arith.constant 2 : i32
      %add3A_324 = arith.addi %mul3A_322, %add3A_323 : i32
      %dma_wait3A_325 = arith.constant 0 : i32
      %dma_wait3A_326 = arith.constant 0 : i32
      %dma_wait3A_327 = arith.constant 0 : i32
      %dma_wait3A_328 = arith.constant 0 : i32
      %dma_wait3A_329 = tpu.memref_slice %arg10[%dma_wait3A_325, %dma_wait3A_327, %dma_wait3A_328] : memref<2x128x128xf32, #tpu.memory_space<vmem>> -> memref<1x128x128xf32, #tpu.memory_space<vmem>>
      %dma_wait3A_330 = tpu.memref_squeeze %dma_wait3A_329 : memref<1x128x128xf32, #tpu.memory_space<vmem>> -> memref<128x128xf32, #tpu.memory_space<vmem>>
      %dma_wait3A_331 = arith.constant 0 : i32
      %dma_wait3A_332 = tpu.memref_slice %arg8[%add3A_324, %dma_wait3A_331] : memref<40x128xi32, #tpu.memory_space<vmem>> -> memref<1x128xi32, #tpu.memory_space<vmem>>
      %dma_wait3A_333 = tpu.memref_squeeze %dma_wait3A_332 : memref<1x128xi32, #tpu.memory_space<vmem>> -> memref<128xi32, #tpu.memory_space<vmem>>
      %dma_wait3A_334 = arith.constant 0 : i32
      %dma_wait3A_335 = arith.constant 0 : i32
      %dma_wait3A_336 = tpu.memref_slice %arg2[%dma_wait3A_334, %dma_wait3A_335] : memref<10000x128xf32, #tpu.memory_space<hbm>> -> memref<10000x128xf32, #tpu.memory_space<hbm>>
      %dma_wait3A_337 = tpu.memref_slice %arg12[%dma_wait3A_326] : memref<2x!tpu.dma_semaphore, #tpu.memory_space<semaphore_mem>> -> memref<1x!tpu.dma_semaphore, #tpu.memory_space<semaphore_mem>>
      %dma_wait3A_338 = tpu.memref_squeeze %dma_wait3A_337 : memref<1x!tpu.dma_semaphore, #tpu.memory_space<semaphore_mem>> -> memref<!tpu.dma_semaphore, #tpu.memory_space<semaphore_mem>>
      tpu.wait_indirect_dma semaphore(%dma_wait3A_338 : memref<!tpu.dma_semaphore, #tpu.memory_space<semaphore_mem>>) src(%dma_wait3A_336 : memref<10000x128xf32, #tpu.memory_space<hbm>>) dst(%dma_wait3A_330 : memref<128x128xf32, #tpu.memory_space<vmem>>)
      %dma_wait3A_339 = arith.constant 2 : i32
      %dma_wait3A_340 = arith.constant 2 : i32
      %dma_wait3A_341 = arith.constant 0 : i32
      %dma_wait3A_342 = tpu.memref_slice %arg9[%dma_wait3A_339, %dma_wait3A_341] : memref<4x128xi32, #tpu.memory_space<vmem>> -> memref<1x128xi32, #tpu.memory_space<vmem>>
      %dma_wait3A_343 = tpu.memref_squeeze %dma_wait3A_342 : memref<1x128xi32, #tpu.memory_space<vmem>> -> memref<128xi32, #tpu.memory_space<vmem>>
      %dma_wait3A_344 = arith.constant 0 : i32
      %dma_wait3A_345 = arith.constant 0 : i32
      %dma_wait3A_346 = tpu.memref_slice %arg4[%add3A, %dma_wait3A_344, %dma_wait3A_345] : memref<32x40x128xi32, #tpu.memory_space<hbm>> -> memref<1x40x128xi32, #tpu.memory_space<hbm>>
      %dma_wait3A_347 = tpu.memref_squeeze %dma_wait3A_346 : memref<1x40x128xi32, #tpu.memory_space<hbm>> -> memref<40x128xi32, #tpu.memory_space<hbm>>
      %dma_wait3A_348 = arith.constant 0 : i32
      %dma_wait3A_349 = tpu.memref_slice %dma_wait3A_347[%add3A_324, %dma_wait3A_348] : memref<40x128xi32, #tpu.memory_space<hbm>> -> memref<1x128xi32, #tpu.memory_space<hbm>>
      %dma_wait3A_350 = tpu.memref_squeeze %dma_wait3A_349 : memref<1x128xi32, #tpu.memory_space<hbm>> -> memref<128xi32, #tpu.memory_space<hbm>>
      %dma_wait3A_351 = tpu.memref_slice %arg14[%dma_wait3A_340] : memref<4x!tpu.dma_semaphore, #tpu.memory_space<semaphore_mem>> -> memref<1x!tpu.dma_semaphore, #tpu.memory_space<semaphore_mem>>
      %dma_wait3A_352 = tpu.memref_squeeze %dma_wait3A_351 : memref<1x!tpu.dma_semaphore, #tpu.memory_space<semaphore_mem>> -> memref<!tpu.dma_semaphore, #tpu.memory_space<semaphore_mem>>
      %dma_wait3A_353 = arith.constant 0 : i32
      %dma_wait3A_354 = tpu.memref_slice %arg9[%dma_wait3A_339, %dma_wait3A_353] : memref<4x128xi32, #tpu.memory_space<vmem>> -> memref<1x128xi32, #tpu.memory_space<vmem>>
      %dma_wait3A_355 = tpu.memref_squeeze %dma_wait3A_354 : memref<1x128xi32, #tpu.memory_space<vmem>> -> memref<128xi32, #tpu.memory_space<vmem>>
      %dma_wait3A_356 = arith.constant 0 : i32
      %dma_wait3A_357 = arith.constant 0 : i32
      %dma_wait3A_358 = tpu.memref_slice %arg4[%add3A, %dma_wait3A_356, %dma_wait3A_357] : memref<32x40x128xi32, #tpu.memory_space<hbm>> -> memref<1x40x128xi32, #tpu.memory_space<hbm>>
      %dma_wait3A_359 = tpu.memref_squeeze %dma_wait3A_358 : memref<1x40x128xi32, #tpu.memory_space<hbm>> -> memref<40x128xi32, #tpu.memory_space<hbm>>
      %dma_wait3A_360 = arith.constant 0 : i32
      %dma_wait3A_361 = tpu.memref_slice %dma_wait3A_359[%add3A_324, %dma_wait3A_360] : memref<40x128xi32, #tpu.memory_space<hbm>> -> memref<1x128xi32, #tpu.memory_space<hbm>>
      %dma_wait3A_362 = tpu.memref_squeeze %dma_wait3A_361 : memref<1x128xi32, #tpu.memory_space<hbm>> -> memref<128xi32, #tpu.memory_space<hbm>>
      tpu.wait_dma2 semaphore(%dma_wait3A_352 : memref<!tpu.dma_semaphore, #tpu.memory_space<semaphore_mem>>) src(%dma_wait3A_362 : memref<128xi32, #tpu.memory_space<hbm>>) dst(%dma_wait3A_355 : memref<128xi32, #tpu.memory_space<vmem>>)
      %dma_start3A_363 = arith.constant 0 : i32
      %dma_start3A_364 = arith.constant 2 : i32
      %dma_start3A_365 = arith.constant 0 : i32
      %dma_start3A_366 = arith.constant 0 : i32
      %dma_start3A_367 = arith.constant 0 : i32
      %dma_start3A_368 = tpu.memref_slice %arg10[%dma_start3A_363, %dma_start3A_366, %dma_start3A_367] : memref<2x128x128xf32, #tpu.memory_space<vmem>> -> memref<1x128x128xf32, #tpu.memory_space<vmem>>
      %dma_start3A_369 = tpu.memref_squeeze %dma_start3A_368 : memref<1x128x128xf32, #tpu.memory_space<vmem>> -> memref<128x128xf32, #tpu.memory_space<vmem>>
      %dma_start3A_370 = arith.constant 0 : i32
      %dma_start3A_371 = tpu.memref_slice %arg9[%dma_start3A_364, %dma_start3A_370] : memref<4x128xi32, #tpu.memory_space<vmem>> -> memref<1x128xi32, #tpu.memory_space<vmem>>
      %dma_start3A_372 = tpu.memref_squeeze %dma_start3A_371 : memref<1x128xi32, #tpu.memory_space<vmem>> -> memref<128xi32, #tpu.memory_space<vmem>>
      %dma_start3A_373 = arith.constant 0 : i32
      %dma_start3A_374 = arith.constant 0 : i32
      %dma_start3A_375 = tpu.memref_slice %arg11[%dma_start3A_373, %dma_start3A_374] : memref<10112x128xf32, #tpu.memory_space<vmem_shared>> -> memref<10112x128xf32, #tpu.memory_space<vmem_shared>>
      %dma_start3A_376 = tpu.memref_slice %arg13[%dma_start3A_365] : memref<2x!tpu.dma_semaphore, #tpu.memory_space<semaphore_mem>> -> memref<1x!tpu.dma_semaphore, #tpu.memory_space<semaphore_mem>>
      %dma_start3A_377 = tpu.memref_squeeze %dma_start3A_376 : memref<1x!tpu.dma_semaphore, #tpu.memory_space<semaphore_mem>> -> memref<!tpu.dma_semaphore, #tpu.memory_space<semaphore_mem>>
      tpu.enqueue_indirect_dma source(%dma_start3A_369 : memref<128x128xf32, #tpu.memory_space<vmem>>) target(%dma_start3A_375 : memref<10112x128xf32, #tpu.memory_space<vmem_shared>>) offsets(%dma_start3A_372 : memref<128xi32, #tpu.memory_space<vmem>>) semaphore(%dma_start3A_377 : memref<!tpu.dma_semaphore, #tpu.memory_space<semaphore_mem>>) {add = true}
      %dma_wait3A_378 = arith.constant 0 : i32
      %dma_wait3A_379 = arith.constant 2 : i32
      %dma_wait3A_380 = arith.constant 0 : i32
      %dma_wait3A_381 = arith.constant 0 : i32
      %dma_wait3A_382 = arith.constant 0 : i32
      %dma_wait3A_383 = tpu.memref_slice %arg10[%dma_wait3A_378, %dma_wait3A_381, %dma_wait3A_382] : memref<2x128x128xf32, #tpu.memory_space<vmem>> -> memref<1x128x128xf32, #tpu.memory_space<vmem>>
      %dma_wait3A_384 = tpu.memref_squeeze %dma_wait3A_383 : memref<1x128x128xf32, #tpu.memory_space<vmem>> -> memref<128x128xf32, #tpu.memory_space<vmem>>
      %dma_wait3A_385 = arith.constant 0 : i32
      %dma_wait3A_386 = tpu.memref_slice %arg9[%dma_wait3A_379, %dma_wait3A_385] : memref<4x128xi32, #tpu.memory_space<vmem>> -> memref<1x128xi32, #tpu.memory_space<vmem>>
      %dma_wait3A_387 = tpu.memref_squeeze %dma_wait3A_386 : memref<1x128xi32, #tpu.memory_space<vmem>> -> memref<128xi32, #tpu.memory_space<vmem>>
      %dma_wait3A_388 = arith.constant 0 : i32
      %dma_wait3A_389 = arith.constant 0 : i32
      %dma_wait3A_390 = tpu.memref_slice %arg11[%dma_wait3A_388, %dma_wait3A_389] : memref<10112x128xf32, #tpu.memory_space<vmem_shared>> -> memref<10112x128xf32, #tpu.memory_space<vmem_shared>>
      %dma_wait3A_391 = tpu.memref_slice %arg13[%dma_wait3A_380] : memref<2x!tpu.dma_semaphore, #tpu.memory_space<semaphore_mem>> -> memref<1x!tpu.dma_semaphore, #tpu.memory_space<semaphore_mem>>
      %dma_wait3A_392 = tpu.memref_squeeze %dma_wait3A_391 : memref<1x!tpu.dma_semaphore, #tpu.memory_space<semaphore_mem>> -> memref<!tpu.dma_semaphore, #tpu.memory_space<semaphore_mem>>
      tpu.wait_indirect_dma semaphore(%dma_wait3A_392 : memref<!tpu.dma_semaphore, #tpu.memory_space<semaphore_mem>>) src(%dma_wait3A_384 : memref<128x128xf32, #tpu.memory_space<vmem>>) dst(%dma_wait3A_390 : memref<10112x128xf32, #tpu.memory_space<vmem_shared>>)
      %add3A_393 = arith.constant 4 : i32
      %add3A_394 = arith.addi %add3A_324, %add3A_393 : i32
      %lt3A_395 = arith.constant 40 : i32
      %lt3A_396 = arith.cmpi slt, %add3A_394, %lt3A_395 : i32
      %convert_element_type3A_397 = arith.extui %lt3A_396 : i1 to i32
      %cond3A_398 = arith.constant 0 : i32
      %cond3A_399 = arith.cmpi ne, %convert_element_type3A_397, %cond3A_398 : i32
      scf.if %cond3A_399 {
        %add3A_493 = arith.constant 4 : i32
        %add3A_494 = arith.addi %add3A_324, %add3A_493 : i32
        %dma_start3A_495 = arith.constant 2 : i32
        %dma_start3A_496 = arith.constant 2 : i32
        %dma_start3A_497 = arith.constant 0 : i32
        %dma_start3A_498 = tpu.memref_slice %arg9[%dma_start3A_495, %dma_start3A_497] : memref<4x128xi32, #tpu.memory_space<vmem>> -> memref<1x128xi32, #tpu.memory_space<vmem>>
        %dma_start3A_499 = tpu.memref_squeeze %dma_start3A_498 : memref<1x128xi32, #tpu.memory_space<vmem>> -> memref<128xi32, #tpu.memory_space<vmem>>
        %dma_start3A_500 = arith.constant 0 : i32
        %dma_start3A_501 = arith.constant 0 : i32
        %dma_start3A_502 = tpu.memref_slice %arg4[%add3A, %dma_start3A_500, %dma_start3A_501] : memref<32x40x128xi32, #tpu.memory_space<hbm>> -> memref<1x40x128xi32, #tpu.memory_space<hbm>>
        %dma_start3A_503 = tpu.memref_squeeze %dma_start3A_502 : memref<1x40x128xi32, #tpu.memory_space<hbm>> -> memref<40x128xi32, #tpu.memory_space<hbm>>
        %dma_start3A_504 = arith.constant 0 : i32
        %dma_start3A_505 = tpu.memref_slice %dma_start3A_503[%add3A_494, %dma_start3A_504] : memref<40x128xi32, #tpu.memory_space<hbm>> -> memref<1x128xi32, #tpu.memory_space<hbm>>
        %dma_start3A_506 = tpu.memref_squeeze %dma_start3A_505 : memref<1x128xi32, #tpu.memory_space<hbm>> -> memref<128xi32, #tpu.memory_space<hbm>>
        %dma_start3A_507 = tpu.memref_slice %arg14[%dma_start3A_496] : memref<4x!tpu.dma_semaphore, #tpu.memory_space<semaphore_mem>> -> memref<1x!tpu.dma_semaphore, #tpu.memory_space<semaphore_mem>>
        %dma_start3A_508 = tpu.memref_squeeze %dma_start3A_507 : memref<1x!tpu.dma_semaphore, #tpu.memory_space<semaphore_mem>> -> memref<!tpu.dma_semaphore, #tpu.memory_space<semaphore_mem>>
        %dma_start3A_509 = arith.constant 0 : i32
        %dma_start3A_510 = tpu.memref_slice %arg9[%dma_start3A_495, %dma_start3A_509] : memref<4x128xi32, #tpu.memory_space<vmem>> -> memref<1x128xi32, #tpu.memory_space<vmem>>
        %dma_start3A_511 = tpu.memref_squeeze %dma_start3A_510 : memref<1x128xi32, #tpu.memory_space<vmem>> -> memref<128xi32, #tpu.memory_space<vmem>>
        %dma_start3A_512 = arith.constant 0 : i32
        %dma_start3A_513 = arith.constant 0 : i32
        %dma_start3A_514 = tpu.memref_slice %arg4[%add3A, %dma_start3A_512, %dma_start3A_513] : memref<32x40x128xi32, #tpu.memory_space<hbm>> -> memref<1x40x128xi32, #tpu.memory_space<hbm>>
        %dma_start3A_515 = tpu.memref_squeeze %dma_start3A_514 : memref<1x40x128xi32, #tpu.memory_space<hbm>> -> memref<40x128xi32, #tpu.memory_space<hbm>>
        %dma_start3A_516 = arith.constant 0 : i32
        %dma_start3A_517 = tpu.memref_slice %dma_start3A_515[%add3A_494, %dma_start3A_516] : memref<40x128xi32, #tpu.memory_space<hbm>> -> memref<1x128xi32, #tpu.memory_space<hbm>>
        %dma_start3A_518 = tpu.memref_squeeze %dma_start3A_517 : memref<1x128xi32, #tpu.memory_space<hbm>> -> memref<128xi32, #tpu.memory_space<hbm>>
        tpu.enqueue_dma source(%dma_start3A_518 : memref<128xi32, #tpu.memory_space<hbm>>) target(%dma_start3A_511 : memref<128xi32, #tpu.memory_space<vmem>>) target_semaphore(%dma_start3A_508 : memref<!tpu.dma_semaphore, #tpu.memory_space<semaphore_mem>>)
      } else {
      }
      %add3A_400 = arith.constant 2 : i32
      %add3A_401 = arith.addi %add3A_324, %add3A_400 : i32
      %lt3A_402 = arith.constant 40 : i32
      %lt3A_403 = arith.cmpi slt, %add3A_401, %lt3A_402 : i32
      %convert_element_type3A_404 = arith.extui %lt3A_403 : i1 to i32
      %cond3A_405 = arith.constant 0 : i32
      %cond3A_406 = arith.cmpi ne, %convert_element_type3A_404, %cond3A_405 : i32
      scf.if %cond3A_406 {
        %add3A_493 = arith.constant 2 : i32
        %add3A_494 = arith.addi %add3A_324, %add3A_493 : i32
        %dma_start3A_495 = arith.constant 0 : i32
        %dma_start3A_496 = arith.constant 0 : i32
        %dma_start3A_497 = arith.constant 0 : i32
        %dma_start3A_498 = arith.constant 0 : i32
        %dma_start3A_499 = tpu.memref_slice %arg10[%dma_start3A_495, %dma_start3A_497, %dma_start3A_498] : memref<2x128x128xf32, #tpu.memory_space<vmem>> -> memref<1x128x128xf32, #tpu.memory_space<vmem>>
        %dma_start3A_500 = tpu.memref_squeeze %dma_start3A_499 : memref<1x128x128xf32, #tpu.memory_space<vmem>> -> memref<128x128xf32, #tpu.memory_space<vmem>>
        %dma_start3A_501 = arith.constant 0 : i32
        %dma_start3A_502 = tpu.memref_slice %arg8[%add3A_494, %dma_start3A_501] : memref<40x128xi32, #tpu.memory_space<vmem>> -> memref<1x128xi32, #tpu.memory_space<vmem>>
        %dma_start3A_503 = tpu.memref_squeeze %dma_start3A_502 : memref<1x128xi32, #tpu.memory_space<vmem>> -> memref<128xi32, #tpu.memory_space<vmem>>
        %dma_start3A_504 = arith.constant 0 : i32
        %dma_start3A_505 = arith.constant 0 : i32
        %dma_start3A_506 = tpu.memref_slice %arg2[%dma_start3A_504, %dma_start3A_505] : memref<10000x128xf32, #tpu.memory_space<hbm>> -> memref<10000x128xf32, #tpu.memory_space<hbm>>
        %dma_start3A_507 = tpu.memref_slice %arg12[%dma_start3A_496] : memref<2x!tpu.dma_semaphore, #tpu.memory_space<semaphore_mem>> -> memref<1x!tpu.dma_semaphore, #tpu.memory_space<semaphore_mem>>
        %dma_start3A_508 = tpu.memref_squeeze %dma_start3A_507 : memref<1x!tpu.dma_semaphore, #tpu.memory_space<semaphore_mem>> -> memref<!tpu.dma_semaphore, #tpu.memory_space<semaphore_mem>>
        tpu.enqueue_indirect_dma source(%dma_start3A_506 : memref<10000x128xf32, #tpu.memory_space<hbm>>) target(%dma_start3A_500 : memref<128x128xf32, #tpu.memory_space<vmem>>) offsets(%dma_start3A_503 : memref<128xi32, #tpu.memory_space<vmem>>) semaphore(%dma_start3A_508 : memref<!tpu.dma_semaphore, #tpu.memory_space<semaphore_mem>>)
      } else {
      }
      %mul3A_407 = arith.constant 4 : i32
      %mul3A_408 = arith.muli %scan3A_151, %mul3A_407 : i32
      %add3A_409 = arith.constant 3 : i32
      %add3A_410 = arith.addi %mul3A_408, %add3A_409 : i32
      %dma_wait3A_411 = arith.constant 1 : i32
      %dma_wait3A_412 = arith.constant 1 : i32
      %dma_wait3A_413 = arith.constant 0 : i32
      %dma_wait3A_414 = arith.constant 0 : i32
      %dma_wait3A_415 = tpu.memref_slice %arg10[%dma_wait3A_411, %dma_wait3A_413, %dma_wait3A_414] : memref<2x128x128xf32, #tpu.memory_space<vmem>> -> memref<1x128x128xf32, #tpu.memory_space<vmem>>
      %dma_wait3A_416 = tpu.memref_squeeze %dma_wait3A_415 : memref<1x128x128xf32, #tpu.memory_space<vmem>> -> memref<128x128xf32, #tpu.memory_space<vmem>>
      %dma_wait3A_417 = arith.constant 0 : i32
      %dma_wait3A_418 = tpu.memref_slice %arg8[%add3A_410, %dma_wait3A_417] : memref<40x128xi32, #tpu.memory_space<vmem>> -> memref<1x128xi32, #tpu.memory_space<vmem>>
      %dma_wait3A_419 = tpu.memref_squeeze %dma_wait3A_418 : memref<1x128xi32, #tpu.memory_space<vmem>> -> memref<128xi32, #tpu.memory_space<vmem>>
      %dma_wait3A_420 = arith.constant 0 : i32
      %dma_wait3A_421 = arith.constant 0 : i32
      %dma_wait3A_422 = tpu.memref_slice %arg2[%dma_wait3A_420, %dma_wait3A_421] : memref<10000x128xf32, #tpu.memory_space<hbm>> -> memref<10000x128xf32, #tpu.memory_space<hbm>>
      %dma_wait3A_423 = tpu.memref_slice %arg12[%dma_wait3A_412] : memref<2x!tpu.dma_semaphore, #tpu.memory_space<semaphore_mem>> -> memref<1x!tpu.dma_semaphore, #tpu.memory_space<semaphore_mem>>
      %dma_wait3A_424 = tpu.memref_squeeze %dma_wait3A_423 : memref<1x!tpu.dma_semaphore, #tpu.memory_space<semaphore_mem>> -> memref<!tpu.dma_semaphore, #tpu.memory_space<semaphore_mem>>
      tpu.wait_indirect_dma semaphore(%dma_wait3A_424 : memref<!tpu.dma_semaphore, #tpu.memory_space<semaphore_mem>>) src(%dma_wait3A_422 : memref<10000x128xf32, #tpu.memory_space<hbm>>) dst(%dma_wait3A_416 : memref<128x128xf32, #tpu.memory_space<vmem>>)
      %dma_wait3A_425 = arith.constant 3 : i32
      %dma_wait3A_426 = arith.constant 3 : i32
      %dma_wait3A_427 = arith.constant 0 : i32
      %dma_wait3A_428 = tpu.memref_slice %arg9[%dma_wait3A_425, %dma_wait3A_427] : memref<4x128xi32, #tpu.memory_space<vmem>> -> memref<1x128xi32, #tpu.memory_space<vmem>>
      %dma_wait3A_429 = tpu.memref_squeeze %dma_wait3A_428 : memref<1x128xi32, #tpu.memory_space<vmem>> -> memref<128xi32, #tpu.memory_space<vmem>>
      %dma_wait3A_430 = arith.constant 0 : i32
      %dma_wait3A_431 = arith.constant 0 : i32
      %dma_wait3A_432 = tpu.memref_slice %arg4[%add3A, %dma_wait3A_430, %dma_wait3A_431] : memref<32x40x128xi32, #tpu.memory_space<hbm>> -> memref<1x40x128xi32, #tpu.memory_space<hbm>>
      %dma_wait3A_433 = tpu.memref_squeeze %dma_wait3A_432 : memref<1x40x128xi32, #tpu.memory_space<hbm>> -> memref<40x128xi32, #tpu.memory_space<hbm>>
      %dma_wait3A_434 = arith.constant 0 : i32
      %dma_wait3A_435 = tpu.memref_slice %dma_wait3A_433[%add3A_410, %dma_wait3A_434] : memref<40x128xi32, #tpu.memory_space<hbm>> -> memref<1x128xi32, #tpu.memory_space<hbm>>
      %dma_wait3A_436 = tpu.memref_squeeze %dma_wait3A_435 : memref<1x128xi32, #tpu.memory_space<hbm>> -> memref<128xi32, #tpu.memory_space<hbm>>
      %dma_wait3A_437 = tpu.memref_slice %arg14[%dma_wait3A_426] : memref<4x!tpu.dma_semaphore, #tpu.memory_space<semaphore_mem>> -> memref<1x!tpu.dma_semaphore, #tpu.memory_space<semaphore_mem>>
      %dma_wait3A_438 = tpu.memref_squeeze %dma_wait3A_437 : memref<1x!tpu.dma_semaphore, #tpu.memory_space<semaphore_mem>> -> memref<!tpu.dma_semaphore, #tpu.memory_space<semaphore_mem>>
      %dma_wait3A_439 = arith.constant 0 : i32
      %dma_wait3A_440 = tpu.memref_slice %arg9[%dma_wait3A_425, %dma_wait3A_439] : memref<4x128xi32, #tpu.memory_space<vmem>> -> memref<1x128xi32, #tpu.memory_space<vmem>>
      %dma_wait3A_441 = tpu.memref_squeeze %dma_wait3A_440 : memref<1x128xi32, #tpu.memory_space<vmem>> -> memref<128xi32, #tpu.memory_space<vmem>>
      %dma_wait3A_442 = arith.constant 0 : i32
      %dma_wait3A_443 = arith.constant 0 : i32
      %dma_wait3A_444 = tpu.memref_slice %arg4[%add3A, %dma_wait3A_442, %dma_wait3A_443] : memref<32x40x128xi32, #tpu.memory_space<hbm>> -> memref<1x40x128xi32, #tpu.memory_space<hbm>>
      %dma_wait3A_445 = tpu.memref_squeeze %dma_wait3A_444 : memref<1x40x128xi32, #tpu.memory_space<hbm>> -> memref<40x128xi32, #tpu.memory_space<hbm>>
      %dma_wait3A_446 = arith.constant 0 : i32
      %dma_wait3A_447 = tpu.memref_slice %dma_wait3A_445[%add3A_410, %dma_wait3A_446] : memref<40x128xi32, #tpu.memory_space<hbm>> -> memref<1x128xi32, #tpu.memory_space<hbm>>
      %dma_wait3A_448 = tpu.memref_squeeze %dma_wait3A_447 : memref<1x128xi32, #tpu.memory_space<hbm>> -> memref<128xi32, #tpu.memory_space<hbm>>
      tpu.wait_dma2 semaphore(%dma_wait3A_438 : memref<!tpu.dma_semaphore, #tpu.memory_space<semaphore_mem>>) src(%dma_wait3A_448 : memref<128xi32, #tpu.memory_space<hbm>>) dst(%dma_wait3A_441 : memref<128xi32, #tpu.memory_space<vmem>>)
      %dma_start3A_449 = arith.constant 1 : i32
      %dma_start3A_450 = arith.constant 3 : i32
      %dma_start3A_451 = arith.constant 1 : i32
      %dma_start3A_452 = arith.constant 0 : i32
      %dma_start3A_453 = arith.constant 0 : i32
      %dma_start3A_454 = tpu.memref_slice %arg10[%dma_start3A_449, %dma_start3A_452, %dma_start3A_453] : memref<2x128x128xf32, #tpu.memory_space<vmem>> -> memref<1x128x128xf32, #tpu.memory_space<vmem>>
      %dma_start3A_455 = tpu.memref_squeeze %dma_start3A_454 : memref<1x128x128xf32, #tpu.memory_space<vmem>> -> memref<128x128xf32, #tpu.memory_space<vmem>>
      %dma_start3A_456 = arith.constant 0 : i32
      %dma_start3A_457 = tpu.memref_slice %arg9[%dma_start3A_450, %dma_start3A_456] : memref<4x128xi32, #tpu.memory_space<vmem>> -> memref<1x128xi32, #tpu.memory_space<vmem>>
      %dma_start3A_458 = tpu.memref_squeeze %dma_start3A_457 : memref<1x128xi32, #tpu.memory_space<vmem>> -> memref<128xi32, #tpu.memory_space<vmem>>
      %dma_start3A_459 = arith.constant 0 : i32
      %dma_start3A_460 = arith.constant 0 : i32
      %dma_start3A_461 = tpu.memref_slice %arg11[%dma_start3A_459, %dma_start3A_460] : memref<10112x128xf32, #tpu.memory_space<vmem_shared>> -> memref<10112x128xf32, #tpu.memory_space<vmem_shared>>
      %dma_start3A_462 = tpu.memref_slice %arg13[%dma_start3A_451] : memref<2x!tpu.dma_semaphore, #tpu.memory_space<semaphore_mem>> -> memref<1x!tpu.dma_semaphore, #tpu.memory_space<semaphore_mem>>
      %dma_start3A_463 = tpu.memref_squeeze %dma_start3A_462 : memref<1x!tpu.dma_semaphore, #tpu.memory_space<semaphore_mem>> -> memref<!tpu.dma_semaphore, #tpu.memory_space<semaphore_mem>>
      tpu.enqueue_indirect_dma source(%dma_start3A_455 : memref<128x128xf32, #tpu.memory_space<vmem>>) target(%dma_start3A_461 : memref<10112x128xf32, #tpu.memory_space<vmem_shared>>) offsets(%dma_start3A_458 : memref<128xi32, #tpu.memory_space<vmem>>) semaphore(%dma_start3A_463 : memref<!tpu.dma_semaphore, #tpu.memory_space<semaphore_mem>>) {add = true}
      %dma_wait3A_464 = arith.constant 1 : i32
      %dma_wait3A_465 = arith.constant 3 : i32
      %dma_wait3A_466 = arith.constant 1 : i32
      %dma_wait3A_467 = arith.constant 0 : i32
      %dma_wait3A_468 = arith.constant 0 : i32
      %dma_wait3A_469 = tpu.memref_slice %arg10[%dma_wait3A_464, %dma_wait3A_467, %dma_wait3A_468] : memref<2x128x128xf32, #tpu.memory_space<vmem>> -> memref<1x128x128xf32, #tpu.memory_space<vmem>>
      %dma_wait3A_470 = tpu.memref_squeeze %dma_wait3A_469 : memref<1x128x128xf32, #tpu.memory_space<vmem>> -> memref<128x128xf32, #tpu.memory_space<vmem>>
      %dma_wait3A_471 = arith.constant 0 : i32
      %dma_wait3A_472 = tpu.memref_slice %arg9[%dma_wait3A_465, %dma_wait3A_471] : memref<4x128xi32, #tpu.memory_space<vmem>> -> memref<1x128xi32, #tpu.memory_space<vmem>>
      %dma_wait3A_473 = tpu.memref_squeeze %dma_wait3A_472 : memref<1x128xi32, #tpu.memory_space<vmem>> -> memref<128xi32, #tpu.memory_space<vmem>>
      %dma_wait3A_474 = arith.constant 0 : i32
      %dma_wait3A_475 = arith.constant 0 : i32
      %dma_wait3A_476 = tpu.memref_slice %arg11[%dma_wait3A_474, %dma_wait3A_475] : memref<10112x128xf32, #tpu.memory_space<vmem_shared>> -> memref<10112x128xf32, #tpu.memory_space<vmem_shared>>
      %dma_wait3A_477 = tpu.memref_slice %arg13[%dma_wait3A_466] : memref<2x!tpu.dma_semaphore, #tpu.memory_space<semaphore_mem>> -> memref<1x!tpu.dma_semaphore, #tpu.memory_space<semaphore_mem>>
      %dma_wait3A_478 = tpu.memref_squeeze %dma_wait3A_477 : memref<1x!tpu.dma_semaphore, #tpu.memory_space<semaphore_mem>> -> memref<!tpu.dma_semaphore, #tpu.memory_space<semaphore_mem>>
      tpu.wait_indirect_dma semaphore(%dma_wait3A_478 : memref<!tpu.dma_semaphore, #tpu.memory_space<semaphore_mem>>) src(%dma_wait3A_470 : memref<128x128xf32, #tpu.memory_space<vmem>>) dst(%dma_wait3A_476 : memref<10112x128xf32, #tpu.memory_space<vmem_shared>>)
      %add3A_479 = arith.constant 4 : i32
      %add3A_480 = arith.addi %add3A_410, %add3A_479 : i32
      %lt3A_481 = arith.constant 40 : i32
      %lt3A_482 = arith.cmpi slt, %add3A_480, %lt3A_481 : i32
      %convert_element_type3A_483 = arith.extui %lt3A_482 : i1 to i32
      %cond3A_484 = arith.constant 0 : i32
      %cond3A_485 = arith.cmpi ne, %convert_element_type3A_483, %cond3A_484 : i32
      scf.if %cond3A_485 {
        %add3A_493 = arith.constant 4 : i32
        %add3A_494 = arith.addi %add3A_410, %add3A_493 : i32
        %dma_start3A_495 = arith.constant 3 : i32
        %dma_start3A_496 = arith.constant 3 : i32
        %dma_start3A_497 = arith.constant 0 : i32
        %dma_start3A_498 = tpu.memref_slice %arg9[%dma_start3A_495, %dma_start3A_497] : memref<4x128xi32, #tpu.memory_space<vmem>> -> memref<1x128xi32, #tpu.memory_space<vmem>>
        %dma_start3A_499 = tpu.memref_squeeze %dma_start3A_498 : memref<1x128xi32, #tpu.memory_space<vmem>> -> memref<128xi32, #tpu.memory_space<vmem>>
        %dma_start3A_500 = arith.constant 0 : i32
        %dma_start3A_501 = arith.constant 0 : i32
        %dma_start3A_502 = tpu.memref_slice %arg4[%add3A, %dma_start3A_500, %dma_start3A_501] : memref<32x40x128xi32, #tpu.memory_space<hbm>> -> memref<1x40x128xi32, #tpu.memory_space<hbm>>
        %dma_start3A_503 = tpu.memref_squeeze %dma_start3A_502 : memref<1x40x128xi32, #tpu.memory_space<hbm>> -> memref<40x128xi32, #tpu.memory_space<hbm>>
        %dma_start3A_504 = arith.constant 0 : i32
        %dma_start3A_505 = tpu.memref_slice %dma_start3A_503[%add3A_494, %dma_start3A_504] : memref<40x128xi32, #tpu.memory_space<hbm>> -> memref<1x128xi32, #tpu.memory_space<hbm>>
        %dma_start3A_506 = tpu.memref_squeeze %dma_start3A_505 : memref<1x128xi32, #tpu.memory_space<hbm>> -> memref<128xi32, #tpu.memory_space<hbm>>
        %dma_start3A_507 = tpu.memref_slice %arg14[%dma_start3A_496] : memref<4x!tpu.dma_semaphore, #tpu.memory_space<semaphore_mem>> -> memref<1x!tpu.dma_semaphore, #tpu.memory_space<semaphore_mem>>
        %dma_start3A_508 = tpu.memref_squeeze %dma_start3A_507 : memref<1x!tpu.dma_semaphore, #tpu.memory_space<semaphore_mem>> -> memref<!tpu.dma_semaphore, #tpu.memory_space<semaphore_mem>>
        %dma_start3A_509 = arith.constant 0 : i32
        %dma_start3A_510 = tpu.memref_slice %arg9[%dma_start3A_495, %dma_start3A_509] : memref<4x128xi32, #tpu.memory_space<vmem>> -> memref<1x128xi32, #tpu.memory_space<vmem>>
        %dma_start3A_511 = tpu.memref_squeeze %dma_start3A_510 : memref<1x128xi32, #tpu.memory_space<vmem>> -> memref<128xi32, #tpu.memory_space<vmem>>
        %dma_start3A_512 = arith.constant 0 : i32
        %dma_start3A_513 = arith.constant 0 : i32
        %dma_start3A_514 = tpu.memref_slice %arg4[%add3A, %dma_start3A_512, %dma_start3A_513] : memref<32x40x128xi32, #tpu.memory_space<hbm>> -> memref<1x40x128xi32, #tpu.memory_space<hbm>>
        %dma_start3A_515 = tpu.memref_squeeze %dma_start3A_514 : memref<1x40x128xi32, #tpu.memory_space<hbm>> -> memref<40x128xi32, #tpu.memory_space<hbm>>
        %dma_start3A_516 = arith.constant 0 : i32
        %dma_start3A_517 = tpu.memref_slice %dma_start3A_515[%add3A_494, %dma_start3A_516] : memref<40x128xi32, #tpu.memory_space<hbm>> -> memref<1x128xi32, #tpu.memory_space<hbm>>
        %dma_start3A_518 = tpu.memref_squeeze %dma_start3A_517 : memref<1x128xi32, #tpu.memory_space<hbm>> -> memref<128xi32, #tpu.memory_space<hbm>>
        tpu.enqueue_dma source(%dma_start3A_518 : memref<128xi32, #tpu.memory_space<hbm>>) target(%dma_start3A_511 : memref<128xi32, #tpu.memory_space<vmem>>) target_semaphore(%dma_start3A_508 : memref<!tpu.dma_semaphore, #tpu.memory_space<semaphore_mem>>)
      } else {
      }
      %add3A_486 = arith.constant 2 : i32
      %add3A_487 = arith.addi %add3A_410, %add3A_486 : i32
      %lt3A_488 = arith.constant 40 : i32
      %lt3A_489 = arith.cmpi slt, %add3A_487, %lt3A_488 : i32
      %convert_element_type3A_490 = arith.extui %lt3A_489 : i1 to i32
      %cond3A_491 = arith.constant 0 : i32
      %cond3A_492 = arith.cmpi ne, %convert_element_type3A_490, %cond3A_491 : i32
      scf.if %cond3A_492 {
        %add3A_493 = arith.constant 2 : i32
        %add3A_494 = arith.addi %add3A_410, %add3A_493 : i32
        %dma_start3A_495 = arith.constant 1 : i32
        %dma_start3A_496 = arith.constant 1 : i32
        %dma_start3A_497 = arith.constant 0 : i32
        %dma_start3A_498 = arith.constant 0 : i32
        %dma_start3A_499 = tpu.memref_slice %arg10[%dma_start3A_495, %dma_start3A_497, %dma_start3A_498] : memref<2x128x128xf32, #tpu.memory_space<vmem>> -> memref<1x128x128xf32, #tpu.memory_space<vmem>>
        %dma_start3A_500 = tpu.memref_squeeze %dma_start3A_499 : memref<1x128x128xf32, #tpu.memory_space<vmem>> -> memref<128x128xf32, #tpu.memory_space<vmem>>
        %dma_start3A_501 = arith.constant 0 : i32
        %dma_start3A_502 = tpu.memref_slice %arg8[%add3A_494, %dma_start3A_501] : memref<40x128xi32, #tpu.memory_space<vmem>> -> memref<1x128xi32, #tpu.memory_space<vmem>>
        %dma_start3A_503 = tpu.memref_squeeze %dma_start3A_502 : memref<1x128xi32, #tpu.memory_space<vmem>> -> memref<128xi32, #tpu.memory_space<vmem>>
        %dma_start3A_504 = arith.constant 0 : i32
        %dma_start3A_505 = arith.constant 0 : i32
        %dma_start3A_506 = tpu.memref_slice %arg2[%dma_start3A_504, %dma_start3A_505] : memref<10000x128xf32, #tpu.memory_space<hbm>> -> memref<10000x128xf32, #tpu.memory_space<hbm>>
        %dma_start3A_507 = tpu.memref_slice %arg12[%dma_start3A_496] : memref<2x!tpu.dma_semaphore, #tpu.memory_space<semaphore_mem>> -> memref<1x!tpu.dma_semaphore, #tpu.memory_space<semaphore_mem>>
        %dma_start3A_508 = tpu.memref_squeeze %dma_start3A_507 : memref<1x!tpu.dma_semaphore, #tpu.memory_space<semaphore_mem>> -> memref<!tpu.dma_semaphore, #tpu.memory_space<semaphore_mem>>
        tpu.enqueue_indirect_dma source(%dma_start3A_506 : memref<10000x128xf32, #tpu.memory_space<hbm>>) target(%dma_start3A_500 : memref<128x128xf32, #tpu.memory_space<vmem>>) offsets(%dma_start3A_503 : memref<128xi32, #tpu.memory_space<vmem>>) semaphore(%dma_start3A_508 : memref<!tpu.dma_semaphore, #tpu.memory_space<semaphore_mem>>)
      } else {
      }
    }
    %scan3A_145 = arith.constant 10 : i32
    "tpu.trace_stop"() : () -> ()
    "tpu.trace_start"() <{level = 10 : i32, message = "sc_bar"}> : () -> ()
    %barrier3A_146 = arith.constant 0 : index
    tpu.barrier barrier_id(%barrier3A_146)
    "tpu.trace_stop"() : () -> ()
    "tpu.trace_start"() <{level = 10 : i32, message = "sc_copyout"}> : () -> ()
    %mul3A_147 = arith.constant 632 : i32
    %mul3A_148 = arith.muli %arg1, %mul3A_147 : i32
    %mul3A_149 = arith.constant 632 : i32
    %mul3A_150 = arith.muli %arg1, %mul3A_149 : i32
    "tpu.region"() ({
      %run_scoped3A = tpu.sem_alloc : memref<!tpu.dma_semaphore, #tpu.memory_space<semaphore_mem>>
      %dma_start3A_151 = arith.constant 0 : i32
      %dma_start3A_152 = tpu.memref_slice %arg7[%arg0, %mul3A_150, %dma_start3A_151] : memref<2x10112x128xf32, #tpu.memory_space<hbm>> -> memref<1x632x128xf32, #tpu.memory_space<hbm>>
      %dma_start3A_153 = tpu.memref_squeeze %dma_start3A_152 : memref<1x632x128xf32, #tpu.memory_space<hbm>> -> memref<632x128xf32, #tpu.memory_space<hbm>>
      %dma_start3A_154 = arith.constant 0 : i32
      %dma_start3A_155 = tpu.memref_slice %arg11[%mul3A_148, %dma_start3A_154] : memref<10112x128xf32, #tpu.memory_space<vmem_shared>> -> memref<632x128xf32, #tpu.memory_space<vmem_shared>>
      tpu.enqueue_dma source(%dma_start3A_155 : memref<632x128xf32, #tpu.memory_space<vmem_shared>>) target(%dma_start3A_153 : memref<632x128xf32, #tpu.memory_space<hbm>>) target_semaphore(%run_scoped3A : memref<!tpu.dma_semaphore, #tpu.memory_space<semaphore_mem>>)
      %dma_wait3A_156 = arith.constant 0 : i32
      %dma_wait3A_157 = tpu.memref_slice %arg7[%arg0, %mul3A_150, %dma_wait3A_156] : memref<2x10112x128xf32, #tpu.memory_space<hbm>> -> memref<1x632x128xf32, #tpu.memory_space<hbm>>
      %dma_wait3A_158 = tpu.memref_squeeze %dma_wait3A_157 : memref<1x632x128xf32, #tpu.memory_space<hbm>> -> memref<632x128xf32, #tpu.memory_space<hbm>>
      %dma_wait3A_159 = arith.constant 0 : i32
      %dma_wait3A_160 = tpu.memref_slice %arg11[%mul3A_148, %dma_wait3A_159] : memref<10112x128xf32, #tpu.memory_space<vmem_shared>> -> memref<632x128xf32, #tpu.memory_space<vmem_shared>>
      tpu.wait_dma2 semaphore(%run_scoped3A : memref<!tpu.dma_semaphore, #tpu.memory_space<semaphore_mem>>) src(%dma_wait3A_160 : memref<632x128xf32, #tpu.memory_space<vmem_shared>>) dst(%dma_wait3A_158 : memref<632x128xf32, #tpu.memory_space<hbm>>)
      tpu.yield
    }) : () -> ()
    "tpu.trace_stop"() : () -> ()
    return
  }
}

module attributes {stable_mosaic.version = 14 : i64} {
  func.func @_proj1_body(%arg0: i32, %arg1: memref<1024x128xf32, #tpu.memory_space<vmem>>, %arg2: memref<128x128xf32, #tpu.memory_space<vmem>>, %arg3: memref<128x128xf32, #tpu.memory_space<vmem>>, %arg4: memref<1024x128xf32, #tpu.memory_space<vmem>>, %arg5: memref<1024x128xf32, #tpu.memory_space<vmem>>) attributes {dimension_semantics = [#tpu.dimension_semantics<arbitrary>], iteration_bounds = array<i64: 10>, scalar_prefetch = 0 : i64, scratch_operands = 0 : i64, tpu.core_type = #tpu.core_type<tc>, window_params = [{transform_indices = @transform_0, window_bounds = array<i64: 1024, 128>}, {pipeline_mode = #tpu.pipeline_mode<synchronous>, transform_indices = @transform_1, window_bounds = array<i64: 128, 128>}, {pipeline_mode = #tpu.pipeline_mode<synchronous>, transform_indices = @transform_2, window_bounds = array<i64: 128, 128>}, {transform_indices = @transform_3, window_bounds = array<i64: 1024, 128>}, {transform_indices = @transform_4, window_bounds = array<i64: 1024, 128>}]} {
    %get3A = arith.constant 0 : index
    %get3A_0 = arith.constant 0 : index
    %get3A_1 = vector.load %arg1[%get3A, %get3A_0] : memref<1024x128xf32, #tpu.memory_space<vmem>>, vector<1024x128xf32>
    %get3A_2 = arith.constant 0 : index
    %get3A_3 = arith.constant 0 : index
    %get3A_4 = vector.load %arg2[%get3A_2, %get3A_3] : memref<128x128xf32, #tpu.memory_space<vmem>>, vector<128x128xf32>
    %dot_general3A = arith.constant dense<0.000000e+00> : vector<1024x128xf32>
    %dot_general3A_5 = tpu.matmul %get3A_1, %get3A_4, %dot_general3A {dimension_numbers = #tpu.dot_dimension_numbers<[1], [0], [0], [1], [0, 0, 1, 1], [], []>, transpose_lhs_hint = false} : vector<1024x128xf32>, vector<128x128xf32>, vector<1024x128xf32> -> vector<1024x128xf32>
    %swap3A = arith.constant 0 : index
    %swap3A_6 = arith.constant 0 : index
    %swap3A_7 = vector.load %arg4[%swap3A, %swap3A_6] : memref<1024x128xf32, #tpu.memory_space<vmem>>, vector<1024x128xf32>
    tpu.vector_store %arg4[%swap3A, %swap3A_6], %dot_general3A_5 {strides = array<i32>} : memref<1024x128xf32, #tpu.memory_space<vmem>>, vector<1024x128xf32>,
    %get3A_8 = arith.constant 0 : index
    %get3A_9 = arith.constant 0 : index
    %get3A_10 = vector.load %arg3[%get3A_8, %get3A_9] : memref<128x128xf32, #tpu.memory_space<vmem>>, vector<128x128xf32>
    %dot_general3A_11 = arith.constant dense<0.000000e+00> : vector<1024x128xf32>
    %dot_general3A_12 = tpu.matmul %get3A_1, %get3A_10, %dot_general3A_11 {dimension_numbers = #tpu.dot_dimension_numbers<[1], [0], [0], [1], [0, 0, 1, 1], [], []>, transpose_lhs_hint = false} : vector<1024x128xf32>, vector<128x128xf32>, vector<1024x128xf32> -> vector<1024x128xf32>
    %swap3A_13 = arith.constant 0 : index
    %swap3A_14 = arith.constant 0 : index
    %swap3A_15 = vector.load %arg5[%swap3A_13, %swap3A_14] : memref<1024x128xf32, #tpu.memory_space<vmem>>, vector<1024x128xf32>
    tpu.vector_store %arg5[%swap3A_13, %swap3A_14], %dot_general3A_12 {strides = array<i32>} : memref<1024x128xf32, #tpu.memory_space<vmem>>, vector<1024x128xf32>,
    return
  }
  func.func @transform_0(%arg0: i32) -> (i32, i32) {
    %c0_i32 = arith.constant 0 : i32
    %c0_i32_0 = arith.constant 0 : i32
    return %arg0, %c0_i32 : i32, i32
  }
  func.func @transform_1(%arg0: i32) -> (i32, i32) {
    %c0_i32 = arith.constant 0 : i32
    %c0_i32_0 = arith.constant 0 : i32
    %c0_i32_1 = arith.constant 0 : i32
    return %c0_i32, %c0_i32_0 : i32, i32
  }
  func.func @transform_2(%arg0: i32) -> (i32, i32) {
    %c0_i32 = arith.constant 0 : i32
    %c0_i32_0 = arith.constant 0 : i32
    %c0_i32_1 = arith.constant 0 : i32
    return %c0_i32, %c0_i32_0 : i32, i32
  }
  func.func @transform_3(%arg0: i32) -> (i32, i32) {
    %c0_i32 = arith.constant 0 : i32
    %c0_i32_0 = arith.constant 0 : i32
    return %arg0, %c0_i32 : i32, i32
  }
  func.func @transform_4(%arg0: i32) -> (i32, i32) {
    %c0_i32 = arith.constant 0 : i32
    %c0_i32_0 = arith.constant 0 : i32
    return %arg0, %c0_i32 : i32, i32
  }
}

module attributes {stable_mosaic.version = 14 : i64} {
  func.func @_layerB_body(%arg0: i32, %arg1: memref<1024x128xf32, #tpu.memory_space<vmem>>, %arg2: memref<1x1024x128xf32, #tpu.memory_space<vmem>>, %arg3: memref<1x1024x128xf32, #tpu.memory_space<vmem>>, %arg4: memref<32x1024xf32, #tpu.memory_space<vmem>>, %arg5: memref<1x128xf32, #tpu.memory_space<vmem>>, %arg6: memref<128x32xf32, #tpu.memory_space<vmem>>, %arg7: memref<1024x128xf32, #tpu.memory_space<vmem>>, %arg8: memref<1024x32xf32, #tpu.memory_space<vmem>>) attributes {dimension_semantics = [#tpu.dimension_semantics<arbitrary>], iteration_bounds = array<i64: 10>, scalar_prefetch = 0 : i64, scratch_operands = 0 : i64, tpu.core_type = #tpu.core_type<tc>, window_params = [{transform_indices = @transform_0, window_bounds = array<i64: 1024, 128>}, {transform_indices = @transform_1, window_bounds = array<i64: 1, 1024, 128>}, {transform_indices = @transform_2, window_bounds = array<i64: 1, 1024, 128>}, {transform_indices = @transform_3, window_bounds = array<i64: 32, 1024>}, {pipeline_mode = #tpu.pipeline_mode<synchronous>, transform_indices = @transform_4, window_bounds = array<i64: 1, 128>}, {pipeline_mode = #tpu.pipeline_mode<synchronous>, transform_indices = @transform_5, window_bounds = array<i64: 128, 32>}, {transform_indices = @transform_6, window_bounds = array<i64: 1024, 128>}, {transform_indices = @transform_7, window_bounds = array<i64: 1024, 32>}]} {
    %get3A = arith.constant 0 : index
    %get3A_0 = arith.constant 0 : index
    %get3A_1 = arith.constant 0 : index
    %get3A_2 = vector.load %arg2[%get3A, %get3A_0, %get3A_1] : memref<1x1024x128xf32, #tpu.memory_space<vmem>>, vector<1x1024x128xf32>
    %get3A_3 = vector.shape_cast %get3A_2 : vector<1x1024x128xf32> to vector<1024x128xf32>
    %get3A_4 = arith.constant 0 : index
    %get3A_5 = arith.constant 0 : index
    %get3A_6 = arith.constant 0 : index
    %get3A_7 = vector.load %arg3[%get3A_4, %get3A_5, %get3A_6] : memref<1x1024x128xf32, #tpu.memory_space<vmem>>, vector<1x1024x128xf32>
    %get3A_8 = vector.shape_cast %get3A_7 : vector<1x1024x128xf32> to vector<1024x128xf32>
    %add3A = arith.addf %get3A_3, %get3A_8 : vector<1024x128xf32>
    %get3A_9 = arith.constant 0 : index
    %get3A_10 = arith.constant 0 : index
    %get3A_11 = vector.load %arg4[%get3A_9, %get3A_10] : memref<32x1024xf32, #tpu.memory_space<vmem>>, vector<32x1024xf32>
    %reduce_sum3A = arith.constant dense<0.000000e+00> : vector<1024xf32>
    %reduce_sum3A_12 = vector.multi_reduction <add>, %get3A_11, %reduce_sum3A [0] : vector<32x1024xf32> to vector<1024xf32>
    %max3A = arith.constant 1.000000e+00 : f32
    %max3A_13 = vector.broadcast %max3A : f32 to vector<1024xf32>
    %max3A_14 = arith.maximumf %reduce_sum3A_12, %max3A_13 : vector<1024xf32>
    %broadcast_in_dim3A = vector.shape_cast %max3A_14 : vector<1024xf32> to vector<1024x1xf32>
    %div3A = vector.broadcast %broadcast_in_dim3A : vector<1024x1xf32> to vector<1024x128xf32>
    %div3A_15 = arith.divf %add3A, %div3A : vector<1024x128xf32>
    %get3A_16 = arith.constant 0 : index
    %get3A_17 = arith.constant 0 : index
    %get3A_18 = vector.load %arg1[%get3A_16, %get3A_17] : memref<1024x128xf32, #tpu.memory_space<vmem>>, vector<1024x128xf32>
    %add3A_19 = arith.addf %get3A_18, %div3A_15 : vector<1024x128xf32>
    %get3A_20 = arith.constant 0 : index
    %get3A_21 = arith.constant 0 : index
    %get3A_22 = vector.load %arg5[%get3A_20, %get3A_21] : memref<1x128xf32, #tpu.memory_space<vmem>>, vector<1x128xf32>
    %add3A_23 = vector.broadcast %get3A_22 : vector<1x128xf32> to vector<1024x128xf32>
    %add3A_24 = arith.addf %add3A_19, %add3A_23 : vector<1024x128xf32>
    %max3A_25 = arith.constant 0.000000e+00 : f32
    %max3A_26 = vector.broadcast %max3A_25 : f32 to vector<1024x128xf32>
    %max3A_27 = arith.maximumf %add3A_24, %max3A_26 : vector<1024x128xf32>
    %swap3A = arith.constant 0 : index
    %swap3A_28 = arith.constant 0 : index
    %swap3A_29 = vector.load %arg7[%swap3A, %swap3A_28] : memref<1024x128xf32, #tpu.memory_space<vmem>>, vector<1024x128xf32>
    tpu.vector_store %arg7[%swap3A, %swap3A_28], %max3A_27 {strides = array<i32>} : memref<1024x128xf32, #tpu.memory_space<vmem>>, vector<1024x128xf32>,
    %get3A_30 = arith.constant 0 : index
    %get3A_31 = arith.constant 0 : index
    %get3A_32 = vector.load %arg6[%get3A_30, %get3A_31] : memref<128x32xf32, #tpu.memory_space<vmem>>, vector<128x32xf32>
    %dot_general3A = arith.constant dense<0.000000e+00> : vector<1024x32xf32>
    %dot_general3A_33 = tpu.matmul %max3A_27, %get3A_32, %dot_general3A {dimension_numbers = #tpu.dot_dimension_numbers<[1], [0], [0], [1], [0, 0, 1, 1], [], []>, transpose_lhs_hint = false} : vector<1024x128xf32>, vector<128x32xf32>, vector<1024x32xf32> -> vector<1024x32xf32>
    %swap3A_34 = arith.constant 0 : index
    %swap3A_35 = arith.constant 0 : index
    %swap3A_36 = vector.load %arg8[%swap3A_34, %swap3A_35] : memref<1024x32xf32, #tpu.memory_space<vmem>>, vector<1024x32xf32>
    tpu.vector_store %arg8[%swap3A_34, %swap3A_35], %dot_general3A_33 {strides = array<i32>} : memref<1024x32xf32, #tpu.memory_space<vmem>>, vector<1024x32xf32>,
    return
  }
  func.func @transform_0(%arg0: i32) -> (i32, i32) {
    %c0_i32 = arith.constant 0 : i32
    %c0_i32_0 = arith.constant 0 : i32
    return %arg0, %c0_i32 : i32, i32
  }
  func.func @transform_1(%arg0: i32) -> (i32, i32, i32) {
    %c0_i32 = arith.constant 0 : i32
    %c0_i32_0 = arith.constant 0 : i32
    %c0_i32_1 = arith.constant 0 : i32
    return %c0_i32, %arg0, %c0_i32_0 : i32, i32, i32
  }
  func.func @transform_2(%arg0: i32) -> (i32, i32, i32) {
    %c1_i32 = arith.constant 1 : i32
    %c0_i32 = arith.constant 0 : i32
    %c0_i32_0 = arith.constant 0 : i32
    return %c1_i32, %arg0, %c0_i32 : i32, i32, i32
  }
  func.func @transform_3(%arg0: i32) -> (i32, i32) {
    %c0_i32 = arith.constant 0 : i32
    %c0_i32_0 = arith.constant 0 : i32
    return %c0_i32, %arg0 : i32, i32
  }
  func.func @transform_4(%arg0: i32) -> (i32, i32) {
    %c0_i32 = arith.constant 0 : i32
    %c0_i32_0 = arith.constant 0 : i32
    %c0_i32_1 = arith.constant 0 : i32
    return %c0_i32, %c0_i32_0 : i32, i32
  }
  func.func @transform_5(%arg0: i32) -> (i32, i32) {
    %c0_i32 = arith.constant 0 : i32
    %c0_i32_0 = arith.constant 0 : i32
    %c0_i32_1 = arith.constant 0 : i32
    return %c0_i32, %c0_i32_0 : i32, i32
  }
  func.func @transform_6(%arg0: i32) -> (i32, i32) {
    %c0_i32 = arith.constant 0 : i32
    %c0_i32_0 = arith.constant 0 : i32
    return %arg0, %c0_i32 : i32, i32
  }
  func.func @transform_7(%arg0: i32) -> (i32, i32) {
    %c0_i32 = arith.constant 0 : i32
    %c0_i32_0 = arith.constant 0 : i32
    return %arg0, %c0_i32 : i32, i32
  }
}

module attributes {stable_mosaic.version = 14 : i64} {
  func.func @_layerC1_body(%arg0: i32, %arg1: memref<1024x32xf32, #tpu.memory_space<vmem>>, %arg2: memref<1x1024x128xf32, #tpu.memory_space<vmem>>, %arg3: memref<1x1024x128xf32, #tpu.memory_space<vmem>>, %arg4: memref<32x1024xf32, #tpu.memory_space<vmem>>, %arg5: memref<1x32xf32, #tpu.memory_space<vmem>>, %arg6: memref<128x32xf32, #tpu.memory_space<vmem>>, %arg7: memref<1024x32xf32, #tpu.memory_space<vmem>>) attributes {dimension_semantics = [#tpu.dimension_semantics<arbitrary>], iteration_bounds = array<i64: 10>, scalar_prefetch = 0 : i64, scratch_operands = 0 : i64, tpu.core_type = #tpu.core_type<tc>, window_params = [{transform_indices = @transform_0, window_bounds = array<i64: 1024, 32>}, {transform_indices = @transform_1, window_bounds = array<i64: 1, 1024, 128>}, {transform_indices = @transform_2, window_bounds = array<i64: 1, 1024, 128>}, {transform_indices = @transform_3, window_bounds = array<i64: 32, 1024>}, {pipeline_mode = #tpu.pipeline_mode<synchronous>, transform_indices = @transform_4, window_bounds = array<i64: 1, 32>}, {pipeline_mode = #tpu.pipeline_mode<synchronous>, transform_indices = @transform_5, window_bounds = array<i64: 128, 32>}, {transform_indices = @transform_6, window_bounds = array<i64: 1024, 32>}]} {
    %get3A = arith.constant 0 : index
    %get3A_0 = arith.constant 0 : index
    %get3A_1 = arith.constant 0 : index
    %get3A_2 = vector.load %arg2[%get3A, %get3A_0, %get3A_1] : memref<1x1024x128xf32, #tpu.memory_space<vmem>>, vector<1x1024x128xf32>
    %get3A_3 = vector.shape_cast %get3A_2 : vector<1x1024x128xf32> to vector<1024x128xf32>
    %get3A_4 = arith.constant 0 : index
    %get3A_5 = arith.constant 0 : index
    %get3A_6 = arith.constant 0 : index
    %get3A_7 = vector.load %arg3[%get3A_4, %get3A_5, %get3A_6] : memref<1x1024x128xf32, #tpu.memory_space<vmem>>, vector<1x1024x128xf32>
    %get3A_8 = vector.shape_cast %get3A_7 : vector<1x1024x128xf32> to vector<1024x128xf32>
    %add3A = arith.addf %get3A_3, %get3A_8 : vector<1024x128xf32>
    %get3A_9 = arith.constant 0 : index
    %get3A_10 = arith.constant 0 : index
    %get3A_11 = vector.load %arg4[%get3A_9, %get3A_10] : memref<32x1024xf32, #tpu.memory_space<vmem>>, vector<32x1024xf32>
    %reduce_sum3A = arith.constant dense<0.000000e+00> : vector<1024xf32>
    %reduce_sum3A_12 = vector.multi_reduction <add>, %get3A_11, %reduce_sum3A [0] : vector<32x1024xf32> to vector<1024xf32>
    %max3A = arith.constant 1.000000e+00 : f32
    %max3A_13 = vector.broadcast %max3A : f32 to vector<1024xf32>
    %max3A_14 = arith.maximumf %reduce_sum3A_12, %max3A_13 : vector<1024xf32>
    %broadcast_in_dim3A = vector.shape_cast %max3A_14 : vector<1024xf32> to vector<1024x1xf32>
    %div3A = vector.broadcast %broadcast_in_dim3A : vector<1024x1xf32> to vector<1024x128xf32>
    %div3A_15 = arith.divf %add3A, %div3A : vector<1024x128xf32>
    %get3A_16 = arith.constant 0 : index
    %get3A_17 = arith.constant 0 : index
    %get3A_18 = vector.load %arg6[%get3A_16, %get3A_17] : memref<128x32xf32, #tpu.memory_space<vmem>>, vector<128x32xf32>
    %dot_general3A = arith.constant dense<0.000000e+00> : vector<1024x32xf32>
    %dot_general3A_19 = tpu.matmul %div3A_15, %get3A_18, %dot_general3A {dimension_numbers = #tpu.dot_dimension_numbers<[1], [0], [0], [1], [0, 0, 1, 1], [], []>, transpose_lhs_hint = false} : vector<1024x128xf32>, vector<128x32xf32>, vector<1024x32xf32> -> vector<1024x32xf32>
    %get3A_20 = arith.constant 0 : index
    %get3A_21 = arith.constant 0 : index
    %get3A_22 = vector.load %arg1[%get3A_20, %get3A_21] : memref<1024x32xf32, #tpu.memory_space<vmem>>, vector<1024x32xf32>
    %add3A_23 = arith.addf %get3A_22, %dot_general3A_19 : vector<1024x32xf32>
    %get3A_24 = arith.constant 0 : index
    %get3A_25 = arith.constant 0 : index
    %get3A_26 = vector.load %arg5[%get3A_24, %get3A_25] : memref<1x32xf32, #tpu.memory_space<vmem>>, vector<1x32xf32>
    %add3A_27 = vector.broadcast %get3A_26 : vector<1x32xf32> to vector<1024x32xf32>
    %add3A_28 = arith.addf %add3A_23, %add3A_27 : vector<1024x32xf32>
    %max3A_29 = arith.constant 0.000000e+00 : f32
    %max3A_30 = vector.broadcast %max3A_29 : f32 to vector<1024x32xf32>
    %max3A_31 = arith.maximumf %add3A_28, %max3A_30 : vector<1024x32xf32>
    %swap3A = arith.constant 0 : index
    %swap3A_32 = arith.constant 0 : index
    %swap3A_33 = vector.load %arg7[%swap3A, %swap3A_32] : memref<1024x32xf32, #tpu.memory_space<vmem>>, vector<1024x32xf32>
    tpu.vector_store %arg7[%swap3A, %swap3A_32], %max3A_31 {strides = array<i32>} : memref<1024x32xf32, #tpu.memory_space<vmem>>, vector<1024x32xf32>,
    return
  }
  func.func @transform_0(%arg0: i32) -> (i32, i32) {
    %c0_i32 = arith.constant 0 : i32
    %c0_i32_0 = arith.constant 0 : i32
    return %arg0, %c0_i32 : i32, i32
  }
  func.func @transform_1(%arg0: i32) -> (i32, i32, i32) {
    %c0_i32 = arith.constant 0 : i32
    %c0_i32_0 = arith.constant 0 : i32
    %c0_i32_1 = arith.constant 0 : i32
    return %c0_i32, %arg0, %c0_i32_0 : i32, i32, i32
  }
  func.func @transform_2(%arg0: i32) -> (i32, i32, i32) {
    %c1_i32 = arith.constant 1 : i32
    %c0_i32 = arith.constant 0 : i32
    %c0_i32_0 = arith.constant 0 : i32
    return %c1_i32, %arg0, %c0_i32 : i32, i32, i32
  }
  func.func @transform_3(%arg0: i32) -> (i32, i32) {
    %c0_i32 = arith.constant 0 : i32
    %c0_i32_0 = arith.constant 0 : i32
    return %c0_i32, %arg0 : i32, i32
  }
  func.func @transform_4(%arg0: i32) -> (i32, i32) {
    %c0_i32 = arith.constant 0 : i32
    %c0_i32_0 = arith.constant 0 : i32
    %c0_i32_1 = arith.constant 0 : i32
    return %c0_i32, %c0_i32_0 : i32, i32
  }
  func.func @transform_5(%arg0: i32) -> (i32, i32) {
    %c0_i32 = arith.constant 0 : i32
    %c0_i32_0 = arith.constant 0 : i32
    %c0_i32_1 = arith.constant 0 : i32
    return %c0_i32, %c0_i32_0 : i32, i32
  }
  func.func @transform_6(%arg0: i32) -> (i32, i32) {
    %c0_i32 = arith.constant 0 : i32
    %c0_i32_0 = arith.constant 0 : i32
    return %arg0, %c0_i32 : i32, i32
  }
}

module attributes {stable_mosaic.version = 14 : i64} {
  func.func @_dec_body(%arg0: i32, %arg1: memref<256x32xf32, #tpu.memory_space<vmem>>, %arg2: memref<10000x32xf32, #tpu.memory_space<vmem>>, %arg3: memref<256x10000xf32, #tpu.memory_space<vmem>>) attributes {dimension_semantics = [#tpu.dimension_semantics<arbitrary>], iteration_bounds = array<i64: 40>, scalar_prefetch = 0 : i64, scratch_operands = 0 : i64, tpu.core_type = #tpu.core_type<tc>, window_params = [{transform_indices = @transform_0, window_bounds = array<i64: 256, 32>}, {pipeline_mode = #tpu.pipeline_mode<synchronous>, transform_indices = @transform_1, window_bounds = array<i64: 10000, 32>}, {transform_indices = @transform_2, window_bounds = array<i64: 256, 10000>}]} {
    %get3A = arith.constant 0 : index
    %get3A_0 = arith.constant 0 : index
    %get3A_1 = vector.load %arg1[%get3A, %get3A_0] : memref<256x32xf32, #tpu.memory_space<vmem>>, vector<256x32xf32>
    %get3A_2 = arith.constant 0 : index
    %get3A_3 = arith.constant 0 : index
    %get3A_4 = vector.load %arg2[%get3A_2, %get3A_3] : memref<10000x32xf32, #tpu.memory_space<vmem>>, vector<10000x32xf32>
    %dot_general3A = arith.constant dense<0.000000e+00> : vector<256x10000xf32>
    %dot_general3A_5 = tpu.matmul %get3A_1, %get3A_4, %dot_general3A {dimension_numbers = #tpu.dot_dimension_numbers<[1], [1], [0], [0], [0, 0, 1, 0], [], []>, transpose_lhs_hint = false} : vector<256x32xf32>, vector<10000x32xf32>, vector<256x10000xf32> -> vector<256x10000xf32>
    %mul3A = arith.constant 5.000000e-01 : f32
    %mul3A_6 = vector.broadcast %mul3A : f32 to vector<256x10000xf32>
    %mul3A_7 = arith.mulf %mul3A_6, %dot_general3A_5 : vector<256x10000xf32>
    %tanh3A = math.tanh %mul3A_7 : vector<256x10000xf32>
    %mul3A_8 = arith.constant 5.000000e-01 : f32
    %mul3A_9 = vector.broadcast %mul3A_8 : f32 to vector<256x10000xf32>
    %mul3A_10 = arith.mulf %mul3A_9, %tanh3A : vector<256x10000xf32>
    %add3A = arith.constant 5.000000e-01 : f32
    %add3A_11 = vector.broadcast %add3A : f32 to vector<256x10000xf32>
    %add3A_12 = arith.addf %mul3A_10, %add3A_11 : vector<256x10000xf32>
    %swap3A = arith.constant 0 : index
    %swap3A_13 = arith.constant 0 : index
    %swap3A_14 = vector.load %arg3[%swap3A, %swap3A_13] : memref<256x10000xf32, #tpu.memory_space<vmem>>, vector<256x10000xf32>
    tpu.vector_store %arg3[%swap3A, %swap3A_13], %add3A_12 {strides = array<i32>} : memref<256x10000xf32, #tpu.memory_space<vmem>>, vector<256x10000xf32>,
    return
  }
  func.func @transform_0(%arg0: i32) -> (i32, i32) {
    %c0_i32 = arith.constant 0 : i32
    %c0_i32_0 = arith.constant 0 : i32
    return %arg0, %c0_i32 : i32, i32
  }
  func.func @transform_1(%arg0: i32) -> (i32, i32) {
    %c0_i32 = arith.constant 0 : i32
    %c0_i32_0 = arith.constant 0 : i32
    %c0_i32_1 = arith.constant 0 : i32
    return %c0_i32, %c0_i32_0 : i32, i32
  }
  func.func @transform_2(%arg0: i32) -> (i32, i32) {
    %c0_i32 = arith.constant 0 : i32
    %c0_i32_0 = arith.constant 0 : i32
    return %arg0, %c0_i32 : i32, i32
  }
}

</mosaic_0001>

<sc_bundles>
// kernel: kernel.11.cloned.1.call-start
scs
__scs_entry_jumppad:
0x0: {  	(pc) =	sbr.rel $0x88, $3  }
0x1: {  	(tag) =	ssettag $0x0;
	lr =	simm.s32 $0x1  }
0x2: {  	[smem:$0x3F99] =	sst lr;
	_ =	strace $0xD0000000  }
0x3: {  	_ = 	snop  }
0x4: {  	_ = 	snop  }
0x5: {  	_ = 	snop  }
0x6: {  	_ = 	snop  }
0x7: {  	_ = 	snop  }
__scs_overlays_trampoline_lowered:
0x8: {  	[smem:$0x3FA8] =	sst s0  }
0x9: {  	[smem:$0x3FA9] =	sst s1  }
0xa: {  	[smem:$0x3FAA] =	sst s2  }
0xb: {  	[smem:$0x3FAB] =	sst s3  }
0xc: {  	[smem:$0x3FAC] =	sst s4  }
0xd: {  	[smem:$0x3FAD] =	sst s5  }
0xe: {  	[smem:$0x3FAE] =	sst s6  }
0xf: {  	[smem:$0x3FAF] =	sst s7  }
0x10: {  	[smem:$0x3FB0] =	sst s8  }
0x11: {  	[smem:$0x3FB1] =	sst s9;
	s0 =	simm.s32 @!p0 $0x0  }
0x12: {  	s1 =	sld [smem:$0x3F97];
	s0 =	simm.s32 @p0 $0x1  }
0x13: {  	[smem:$0x3FB2] =	sst s0;
	s0 =	simm.s32 @!p1 $0x0  }
0x14: {  	s2 =	sld [smem:$0x3F96];
	s0 =	simm.s32 @p1 $0x1  }
0x15: {  	[smem:$0x3FB3] =	sst s0;
	s0 =	simm.s32 @!p2 $0x0  }
0x16: {  	s3 =	sld [smem:$0x3FDB];
	s0 =	simm.s32 @p2 $0x1  }
0x17: {  	s4 =	simm.s32 $0x1BF5;
	[smem:$0x3FB5] =	sst s0  }
0x18: {  	s0 =	sld [smem:$0x3F98];
	_ =	swait.ge [sflag:s4], $0x0  }
0x19: {  	s7 =	sld [smem:$0x3F99]  }
0x1a: {  	s8 =	sadd.s32 $0xFFFFE003, lr  }
0x1b: {  	s9 =	sadd.s32 $0xFFFFFEF7, lr;
	s5 =	simm.s32 $0xFFFFFFFF;
	p2 =	slt.u32 s8, $0xFFFFF086  }
0x1c: {  	p1 =	slt.u32 s9, $0xF7A;
	s5 =	simm.s32 @!p2 $0x0  }
0x1d: {  	s5 =	simm.s32 @p1 $0x1;
	p0 =	seq.s32 s7, s2  }
0x1e: {  	s7 =	smul.u32 @!p0 $0xF7A, s2;
	p2 =	seq.s32 @!p0 s5, $0x0  }
0x1f: {  	s9 =	smul.u32 $0xF7A, s1;
	s8 =	simm.s32 @!p0 $0x1BF5;
	p2 =	por !p2, p0  }
0x20: {  	[sflag:s8] =	ssyncset.s32 @!p0 $0xFFFFF086;
	s6 =	sadd.s32 @!p0 s3, s7;
	s7 =	simm.s32 @!p0 $0x108  }
0x21: {  	s3 =	sadd.s32 s3, s9;
	s6 =	sadd.s32 @!p0 $0x88, s6;
	s7 =	simm.s32 @p2 $0x1082  }
0x22: {  	[simem:s7], [sflag:s8] =	dma.local @!p0 [hbm:s6], $0xF7A  }
0x23: {  	s9 =	sor.u32 $0xD0000000, s2;
	s6 =	simm.s32 $0x108;
	_ =	swait.ge @!p0 [sflag:s8], $0x0  }
0x24: {  	s3 =	sadd.s32 $0x88, s3;
	s6 =	simm.s32 @!p1 $0x1082;
	[sflag:s4] =	ssyncset.s32 $0xFFFFF086  }
0x25: {  	[simem:s6], [sflag:s4] =	dma.local [hbm:s3], $0xF7A  }
0x26: {  	[smem:$0x3F99] =	sst s1;
	(tag) =	ssettag s2;
	_ =	strace s9  }
0x27: {  	s1 =	sld [smem:$0x3FA9]  }
0x28: {  	s2 =	sld [smem:$0x3FAA]  }
0x29: {  	s4 =	sld [smem:$0x3FAC]  }
0x2a: {  	p0 =	seq.s32 s5, $0x0;
	s5 =	sld [smem:$0x3FAD]  }
0x2b: {  	s6 =	sld [smem:$0x3FAE]  }
0x2c: {  	s7 =	sld [smem:$0x3FAF]  }
0x2d: {  	s3 =	simm.s32 $0x108;
	s8 =	sld [smem:$0x3FB0]  }
0x2e: {  	s3 =	simm.s32 @!p0 $0x1082;
	s9 =	sld [smem:$0x3FB1]  }
0x2f: {  	lr =	sadd.s32 s0, s3;
	s0 =	sld [smem:$0x3FA8]  }
0x30: {  	s3 =	sld [smem:$0x3FAB]  }
0x31: {  	[smem:$0x3FB4] =	sst s10  }
0x32: {  	s10 =	sld [smem:$0x3FB2];
	_ =	sdelay $0x3  }
0x33: {  	p0 =	seq.s32 s10, $0x1;
	s10 =	sld [smem:$0x3FB4];
	_ =	sdelay $0x3  }
0x34: {  	[smem:$0x3FB4] =	sst s10  }
0x35: {  	s10 =	sld [smem:$0x3FB3];
	_ =	sdelay $0x3  }
0x36: {  	p1 =	seq.s32 s10, $0x1;
	s10 =	sld [smem:$0x3FB4];
	_ =	sdelay $0x3  }
0x37: {  	[smem:$0x3FB4] =	sst s10  }
0x38: {  	s10 =	sld [smem:$0x3FB5]  }
0x39: {  	_ = 	snop;
	(pc) =	sbr.ind lr, $3  }
0x3a: {  	_ = 	snop  }
0x3b: {  	_ = 	snop  }
0x3c: {  	p2 =	seq.s32 s10, $0x1;
	s10 =	sld [smem:$0x3FB4]  }
0x3d: {  	_ =	shalt  }
0x3e: {  	_ =	shalt  }
0x3f: {  	_ =	shalt  }
0x40: {  	_ =	shalt  }
0x41: {  	_ =	shalt  }
0x42: {  	_ =	shalt  }
0x43: {  	_ =	shalt  }
0x44: {  	_ =	shalt  }
0x45: {  	_ =	shalt  }
0x46: {  	_ =	shalt  }
0x47: {  	_ =	shalt  }
0x48: {  	_ =	shalt  }
0x49: {  	_ =	shalt  }
0x4a: {  	_ =	shalt  }
0x4b: {  	_ =	shalt  }
0x4c: {  	_ =	shalt  }
0x4d: {  	_ =	shalt  }
0x4e: {  	_ =	shalt  }
0x4f: {  	_ =	shalt  }
0x50: {  	_ =	shalt  }
0x51: {  	_ =	shalt  }
0x52: {  	_ =	shalt  }
0x53: {  	_ =	shalt  }
0x54: {  	_ =	shalt  }
0x55: {  	_ =	shalt  }
0x56: {  	_ =	shalt  }
0x57: {  	_ =	shalt  }
0x58: {  	_ =	shalt  }
0x59: {  	_ =	shalt  }
0x5a: {  	_ =	shalt  }
0x5b: {  	_ =	shalt  }
0x5c: {  	_ =	shalt  }
0x5d: {  	_ =	shalt  }
0x5e: {  	_ =	shalt  }
0x5f: {  	_ =	shalt  }
0x60: {  	_ =	shalt  }
0x61: {  	_ =	shalt  }
0x62: {  	_ =	shalt  }
0x63: {  	_ =	shalt  }
0x64: {  	_ =	shalt  }
0x65: {  	_ =	shalt  }
0x66: {  	_ =	shalt  }
0x67: {  	_ =	shalt  }
0x68: {  	_ =	shalt  }
0x69: {  	_ =	shalt  }
0x6a: {  	_ =	shalt  }
0x6b: {  	_ =	shalt  }
0x6c: {  	_ =	shalt  }
0x6d: {  	_ =	shalt  }
0x6e: {  	_ =	shalt  }
0x6f: {  	_ =	shalt  }
0x70: {  	_ =	shalt  }
0x71: {  	_ =	shalt  }
0x72: {  	_ =	shalt  }
0x73: {  	_ =	shalt  }
0x74: {  	_ =	shalt  }
0x75: {  	_ =	shalt  }
0x76: {  	_ =	shalt  }
0x77: {  	_ =	shalt  }
0x78: {  	_ =	shalt  }
0x79: {  	_ =	shalt  }
0x7a: {  	_ =	shalt  }
0x7b: {  	_ =	shalt  }
0x7c: {  	_ =	shalt  }
0x7d: {  	_ =	shalt  }
0x7e: {  	_ =	shalt  }
0x7f: {  	_ =	shalt  }
0x80: {  	_ =	shalt  }
0x81: {  	_ =	shalt  }
0x82: {  	_ =	shalt  }
0x83: {  	_ =	shalt  }
0x84: {  	_ =	shalt  }
0x85: {  	_ =	shalt  }
0x86: {  	_ =	shalt  }
0x87: {  	_ =	shalt  }
.Lfunc_end0:
.L_simem_size_0:
called_computation.1_lowered:
.L_overlay_start_0:
0x88: {  	s2 =	sld [smem:$0x3FD9]  }
0x89: {  	s3 =	sld [smem:$0x3FFE];
	_ =	sdelay $0x1  }
0x8a: {  	s1 =	srdreg.scid  }
0x8b: {  	s0 =	sand.u32 $0x1, s1  }
0x8c: {  	s17 =	sshll.u32 s0, $0xA;
	s2 =	sadd.s32 s3, s2  }
0x8d: {  	s2 =	sadd.s32 s2, s17  }
0x8e: {  	[smem:$0x3FC0] =	sst s2  }
0x8f: {  	_ = 	snop  }
0x90: {  	s2 =	sld [smem:$0x3FD0];
	(tm) =	ssettm $0x1  }
0x91: {  	s18 =	sld [smem:$0x3FFB];
	_ =	sdelay $0x3  }
0x92: {  	_ =	strace s18  }
0x93: {  	s3 =	sld [smem:$0x3FFC];
	_ =	sdelay $0x3  }
0x94: {  	_ =	strace s3  }
0x95: {  	s3 =	sld [smem:$0x3FFD];
	_ =	sdelay $0x3  }
0x96: {  	_ =	strace s3  }
0x97: {  	_ =	strace $0x8FFFFFFF  }
0x98: {  	s19 =	sld [smem:$0x3FDB];
	_ =	sdelay $0x1  }
0x99: {  	s4 =	simm.s32 $_scs_section_size  }
0x9a: {  	s5 =	simm.s32 $_size__tile_overlayer_lowered;
	s6 =	simm.s32 $_tile_overlayer_lowered  }
0x9b: {  	s22 =	simm.s32 $0x1BFF;
	s21 =	sshll.u32 s6, $0x1;
	s3 =	sadd.s32 s4, s19  }
0x9c: {  	s7 =	simm.s32 $0x0;
	s20 =	sshll.u32 s5, $0x1;
	s5 =	sadd.s32 s21, s3  }
0x9d: {  	[timem:s7], [sflag:s22] =	dma.local [hbm:s5], s20  }
0x9e: {  	_ =	swait.ge [sflag:s22], s20  }
0x9f: {  	s4 =	ssub.s32 $0x0, s20;
	[sflag:s22] =	ssyncset.done $0x0  }
0xa0: {  	[sflag:s22] =	ssyncadd.s32 s4;
	_ =	sdelay $0x1  }
0xa1: {  	s23 =	simm.s32 $0x1B8B  }
0xa2: {  	_ =	swait.ge [sflag:s23], $0x1  }
0xa3: {  	[sflag:s23] =	ssyncset.done $0x0  }
0xa4: {  	s25 =	simm.s32 $0x1B8E;
	s24 =	sld [smem:$0x3FFE];
	[sflag:s23] =	ssyncadd.s32 $0xFFFFFFFF  }
0xa5: {  	s26 =	simm.s32 $execute0_lowered;
	[smem:$0x3FD2] =	sst s25  }
0xa6: {  	s5 =	sshll.u32 s26, $0x1;
	_ =	strace $0x8000004D;
	[dreg:$0x1] =	wrdreg $0xFFFFFFFF  }
0xa7: {  	s28 =	simm.s32 $_size_execute0_lowered;
	s3 =	sadd.s32 s3, s5;
	[dreg:$0x0] =	wrdreg $0x0  }
0xa8: {  	s5 =	sshll.u32 s28, $0x1;
	[dreg:$0x2] =	wrdreg s3  }
0xa9: {  	[dreg:$0x3] =	wrdreg s5  }
0xaa: {  	[dreg:$0x4] =	wrdreg $0xC0  }
0xab: {  	_ =	task [dreg:s7], $0x5FFFF  }
0xac: {  	[dreg:$0x1] =	wrdreg $0xFFFFFFFF  }
0xad: {  	[dreg:$0x0] =	wrdreg $0x60  }
0xae: {  	[dreg:$0x2] =	wrdreg s24  }
0xaf: {  	[dreg:$0x3] =	wrdreg s2  }
0xb0: {  	[dreg:$0x4] =	wrdreg $0x96000  }
0xb1: {  	[dreg:$0x5] =	wrdreg $0x9  }
0xb2: {  	_ =	task.clear_ibuf [dreg:s7], $0x6FFFF;
	_ =	strace $0x9000004D  }
0xb3: {  	s29 =	simm.s32 $0x9;
	_ =	strace $0x80000053  }
0xb4: {  	_ =	swait.ge [sflag:s29], $0x1  }
0xb5: {  	[sflag:s29] =	ssyncadd.s32 $0xFFFFFFFF  }
0xb6: {  	_ =	strace $0x90000053  }
0xb7: {  	_ =	sfence  }
0xb8: {  	s30 =	sld [smem:$0x0];
	_ =	sdelay $0x2  }
0xb9: {  	s31 =	sshll.u32 s1, $0xD;
	s1 =	sshrl.u32 s1, $0x2  }
0xba: {  	s3 =	sand.u32 $0x4000, s31;
	s1 =	sadd.s32 s1, s30  }
0xbb: {  	s0 =	sor.u32 s3, s0;
	s1 =	sshll.u32 s1, $0x11  }
0xbc: {  	s0 =	sor.u32 s1, s0  }
0xbd: {  	s0 =	sadd.s32 $0x8F2B, s0  }
0xbe: {  	[sflag:s0] =	ssyncadd.remote.s32 $0x1  }
0xbf: {  	_ =	sfence.sel $0xFFFF  }
0xc0: {  	[dreg:$0x0] =	wrdreg $0xFFFFFFFF;
	(pc) =	sbr.abs _section_cstart, $3  }
0xc1: {  	[dreg:$0x1] =	wrdreg $0xFFFFFFFF  }
0xc2: {  	_ =	task.clear_ibuf [dreg:s7], $0x2FFFF;
	_ =	strace $0x9FFFFFFF  }
0xc3: {  	(tm) =	ssettm $0x7FFFFFFF  }
tec
execute0_lowered:
.L_overlay_start_1:
0x0: {  	(tag) =	ssettag $0x1  }
0x1: {  	s0 =	rddreg [dreg:$0x0]  }
0x2: {  	s1 =	srdreg.scid;
	s5 =	rddreg [dreg:$0x1]  }
0x3: {  	s2 =	rddreg [dreg:$0x2];
	s11 =	stileid.u32;
	s3 =	simm.s32 $0x0  }
0x4: {  	s13 =	simm.s32 $0xA;
	s14 =	simm.s32 $0x1400;
	s16 =	simm.s32 $0x1480  }
0x5: {  	s18 =	simm.s32 $0x1500;
	s20 =	simm.s32 $0x1580;
	s28 =	simm.s32 $0x3  }
0x6: {  	s29 =	simm.s32 $0x2;
	s30 =	simm.s32 $0x6;
	s31 =	simm.s32 $0x4  }
0x7: {  	s1 =	sand.u32 $0x1, s1;
	[smem:$0x7FF] =	sst s3;
	s7 =	smul.u32 $0x13C00, s11  }
0x8: {  	s8 =	smul.u32 $0x4F000, s11;
	s24 =	sshll.u32 s11, $0x6;
	s4 =	sshll.u32 s1, $0x4  }
0x9: {  	_ =	strace $0x8000004E;
	s10 =	ssub.s32 $0x2, s1;
	s1 =	smul.u32 $0x13C000, s1  }
0xa: {  	[dreg:$0x7] =	wrdreg s24;
	s4 =	sor.u32 s11, s4;
	s9 =	sshrl.u32 s7, $0x3  }
0xb: {  	s21 =	sshrl.u32 s10, $0x1;
	s8 =	sshrl.u32 s8, $0x2;
	s6 =	smul.u32 $0x280, s4  }
0xc: {  	s4 =	sadd.s32 $0x2000, s0;
	s10 =	ssub.s32 s10, s21;
	s1 =	sadd.s32 s7, s1  }
0xd: {  	s8 =	sadd.s32 s8, s2;
	s21 =	simm.s32 $0x80;
	s23 =	sshrl.u32 s1, $0x3  }
0xe: {  	s25 =	smax.u32 s10, $0x1;
	s6 =	sadd.s32 s6, s0;
	s0 =	sadd.s32 s9, s0  }
0xf: {  	s12 =	sshrl.u32 s8, $0x3;
	[dreg:$0x8] =	wrdreg s25;
	s0 =	sadd.s32 $0x33800, s0  }
0x10: {  	s1 =	simm.s32 $0x8;
	s22 =	sadd.s32 $0x29200, s6;
	[dreg:$0x4] =	wrdreg s0  }
0x11: {  	s25 =	simm.s32 $0x1;
	s7 =	sadd.s32 $0x2E200, s6;
	[dreg:$0x5] =	wrdreg s22  }
.Ltmp0:
0x12: {  	s0 =	sadd.s32 s5, s23;
	s26 =	sadd.s32 $0x10, s7;
	(pc) =	sbr.rel .LBB2_1-.Ltmp0, $4  }
0x13: {  	s17 =	sadd.s32 $0x20, s7;
	s19 =	sadd.s32 $0x30, s7;
	s22 =	simm.s32 $0x1600  }
0x14: {  	s23 =	simm.s32 $0x5600;
	s5 =	simm.s32 $0x0;
	[dreg:$0x6] =	wrdreg s0  }
0x15: {  	s0 =	sor.u32 $0x1C09, s24;
	[dreg:$0xa] =	wrdreg s26;
	s24 =	simm.s32 $0x9  }
0x16: {  	s26 =	simm.s32 $0x5;
	[dreg:$0x9] =	wrdreg s0;
	s0 =	simm.s32 $0x7  }
.LBB2_4:
0x17: {  	_ =	swait.ge [sflag:s29], $0x4000  }
0x18: {  	[sflag:s29] =	ssyncset.done $0x0  }
0x19: {  	[sflag:s29] =	ssyncadd.s32 $0xFFFFC000  }
0x1a: {  	_ =	swait.ge [sflag:s1], $0x80  }
0x1b: {  	[sflag:s1] =	ssyncset.done $0x0  }
0x1c: {  	[sflag:s1] =	ssyncadd.s32 $0xFFFFFF80  }
0x1d: {  	[spmem:s2] =	stream.indirect.scatter.add.f32 [tilespmem:s23], [sflag:$0x4], $0x80, s20, s21, $0x2000b8;
	[tilespmem:$0x1D200] =	vst v63  }
0x1e: {  	_ =	swait.ge [sflag:s31], $0x4000  }
0x1f: {  	[sflag:s31] =	ssyncset.done $0x0  }
0x20: {  	[sflag:s31] =	ssyncadd.s32 $0xFFFFC000  }
0x21: {  	_ =	strace $0x90000050  }
0x22: {  	_ =	strace $0x80000051  }
0x23: {  	[bflag:$0x0] =	sbarrier.arrive $0xFFFF  }
0x24: {  	_ =	strace $0x90000051  }
0x25: {  	_ =	strace $0x80000052  }
0x26: {  	s6 =	rddreg [dreg:$0x7]  }
0x27: {  	s8 =	rddreg [dreg:$0x6];
	s6 =	sor.u32 $0x1C0A, s6  }
0x28: {  	[hbm:s8], [sflag:s6] =	dma.local [spmem:s12], $0x2780  }
0x29: {  	_ =	swait.ge [sflag:s13], $0x2780  }
0x2a: {  	s5 =	sadd.s32 $0x1, s5;
	s15 =	rddreg [dreg:$0x8]  }
0x2b: {  	p0 =	sne.s32 s5, s15  }
.Ltmp1:
0x2c: {  	_ = 	snop;
	(pc) =	sbr.rel @!p0 .LBB2_5-.Ltmp1, $4  }
0x2d: {  	_ = 	snop  }
0x2e: {  	[sflag:s13] =	ssyncset.done $0x0  }
0x2f: {  	[sflag:s13] =	ssyncadd.s32 $0xFFFFD880  }
0x30: {  	_ =	strace $0x90000052  }
.LBB2_1:
0x31: {  	_ =	strace $0x8000004F  }
0x32: {  	s6 =	rddreg [dreg:$0x4]  }
0x33: {  	s8 =	rddreg [dreg:$0x9]  }
0x34: {  	[spmem:s12], [sflag:s8] =	dma.local [hbm:s6], $0x2780  }
0x35: {  	s6 =	rddreg [dreg:$0x5]  }
0x36: {  	[tilespmem:s3], [sflag:$0xA] =	stream.linear.gather [hbm4b:s6+s3], $0x1400, $0x200038;
	[tilespmem:$0x1D200] =	vst v63  }
0x37: {  	_ =	swait.ge [sflag:s13], $0x1400  }
0x38: {  	[sflag:s13] =	ssyncset.done $0x0  }
0x39: {  	[sflag:s13] =	ssyncadd.s32 $0xFFFFEC00  }
0x3a: {  	[tilespmem:s14], [sflag:$0x5] =	stream.linear.gather [hbm4b:s7+s3], $0x80, $0x200038;
	[tilespmem:$0x1D200] =	vst v63  }
0x3b: {  	s15 =	rddreg [dreg:$0xa]  }
0x3c: {  	[tilespmem:s16], [sflag:$0x6] =	stream.linear.gather [hbm4b:s15+s3], $0x80, $0x200038;
	[tilespmem:$0x1D200] =	vst v63  }
0x3d: {  	_ = 	snop  }
0x3e: {  	[tilespmem:s18], [sflag:$0x7] =	stream.linear.gather [hbm4b:s17+s3], $0x80, $0x200038;
	[tilespmem:$0x1D200] =	vst v63  }
0x3f: {  	_ = 	snop  }
0x40: {  	[tilespmem:s20], [sflag:$0x8] =	stream.linear.gather [hbm4b:s19+s3], $0x80, $0x200038;
	[tilespmem:$0x1D200] =	vst v63  }
0x41: {  	_ = 	snop  }
0x42: {  	[tilespmem:s22], [sflag:$0x1] =	stream.indirect.gather [hbm4b:s4+s21], $0x80, s3, s21, $0x2000b8;
	[tilespmem:$0x1D200] =	vst v63  }
0x43: {  	_ = 	snop  }
0x44: {  	[tilespmem:s23], [sflag:$0x2] =	stream.indirect.gather [hbm4b:s4+s21], $0x80, s21, s21, $0x2000b8;
	[tilespmem:$0x1D200] =	vst v63  }
0x45: {  	_ =	swait.ge [sflag:s24], $0x2780  }
0x46: {  	[sflag:s24] =	ssyncset.done $0x0  }
0x47: {  	[sflag:s24] =	ssyncadd.s32 $0xFFFFD880  }
0x48: {  	[bflag:$0x0] =	sbarrier.arrive $0xFFFF  }
0x49: {  	_ =	strace $0x9000004F  }
0x4a: {  	s8 =	simm.s32 $0x0;
	s6 =	simm.s32 $0x280;
	_ =	strace $0x80000050  }
.LBB2_2:
0x4b: {  	_ =	swait.ge [sflag:s25], $0x4000  }
0x4c: {  	[sflag:s25] =	ssyncset.done $0x0  }
0x4d: {  	[sflag:s25] =	ssyncadd.s32 $0xFFFFC000  }
0x4e: {  	_ =	swait.ge [sflag:s26], $0x80  }
0x4f: {  	[sflag:s26] =	ssyncset.done $0x0  }
0x50: {  	[sflag:s26] =	ssyncadd.s32 $0xFFFFFF80  }
0x51: {  	[spmem:s2] =	stream.indirect.scatter.add.f32 [tilespmem:s22], [sflag:$0x3], $0x80, s14, s21, $0x2000b8;
	[tilespmem:$0x1D200] =	vst v63  }
0x52: {  	p0 =	seq.s32 s8, $0x240;
	_ =	swait.ge [sflag:s28], $0x4000  }
0x53: {  	s10 =	sadd.s32 @!p0 s8, s7;
	s9 =	simm.s32 @!p0 $0x0;
	[sflag:s28] =	ssyncset.done $0x0  }
0x54: {  	s15 =	simm.s32 @!p0 $0x1400;
	s11 =	sadd.s32 @!p0 $0x40, s10;
	[sflag:s28] =	ssyncadd.s32 $0xFFFFC000  }
0x55: {  	[tilespmem:s15], [sflag:$0x5] =	stream.linear.gather @!p0 [hbm4b:s11+s9], $0x80, $0x200038;
	[tilespmem:$0x1D200] =	vst v63  }
0x56: {  	s15 =	sadd.s32 $0xFFFFFE80, s6  }
0x57: {  	[tilespmem:s22], [sflag:$0x1] =	stream.indirect.gather [hbm4b:s4+s21], $0x80, s15, s21, $0x2000b8;
	[tilespmem:$0x1D200] =	vst v63  }
0x58: {  	_ =	swait.ge [sflag:s29], $0x4000  }
0x59: {  	[sflag:s29] =	ssyncset.done $0x0  }
0x5a: {  	[sflag:s29] =	ssyncadd.s32 $0xFFFFC000  }
0x5b: {  	_ =	swait.ge [sflag:s30], $0x80  }
0x5c: {  	[sflag:s30] =	ssyncset.done $0x0  }
0x5d: {  	[sflag:s30] =	ssyncadd.s32 $0xFFFFFF80  }
0x5e: {  	[spmem:s2] =	stream.indirect.scatter.add.f32 [tilespmem:s23], [sflag:$0x4], $0x80, s16, s21, $0x2000b8;
	[tilespmem:$0x1D200] =	vst v63  }
0x5f: {  	_ =	swait.ge [sflag:s31], $0x4000  }
0x60: {  	[sflag:s31] =	ssyncset.done $0x0  }
0x61: {  	s10 =	sadd.s32 @!p0 $0x50, s10;
	s11 =	simm.s32 @!p0 $0x1480;
	[sflag:s31] =	ssyncadd.s32 $0xFFFFC000  }
0x62: {  	[tilespmem:s11], [sflag:$0x6] =	stream.linear.gather @!p0 [hbm4b:s10+s9], $0x80, $0x200038;
	[tilespmem:$0x1D200] =	vst v63  }
0x63: {  	s15 =	sadd.s32 $0xFFFFFF00, s6  }
0x64: {  	[tilespmem:s23], [sflag:$0x2] =	stream.indirect.gather [hbm4b:s4+s21], $0x80, s15, s21, $0x2000b8;
	[tilespmem:$0x1D200] =	vst v63  }
0x65: {  	_ =	swait.ge [sflag:s25], $0x4000  }
0x66: {  	[sflag:s25] =	ssyncset.done $0x0  }
0x67: {  	[sflag:s25] =	ssyncadd.s32 $0xFFFFC000  }
0x68: {  	_ =	swait.ge [sflag:s0], $0x80  }
0x69: {  	[sflag:s0] =	ssyncset.done $0x0  }
.Ltmp2:
0x6a: {  	[sflag:s0] =	ssyncadd.s32 $0xFFFFFF80;
	(pc) =	sbr.rel @p0 .LBB2_4-.Ltmp2, $4  }
0x6b: {  	[spmem:s2] =	stream.indirect.scatter.add.f32 [tilespmem:s22], [sflag:$0x3], $0x80, s18, s21, $0x2000b8;
	[tilespmem:$0x1D200] =	vst v63  }
0x6c: {  	_ =	swait.ge [sflag:s28], $0x4000  }
0x6d: {  	[sflag:s28] =	ssyncset.done $0x0  }
0x6e: {  	[sflag:s28] =	ssyncadd.s32 $0xFFFFC000  }
0x6f: {  	s9 =	sadd.s32 s8, s7  }
0x70: {  	s10 =	sadd.s32 $0x60, s9  }
0x71: {  	[tilespmem:s18], [sflag:$0x7] =	stream.linear.gather [hbm4b:s10+s3], $0x80, $0x200038;
	[tilespmem:$0x1D200] =	vst v63  }
0x72: {  	s15 =	sadd.s32 $0xFFFFFF80, s6  }
0x73: {  	[tilespmem:s22], [sflag:$0x1] =	stream.indirect.gather [hbm4b:s4+s21], $0x80, s15, s21, $0x2000b8;
	[tilespmem:$0x1D200] =	vst v63  }
0x74: {  	_ =	swait.ge [sflag:s29], $0x4000  }
0x75: {  	[sflag:s29] =	ssyncset.done $0x0  }
0x76: {  	[sflag:s29] =	ssyncadd.s32 $0xFFFFC000  }
0x77: {  	_ =	swait.ge [sflag:s1], $0x80  }
0x78: {  	[sflag:s1] =	ssyncset.done $0x0  }
0x79: {  	[sflag:s1] =	ssyncadd.s32 $0xFFFFFF80  }
0x7a: {  	[spmem:s2] =	stream.indirect.scatter.add.f32 [tilespmem:s23], [sflag:$0x4], $0x80, s20, s21, $0x2000b8;
	[tilespmem:$0x1D200] =	vst v63  }
0x7b: {  	_ =	swait.ge [sflag:s31], $0x4000  }
0x7c: {  	[sflag:s31] =	ssyncset.done $0x0  }
.Ltmp3:
0x7d: {  	s9 =	sadd.s32 $0x70, s9;
	[sflag:s31] =	ssyncadd.s32 $0xFFFFC000;
	(pc) =	sbr.rel .LBB2_2-.Ltmp3, $4  }
0x7e: {  	[tilespmem:s20], [sflag:$0x8] =	stream.linear.gather [hbm4b:s9+s3], $0x80, $0x200038;
	[tilespmem:$0x1D200] =	vst v63  }
0x7f: {  	_ = 	snop  }
0x80: {  	[tilespmem:s23], [sflag:$0x2] =	stream.indirect.gather [hbm4b:s4+s21], $0x80, s6, s21, $0x2000b8;
	[tilespmem:$0x1D200] =	vst v63  }
0x81: {  	s8 =	sadd.s32 $0x40, s8;
	s6 =	sadd.s32 $0x200, s6  }
.LBB2_5:
0x82: {  	_ =	sfence.sel $0x180000  }
0x83: {  	[bflag:$0x0] =	sbarrier.arrive $0xFFFF  }
0x84: {  	_ =	strace $0x9000004E  }
0x85: {  	s0 =	stileid.u32;
	[bflag:$0x2] =	sbarrier.arrive $0xFFFF  }
0x86: {  	p0 =	sne.s32 s0, $0x0;
	s0 =	rddreg [dreg:$0x3]  }
0x87: {  	s0 =	sadd.s32 @!p0 $0x100000, s0  }
0x88: {  	[sflag:s0] =	ssyncadd.tile.s32 @!p0 $0x1;
	_ =	shalt  }
.Lfunc_end2:
_tile_overlayer_lowered:
.L_overlay_start_2:
0x89: {  	(tag) =	ssettag $0x2  }
0x8a: {  	s0 =	rddreg [dreg:$0x0];
	s2 =	stileid.u32  }
0x8b: {  	s1 =	rddreg [dreg:$0x1];
	p0 =	sne.s32 s2, $0x0  }
0x8c: {  	s3 =	rddreg [dreg:$0x2];
	[bflag:$0x3] =	sbarrier.arrive $0xFFFF;
	s2 =	simm.s32 @!p0 $0x1C0A  }
0x8d: {  	[timem:s3], [sflag:s2] =	dma.local @!p0 [hbm:s0], s1  }
0x8e: {  	s0 =	simm.s32 @!p0 $0xA  }
0x8f: {  	_ =	swait.ge @!p0 [sflag:s0], s1  }
0x90: {  	s1 =	ssub.s32 @!p0 $0x0, s1;
	[sflag:s0] =	ssyncset.done @!p0 $0x0  }
0x91: {  	[sflag:s0] =	ssyncadd.s32 @!p0 s1  }
0x92: {  	[bflag:$0x3] =	sbarrier.arrive $0xFFFF  }
0x93: {  	_ =	shalt  }

// kernel: kernel.8.cloned.1.call-start
scs
__scs_entry_jumppad:
0x0: {  	(pc) =	sbr.rel $0x88, $3  }
0x1: {  	(tag) =	ssettag $0x0;
	lr =	simm.s32 $0x1  }
0x2: {  	[smem:$0x3F99] =	sst lr;
	_ =	strace $0xD0000000  }
0x3: {  	_ = 	snop  }
0x4: {  	_ = 	snop  }
0x5: {  	_ = 	snop  }
0x6: {  	_ = 	snop  }
0x7: {  	_ = 	snop  }
__scs_overlays_trampoline_lowered:
0x8: {  	[smem:$0x3FA8] =	sst s0  }
0x9: {  	[smem:$0x3FA9] =	sst s1  }
0xa: {  	[smem:$0x3FAA] =	sst s2  }
0xb: {  	[smem:$0x3FAB] =	sst s3  }
0xc: {  	[smem:$0x3FAC] =	sst s4  }
0xd: {  	[smem:$0x3FAD] =	sst s5  }
0xe: {  	[smem:$0x3FAE] =	sst s6  }
0xf: {  	[smem:$0x3FAF] =	sst s7  }
0x10: {  	[smem:$0x3FB0] =	sst s8  }
0x11: {  	[smem:$0x3FB1] =	sst s9;
	s0 =	simm.s32 @!p0 $0x0  }
0x12: {  	s1 =	sld [smem:$0x3F97];
	s0 =	simm.s32 @p0 $0x1  }
0x13: {  	[smem:$0x3FB2] =	sst s0;
	s0 =	simm.s32 @!p1 $0x0  }
0x14: {  	s2 =	sld [smem:$0x3F96];
	s0 =	simm.s32 @p1 $0x1  }
0x15: {  	[smem:$0x3FB3] =	sst s0;
	s0 =	simm.s32 @!p2 $0x0  }
0x16: {  	s3 =	sld [smem:$0x3FDB];
	s0 =	simm.s32 @p2 $0x1  }
0x17: {  	s4 =	simm.s32 $0x1BF5;
	[smem:$0x3FB5] =	sst s0  }
0x18: {  	s0 =	sld [smem:$0x3F98];
	_ =	swait.ge [sflag:s4], $0x0  }
0x19: {  	s7 =	sld [smem:$0x3F99]  }
0x1a: {  	s8 =	sadd.s32 $0xFFFFE003, lr  }
0x1b: {  	s9 =	sadd.s32 $0xFFFFFEF7, lr;
	s5 =	simm.s32 $0xFFFFFFFF;
	p2 =	slt.u32 s8, $0xFFFFF086  }
0x1c: {  	p1 =	slt.u32 s9, $0xF7A;
	s5 =	simm.s32 @!p2 $0x0  }
0x1d: {  	s5 =	simm.s32 @p1 $0x1;
	p0 =	seq.s32 s7, s2  }
0x1e: {  	s7 =	smul.u32 @!p0 $0xF7A, s2;
	p2 =	seq.s32 @!p0 s5, $0x0  }
0x1f: {  	s9 =	smul.u32 $0xF7A, s1;
	s8 =	simm.s32 @!p0 $0x1BF5;
	p2 =	por !p2, p0  }
0x20: {  	[sflag:s8] =	ssyncset.s32 @!p0 $0xFFFFF086;
	s6 =	sadd.s32 @!p0 s3, s7;
	s7 =	simm.s32 @!p0 $0x108  }
0x21: {  	s3 =	sadd.s32 s3, s9;
	s6 =	sadd.s32 @!p0 $0x88, s6;
	s7 =	simm.s32 @p2 $0x1082  }
0x22: {  	[simem:s7], [sflag:s8] =	dma.local @!p0 [hbm:s6], $0xF7A  }
0x23: {  	s9 =	sor.u32 $0xD0000000, s2;
	s6 =	simm.s32 $0x108;
	_ =	swait.ge @!p0 [sflag:s8], $0x0  }
0x24: {  	s3 =	sadd.s32 $0x88, s3;
	s6 =	simm.s32 @!p1 $0x1082;
	[sflag:s4] =	ssyncset.s32 $0xFFFFF086  }
0x25: {  	[simem:s6], [sflag:s4] =	dma.local [hbm:s3], $0xF7A  }
0x26: {  	[smem:$0x3F99] =	sst s1;
	(tag) =	ssettag s2;
	_ =	strace s9  }
0x27: {  	s1 =	sld [smem:$0x3FA9]  }
0x28: {  	s2 =	sld [smem:$0x3FAA]  }
0x29: {  	s4 =	sld [smem:$0x3FAC]  }
0x2a: {  	p0 =	seq.s32 s5, $0x0;
	s5 =	sld [smem:$0x3FAD]  }
0x2b: {  	s6 =	sld [smem:$0x3FAE]  }
0x2c: {  	s7 =	sld [smem:$0x3FAF]  }
0x2d: {  	s3 =	simm.s32 $0x108;
	s8 =	sld [smem:$0x3FB0]  }
0x2e: {  	s3 =	simm.s32 @!p0 $0x1082;
	s9 =	sld [smem:$0x3FB1]  }
0x2f: {  	lr =	sadd.s32 s0, s3;
	s0 =	sld [smem:$0x3FA8]  }
0x30: {  	s3 =	sld [smem:$0x3FAB]  }
0x31: {  	[smem:$0x3FB4] =	sst s10  }
0x32: {  	s10 =	sld [smem:$0x3FB2];
	_ =	sdelay $0x3  }
0x33: {  	p0 =	seq.s32 s10, $0x1;
	s10 =	sld [smem:$0x3FB4];
	_ =	sdelay $0x3  }
0x34: {  	[smem:$0x3FB4] =	sst s10  }
0x35: {  	s10 =	sld [smem:$0x3FB3];
	_ =	sdelay $0x3  }
0x36: {  	p1 =	seq.s32 s10, $0x1;
	s10 =	sld [smem:$0x3FB4];
	_ =	sdelay $0x3  }
0x37: {  	[smem:$0x3FB4] =	sst s10  }
0x38: {  	s10 =	sld [smem:$0x3FB5]  }
0x39: {  	_ = 	snop;
	(pc) =	sbr.ind lr, $3  }
0x3a: {  	_ = 	snop  }
0x3b: {  	_ = 	snop  }
0x3c: {  	p2 =	seq.s32 s10, $0x1;
	s10 =	sld [smem:$0x3FB4]  }
0x3d: {  	_ =	shalt  }
0x3e: {  	_ =	shalt  }
0x3f: {  	_ =	shalt  }
0x40: {  	_ =	shalt  }
0x41: {  	_ =	shalt  }
0x42: {  	_ =	shalt  }
0x43: {  	_ =	shalt  }
0x44: {  	_ =	shalt  }
0x45: {  	_ =	shalt  }
0x46: {  	_ =	shalt  }
0x47: {  	_ =	shalt  }
0x48: {  	_ =	shalt  }
0x49: {  	_ =	shalt  }
0x4a: {  	_ =	shalt  }
0x4b: {  	_ =	shalt  }
0x4c: {  	_ =	shalt  }
0x4d: {  	_ =	shalt  }
0x4e: {  	_ =	shalt  }
0x4f: {  	_ =	shalt  }
0x50: {  	_ =	shalt  }
0x51: {  	_ =	shalt  }
0x52: {  	_ =	shalt  }
0x53: {  	_ =	shalt  }
0x54: {  	_ =	shalt  }
0x55: {  	_ =	shalt  }
0x56: {  	_ =	shalt  }
0x57: {  	_ =	shalt  }
0x58: {  	_ =	shalt  }
0x59: {  	_ =	shalt  }
0x5a: {  	_ =	shalt  }
0x5b: {  	_ =	shalt  }
0x5c: {  	_ =	shalt  }
0x5d: {  	_ =	shalt  }
0x5e: {  	_ =	shalt  }
0x5f: {  	_ =	shalt  }
0x60: {  	_ =	shalt  }
0x61: {  	_ =	shalt  }
0x62: {  	_ =	shalt  }
0x63: {  	_ =	shalt  }
0x64: {  	_ =	shalt  }
0x65: {  	_ =	shalt  }
0x66: {  	_ =	shalt  }
0x67: {  	_ =	shalt  }
0x68: {  	_ =	shalt  }
0x69: {  	_ =	shalt  }
0x6a: {  	_ =	shalt  }
0x6b: {  	_ =	shalt  }
0x6c: {  	_ =	shalt  }
0x6d: {  	_ =	shalt  }
0x6e: {  	_ =	shalt  }
0x6f: {  	_ =	shalt  }
0x70: {  	_ =	shalt  }
0x71: {  	_ =	shalt  }
0x72: {  	_ =	shalt  }
0x73: {  	_ =	shalt  }
0x74: {  	_ =	shalt  }
0x75: {  	_ =	shalt  }
0x76: {  	_ =	shalt  }
0x77: {  	_ =	shalt  }
0x78: {  	_ =	shalt  }
0x79: {  	_ =	shalt  }
0x7a: {  	_ =	shalt  }
0x7b: {  	_ =	shalt  }
0x7c: {  	_ =	shalt  }
0x7d: {  	_ =	shalt  }
0x7e: {  	_ =	shalt  }
0x7f: {  	_ =	shalt  }
0x80: {  	_ =	shalt  }
0x81: {  	_ =	shalt  }
0x82: {  	_ =	shalt  }
0x83: {  	_ =	shalt  }
0x84: {  	_ =	shalt  }
0x85: {  	_ =	shalt  }
0x86: {  	_ =	shalt  }
0x87: {  	_ =	shalt  }
.Lfunc_end0:
.L_simem_size_0:
called_computation_lowered:
.L_overlay_start_0:
0x88: {  	s2 =	sld [smem:$0x3FD9]  }
0x89: {  	s3 =	sld [smem:$0x3FFE];
	_ =	sdelay $0x1  }
0x8a: {  	s1 =	srdreg.scid  }
0x8b: {  	s0 =	sand.u32 $0x1, s1  }
0x8c: {  	s17 =	sshll.u32 s0, $0xA;
	s2 =	sadd.s32 s3, s2  }
0x8d: {  	s2 =	sadd.s32 s2, s17  }
0x8e: {  	[smem:$0x3FC0] =	sst s2  }
0x8f: {  	_ = 	snop  }
0x90: {  	s2 =	sld [smem:$0x3FD0];
	(tm) =	ssettm $0x1  }
0x91: {  	s18 =	sld [smem:$0x3FFB];
	_ =	sdelay $0x3  }
0x92: {  	_ =	strace s18  }
0x93: {  	s3 =	sld [smem:$0x3FFC];
	_ =	sdelay $0x3  }
0x94: {  	_ =	strace s3  }
0x95: {  	s3 =	sld [smem:$0x3FFD];
	_ =	sdelay $0x3  }
0x96: {  	_ =	strace s3  }
0x97: {  	_ =	strace $0x8FFFFFFF  }
0x98: {  	s19 =	sld [smem:$0x3FDB];
	_ =	sdelay $0x1  }
0x99: {  	s4 =	simm.s32 $_scs_section_size  }
0x9a: {  	s5 =	simm.s32 $_size__tile_overlayer_lowered;
	s6 =	simm.s32 $_tile_overlayer_lowered  }
0x9b: {  	s22 =	simm.s32 $0x1BFF;
	s21 =	sshll.u32 s6, $0x1;
	s3 =	sadd.s32 s4, s19  }
0x9c: {  	s7 =	simm.s32 $0x0;
	s20 =	sshll.u32 s5, $0x1;
	s5 =	sadd.s32 s21, s3  }
0x9d: {  	[timem:s7], [sflag:s22] =	dma.local [hbm:s5], s20  }
0x9e: {  	_ =	swait.ge [sflag:s22], s20  }
0x9f: {  	s4 =	ssub.s32 $0x0, s20;
	[sflag:s22] =	ssyncset.done $0x0  }
0xa0: {  	[sflag:s22] =	ssyncadd.s32 s4;
	_ =	sdelay $0x1  }
0xa1: {  	s23 =	simm.s32 $0x1B8B  }
0xa2: {  	_ =	swait.ge [sflag:s23], $0x1  }
0xa3: {  	[sflag:s23] =	ssyncset.done $0x0  }
0xa4: {  	s25 =	simm.s32 $0x1B8E;
	s24 =	sld [smem:$0x3FFE];
	[sflag:s23] =	ssyncadd.s32 $0xFFFFFFFF  }
0xa5: {  	s26 =	simm.s32 $execute0_lowered;
	[smem:$0x3FD2] =	sst s25  }
0xa6: {  	s5 =	sshll.u32 s26, $0x1;
	_ =	strace $0x80000046;
	[dreg:$0x1] =	wrdreg $0xFFFFFFFF  }
0xa7: {  	s28 =	simm.s32 $_size_execute0_lowered;
	s3 =	sadd.s32 s3, s5;
	[dreg:$0x0] =	wrdreg $0x0  }
0xa8: {  	s5 =	sshll.u32 s28, $0x1;
	[dreg:$0x2] =	wrdreg s3  }
0xa9: {  	[dreg:$0x3] =	wrdreg s5  }
0xaa: {  	[dreg:$0x4] =	wrdreg $0xC0  }
0xab: {  	_ =	task [dreg:s7], $0x5FFFF  }
0xac: {  	[dreg:$0x1] =	wrdreg $0xFFFFFFFF  }
0xad: {  	[dreg:$0x0] =	wrdreg $0x60  }
0xae: {  	[dreg:$0x2] =	wrdreg s24  }
0xaf: {  	[dreg:$0x3] =	wrdreg s2  }
0xb0: {  	[dreg:$0x4] =	wrdreg $0x96000  }
0xb1: {  	[dreg:$0x5] =	wrdreg $0x9  }
0xb2: {  	_ =	task.clear_ibuf [dreg:s7], $0x6FFFF;
	_ =	strace $0x90000046  }
0xb3: {  	s29 =	simm.s32 $0x9;
	_ =	strace $0x8000004C  }
0xb4: {  	_ =	swait.ge [sflag:s29], $0x1  }
0xb5: {  	[sflag:s29] =	ssyncadd.s32 $0xFFFFFFFF  }
0xb6: {  	_ =	strace $0x9000004C  }
0xb7: {  	_ =	sfence  }
0xb8: {  	s30 =	sld [smem:$0x0];
	_ =	sdelay $0x2  }
0xb9: {  	s31 =	sshll.u32 s1, $0xD;
	s1 =	sshrl.u32 s1, $0x2  }
0xba: {  	s3 =	sand.u32 $0x4000, s31;
	s1 =	sadd.s32 s1, s30  }
0xbb: {  	s0 =	sor.u32 s3, s0;
	s1 =	sshll.u32 s1, $0x11  }
0xbc: {  	s0 =	sor.u32 s1, s0  }
0xbd: {  	s0 =	sadd.s32 $0x8F2B, s0  }
0xbe: {  	[sflag:s0] =	ssyncadd.remote.s32 $0x1  }
0xbf: {  	_ =	sfence.sel $0xFFFF  }
0xc0: {  	[dreg:$0x0] =	wrdreg $0xFFFFFFFF;
	(pc) =	sbr.abs _section_cstart, $3  }
0xc1: {  	[dreg:$0x1] =	wrdreg $0xFFFFFFFF  }
0xc2: {  	_ =	task.clear_ibuf [dreg:s7], $0x2FFFF;
	_ =	strace $0x9FFFFFFF  }
0xc3: {  	(tm) =	ssettm $0x7FFFFFFF  }
tec
execute0_lowered:
.L_overlay_start_1:
0x0: {  	(tag) =	ssettag $0x1  }
0x1: {  	s0 =	rddreg [dreg:$0x0]  }
0x2: {  	s2 =	rddreg [dreg:$0x1]  }
0x3: {  	s1 =	rddreg [dreg:$0x2];
	s4 =	srdreg.scid  }
0x4: {  	s3 =	simm.s32 $0x0;
	s12 =	stileid.u32;
	s15 =	simm.s32 $0xA  }
0x5: {  	s16 =	simm.s32 $0x1400;
	s28 =	simm.s32 $0x9;
	s29 =	simm.s32 $0x1  }
0x6: {  	s30 =	simm.s32 $0x5;
	s31 =	simm.s32 $0x3;
	s5 =	sand.u32 $0x1, s4  }
0x7: {  	[smem:$0x7FF] =	sst s3;
	s7 =	smul.u32 $0x13C00, s12;
	s10 =	sshll.u32 s12, $0x7  }
0x8: {  	s11 =	sadd.s32 $0x33200, s0;
	s17 =	smul.u32 $0x4F000, s12;
	s22 =	sshll.u32 s12, $0x6  }
0x9: {  	s4 =	sshll.u32 s5, $0x4;
	_ =	strace $0x80000047;
	s10 =	sand.u32 $0x380, s10  }
0xa: {  	[dreg:$0x4] =	wrdreg s11;
	s18 =	ssub.s32 $0x2, s5;
	s5 =	smul.u32 $0x13C000, s5  }
0xb: {  	[dreg:$0x8] =	wrdreg s22;
	s24 =	sor.u32 $0x1C09, s22;
	s22 =	simm.s32 $0x1580  }
0xc: {  	s6 =	sor.u32 s12, s4;
	s4 =	sadd.s32 $0x2000, s0;
	s9 =	sshrl.u32 s7, $0x3  }
0xd: {  	s19 =	sshrl.u32 s18, $0x1;
	[dreg:$0xb] =	wrdreg s24;
	s24 =	simm.s32 $0x1600  }
0xe: {  	s8 =	smul.u32 $0x280, s6;
	s6 =	sshrl.u32 s6, $0x3;
	s9 =	sadd.s32 s9, s0  }
0xf: {  	s5 =	sadd.s32 s7, s5;
	s7 =	simm.s32 $0x8;
	s6 =	smul.u32 $0x13C00, s6  }
0x10: {  	s20 =	sadd.s32 $0x33800, s9;
	s5 =	sshrl.u32 s5, $0x3;
	s9 =	simm.s32 $0x0  }
0x11: {  	s8 =	sadd.s32 s8, s0;
	[dreg:$0x5] =	wrdreg s20;
	s2 =	sadd.s32 s2, s5  }
0x12: {  	s20 =	simm.s32 $0x1500;
	s5 =	simm.s32 $0x4;
	s6 =	sor.u32 s10, s6  }
0x13: {  	s10 =	sshrl.u32 s17, $0x2;
	s21 =	sadd.s32 $0x29200, s8;
	s8 =	sadd.s32 $0x2E200, s8  }
0x14: {  	[dreg:$0x7] =	wrdreg s2;
	s2 =	simm.s32 $0x6;
	s6 =	sshrl.u32 s6, $0x3  }
0x15: {  	s10 =	sadd.s32 s10, s1;
	[dreg:$0x6] =	wrdreg s21;
	s25 =	sadd.s32 $0x10, s8  }
0x16: {  	s26 =	sadd.s32 $0x20, s8;
	s21 =	sadd.s32 $0x30, s8;
	s0 =	sadd.s32 s6, s0  }
.Ltmp0:
0x17: {  	s6 =	ssub.s32 s18, s19;
	[dreg:$0xc] =	wrdreg s25;
	(pc) =	sbr.rel .LBB2_1-.Ltmp0, $4  }
0x18: {  	s14 =	sshrl.u32 s10, $0x3;
	s18 =	simm.s32 $0x1480;
	[dreg:$0xd] =	wrdreg s26  }
0x19: {  	s25 =	simm.s32 $0x5600;
	s26 =	simm.s32 $0x1D200;
	s0 =	sadd.s32 $0x5B000, s0  }
0x1a: {  	s23 =	smax.u32 s6, $0x1;
	s6 =	simm.s32 $0x7;
	[dreg:$0x9] =	wrdreg s0  }
0x1b: {  	v0 =	vimm.f32 $1.000000000e+00;
	[dreg:$0xa] =	wrdreg s23;
	s23 =	simm.s32 $0x80;
	s0 =	simm.s32 $0x2  }
.LBB2_4:
0x1c: {  	_ =	strace $0x90000049  }
0x1d: {  	_ =	strace $0x8000004A  }
0x1e: {  	[bflag:$0x0] =	sbarrier.arrive $0xFFFF  }
0x1f: {  	_ =	strace $0x9000004A  }
0x20: {  	_ =	strace $0x8000004B  }
0x21: {  	s10 =	rddreg [dreg:$0x8]  }
0x22: {  	s11 =	rddreg [dreg:$0x7];
	s10 =	sor.u32 $0x1C0A, s10  }
0x23: {  	[hbm:s11], [sflag:s10] =	dma.local [spmem:s14], $0x2780  }
0x24: {  	_ =	swait.ge [sflag:s15], $0x2780  }
0x25: {  	[sflag:s15] =	ssyncset.done $0x0  }
0x26: {  	s17 =	simm.s32 $0x400;
	s13 =	rddreg [dreg:$0x9];
	[sflag:s15] =	ssyncadd.s32 $0xFFFFD880  }
0x27: {  	[hbm4b:s13+s23] =	stream.strided.scatter [tilespmem:s26], [sflag:$0xA], $0x2780, s17, s23, $0x200038;
	[tilespmem:$0x1F980] =	vst v63  }
0x28: {  	_ =	swait.ge [sflag:s15], $0x2780  }
0x29: {  	s9 =	sadd.s32 $0x1, s9;
	s19 =	rddreg [dreg:$0xa]  }
0x2a: {  	p0 =	sne.s32 s9, s19  }
.Ltmp1:
0x2b: {  	_ = 	snop;
	(pc) =	sbr.rel @!p0 .LBB2_5-.Ltmp1, $4  }
0x2c: {  	_ = 	snop  }
0x2d: {  	[sflag:s15] =	ssyncset.done $0x0  }
0x2e: {  	[sflag:s15] =	ssyncadd.s32 $0xFFFFD880  }
0x2f: {  	_ =	strace $0x9000004B  }
.LBB2_1:
0x30: {  	_ =	strace $0x80000048  }
0x31: {  	s10 =	rddreg [dreg:$0x5]  }
0x32: {  	s11 =	rddreg [dreg:$0xb]  }
0x33: {  	[spmem:s14], [sflag:s11] =	dma.local [hbm:s10], $0x2780  }
0x34: {  	s10 =	rddreg [dreg:$0x6]  }
0x35: {  	[tilespmem:s3], [sflag:$0xA] =	stream.linear.gather [hbm4b:s10+s3], $0x1400, $0x200038;
	[tilespmem:$0x1F980] =	vst v63  }
0x36: {  	_ =	swait.ge [sflag:s15], $0x1400  }
0x37: {  	[sflag:s15] =	ssyncset.done $0x0  }
0x38: {  	[sflag:s15] =	ssyncadd.s32 $0xFFFFEC00  }
0x39: {  	[tilespmem:s16], [sflag:$0x5] =	stream.linear.gather [hbm4b:s8+s3], $0x80, $0x200038;
	[tilespmem:$0x1F980] =	vst v63  }
0x3a: {  	s13 =	rddreg [dreg:$0xc]  }
0x3b: {  	[tilespmem:s18], [sflag:$0x6] =	stream.linear.gather [hbm4b:s13+s3], $0x80, $0x200038;
	[tilespmem:$0x1F980] =	vst v63  }
0x3c: {  	s17 =	rddreg [dreg:$0xd]  }
0x3d: {  	[tilespmem:s20], [sflag:$0x7] =	stream.linear.gather [hbm4b:s17+s3], $0x80, $0x200038;
	[tilespmem:$0x1F980] =	vst v63  }
0x3e: {  	_ = 	snop  }
0x3f: {  	[tilespmem:s22], [sflag:$0x8] =	stream.linear.gather [hbm4b:s21+s3], $0x80, $0x200038;
	[tilespmem:$0x1F980] =	vst v63  }
0x40: {  	_ = 	snop  }
0x41: {  	[tilespmem:s24], [sflag:$0x1] =	stream.indirect.gather [hbm4b:s4+s23], $0x80, s3, s23, $0x2000b8;
	[tilespmem:$0x1F980] =	vst v63  }
0x42: {  	_ = 	snop  }
0x43: {  	[tilespmem:s25], [sflag:$0x2] =	stream.indirect.gather [hbm4b:s4+s23], $0x80, s23, s23, $0x2000b8;
	[tilespmem:$0x1F980] =	vst v63  }
0x44: {  	s19 =	rddreg [dreg:$0x4]  }
0x45: {  	[tilespmem:s26], [sflag:$0xA] =	stream.linear.gather [hbm4b:s19+s3], $0x2780, $0x200038;
	[tilespmem:$0x1F980] =	vst v63  }
0x46: {  	_ =	swait.ge [sflag:s15], $0x2780  }
0x47: {  	[sflag:s15] =	ssyncset.done $0x0  }
0x48: {  	[sflag:s15] =	ssyncadd.s32 $0xFFFFD880  }
0x49: {  	_ =	swait.ge [sflag:s28], $0x2780  }
0x4a: {  	[sflag:s28] =	ssyncset.done $0x0  }
0x4b: {  	[sflag:s28] =	ssyncadd.s32 $0xFFFFD880  }
0x4c: {  	[bflag:$0x0] =	sbarrier.arrive $0xFFFF  }
0x4d: {  	_ =	strace $0x90000048  }
0x4e: {  	s12 =	simm.s32 $0x0;
	s11 =	simm.s32 $0x280;
	_ =	strace $0x80000049  }
.LBB2_2:
0x4f: {  	_ =	swait.ge [sflag:s29], $0x4000  }
0x50: {  	[sflag:s29] =	ssyncset.done $0x0  }
0x51: {  	[sflag:s29] =	ssyncadd.s32 $0xFFFFC000  }
0x52: {  	_ =	swait.ge [sflag:s30], $0x80  }
0x53: {  	[sflag:s30] =	ssyncset.done $0x0  }
0x54: {  	[sflag:s30] =	ssyncadd.s32 $0xFFFFFF80  }
0x55: {  	[spmem:s1] =	stream.indirect.scatter.add.f32 [tilespmem:s24], [sflag:$0x3], $0x80, s16, s23, $0x2000b8;
	[tilespmem:$0x1F980] =	vst v63  }
0x56: {  	v1 =	vld [tilespmem:$0x1400];
	_ =	sdelay $0x7  }
0x57: {  	[tilespmem:v1+s26+$0x0] =	vst.idx.add.f32.msk $0xffff, v0  }
0x58: {  	v1 =	vld [tilespmem:$0x1410];
	_ =	sdelay $0x7  }
0x59: {  	[tilespmem:v1+s26+$0x0] =	vst.idx.add.f32.msk $0xffff, v0  }
0x5a: {  	v1 =	vld [tilespmem:$0x1420];
	_ =	sdelay $0x7  }
0x5b: {  	[tilespmem:v1+s26+$0x0] =	vst.idx.add.f32.msk $0xffff, v0  }
0x5c: {  	v1 =	vld [tilespmem:$0x1430];
	_ =	sdelay $0x7  }
0x5d: {  	[tilespmem:v1+s26+$0x0] =	vst.idx.add.f32.msk $0xffff, v0  }
0x5e: {  	v1 =	vld [tilespmem:$0x1440];
	_ =	sdelay $0x7  }
0x5f: {  	[tilespmem:v1+s26+$0x0] =	vst.idx.add.f32.msk $0xffff, v0  }
0x60: {  	v1 =	vld [tilespmem:$0x1450];
	_ =	sdelay $0x7  }
0x61: {  	[tilespmem:v1+s26+$0x0] =	vst.idx.add.f32.msk $0xffff, v0  }
0x62: {  	v1 =	vld [tilespmem:$0x1460];
	_ =	sdelay $0x7  }
0x63: {  	[tilespmem:v1+s26+$0x0] =	vst.idx.add.f32.msk $0xffff, v0  }
0x64: {  	v1 =	vld [tilespmem:$0x1470];
	_ =	sdelay $0x7  }
0x65: {  	[tilespmem:v1+s26+$0x0] =	vst.idx.add.f32.msk $0xffff, v0  }
0x66: {  	p0 =	seq.s32 s12, $0x240;
	_ =	swait.ge [sflag:s31], $0x4000  }
0x67: {  	s13 =	sadd.s32 @!p0 s12, s8;
	s10 =	simm.s32 @!p0 $0x0;
	[sflag:s31] =	ssyncset.done $0x0  }
0x68: {  	s19 =	simm.s32 @!p0 $0x1400;
	s17 =	sadd.s32 @!p0 $0x40, s13;
	[sflag:s31] =	ssyncadd.s32 $0xFFFFC000  }
0x69: {  	[tilespmem:s19], [sflag:$0x5] =	stream.linear.gather @!p0 [hbm4b:s17+s10], $0x80, $0x200038;
	[tilespmem:$0x1F980] =	vst v63  }
0x6a: {  	s19 =	sadd.s32 $0xFFFFFE80, s11  }
0x6b: {  	[tilespmem:s24], [sflag:$0x1] =	stream.indirect.gather [hbm4b:s4+s23], $0x80, s19, s23, $0x2000b8;
	[tilespmem:$0x1F980] =	vst v63  }
0x6c: {  	_ =	swait.ge [sflag:s0], $0x4000  }
0x6d: {  	[sflag:s0] =	ssyncset.done $0x0  }
0x6e: {  	[sflag:s0] =	ssyncadd.s32 $0xFFFFC000  }
0x6f: {  	_ =	swait.ge [sflag:s2], $0x80  }
0x70: {  	[sflag:s2] =	ssyncset.done $0x0  }
0x71: {  	[sflag:s2] =	ssyncadd.s32 $0xFFFFFF80  }
0x72: {  	[spmem:s1] =	stream.indirect.scatter.add.f32 [tilespmem:s25], [sflag:$0x4], $0x80, s18, s23, $0x2000b8;
	[tilespmem:$0x1F980] =	vst v63  }
0x73: {  	v1 =	vld [tilespmem:$0x1480];
	_ =	sdelay $0x7  }
0x74: {  	[tilespmem:v1+s26+$0x0] =	vst.idx.add.f32.msk $0xffff, v0  }
0x75: {  	v1 =	vld [tilespmem:$0x1490];
	_ =	sdelay $0x7  }
0x76: {  	[tilespmem:v1+s26+$0x0] =	vst.idx.add.f32.msk $0xffff, v0  }
0x77: {  	v1 =	vld [tilespmem:$0x14A0];
	_ =	sdelay $0x7  }
0x78: {  	[tilespmem:v1+s26+$0x0] =	vst.idx.add.f32.msk $0xffff, v0  }
0x79: {  	v1 =	vld [tilespmem:$0x14B0];
	_ =	sdelay $0x7  }
0x7a: {  	[tilespmem:v1+s26+$0x0] =	vst.idx.add.f32.msk $0xffff, v0  }
0x7b: {  	v1 =	vld [tilespmem:$0x14C0];
	_ =	sdelay $0x7  }
0x7c: {  	[tilespmem:v1+s26+$0x0] =	vst.idx.add.f32.msk $0xffff, v0  }
0x7d: {  	v1 =	vld [tilespmem:$0x14D0];
	_ =	sdelay $0x7  }
0x7e: {  	[tilespmem:v1+s26+$0x0] =	vst.idx.add.f32.msk $0xffff, v0  }
0x7f: {  	v1 =	vld [tilespmem:$0x14E0];
	_ =	sdelay $0x7  }
0x80: {  	[tilespmem:v1+s26+$0x0] =	vst.idx.add.f32.msk $0xffff, v0  }
0x81: {  	v1 =	vld [tilespmem:$0x14F0];
	_ =	sdelay $0x7  }
0x82: {  	[tilespmem:v1+s26+$0x0] =	vst.idx.add.f32.msk $0xffff, v0  }
0x83: {  	_ =	swait.ge [sflag:s5], $0x4000  }
0x84: {  	[sflag:s5] =	ssyncset.done $0x0  }
0x85: {  	s17 =	sadd.s32 @!p0 $0x50, s13;
	s19 =	simm.s32 @!p0 $0x1480;
	[sflag:s5] =	ssyncadd.s32 $0xFFFFC000  }
0x86: {  	[tilespmem:s19], [sflag:$0x6] =	stream.linear.gather @!p0 [hbm4b:s17+s10], $0x80, $0x200038;
	[tilespmem:$0x1F980] =	vst v63  }
0x87: {  	s19 =	sadd.s32 $0xFFFFFF00, s11  }
0x88: {  	[tilespmem:s25], [sflag:$0x2] =	stream.indirect.gather [hbm4b:s4+s23], $0x80, s19, s23, $0x2000b8;
	[tilespmem:$0x1F980] =	vst v63  }
0x89: {  	_ =	swait.ge [sflag:s29], $0x4000  }
0x8a: {  	[sflag:s29] =	ssyncset.done $0x0  }
0x8b: {  	[sflag:s29] =	ssyncadd.s32 $0xFFFFC000  }
0x8c: {  	_ =	swait.ge [sflag:s6], $0x80  }
0x8d: {  	[sflag:s6] =	ssyncset.done $0x0  }
0x8e: {  	[sflag:s6] =	ssyncadd.s32 $0xFFFFFF80  }
0x8f: {  	[spmem:s1] =	stream.indirect.scatter.add.f32 [tilespmem:s24], [sflag:$0x3], $0x80, s20, s23, $0x2000b8;
	[tilespmem:$0x1F980] =	vst v63  }
0x90: {  	v1 =	vld [tilespmem:$0x1500];
	_ =	sdelay $0x7  }
0x91: {  	[tilespmem:v1+s26+$0x0] =	vst.idx.add.f32.msk $0xffff, v0  }
0x92: {  	v1 =	vld [tilespmem:$0x1510];
	_ =	sdelay $0x7  }
0x93: {  	[tilespmem:v1+s26+$0x0] =	vst.idx.add.f32.msk $0xffff, v0  }
0x94: {  	v1 =	vld [tilespmem:$0x1520];
	_ =	sdelay $0x7  }
0x95: {  	[tilespmem:v1+s26+$0x0] =	vst.idx.add.f32.msk $0xffff, v0  }
0x96: {  	v1 =	vld [tilespmem:$0x1530];
	_ =	sdelay $0x7  }
0x97: {  	[tilespmem:v1+s26+$0x0] =	vst.idx.add.f32.msk $0xffff, v0  }
0x98: {  	v1 =	vld [tilespmem:$0x1540];
	_ =	sdelay $0x7  }
0x99: {  	[tilespmem:v1+s26+$0x0] =	vst.idx.add.f32.msk $0xffff, v0  }
0x9a: {  	v1 =	vld [tilespmem:$0x1550];
	_ =	sdelay $0x7  }
0x9b: {  	[tilespmem:v1+s26+$0x0] =	vst.idx.add.f32.msk $0xffff, v0  }
0x9c: {  	v1 =	vld [tilespmem:$0x1560];
	_ =	sdelay $0x7  }
0x9d: {  	[tilespmem:v1+s26+$0x0] =	vst.idx.add.f32.msk $0xffff, v0  }
0x9e: {  	v1 =	vld [tilespmem:$0x1570];
	_ =	sdelay $0x7  }
0x9f: {  	[tilespmem:v1+s26+$0x0] =	vst.idx.add.f32.msk $0xffff, v0  }
0xa0: {  	_ =	swait.ge [sflag:s31], $0x4000  }
0xa1: {  	[sflag:s31] =	ssyncset.done $0x0  }
0xa2: {  	s13 =	sadd.s32 @!p0 $0x60, s13;
	s17 =	simm.s32 @!p0 $0x1500;
	[sflag:s31] =	ssyncadd.s32 $0xFFFFC000  }
0xa3: {  	[tilespmem:s17], [sflag:$0x7] =	stream.linear.gather @!p0 [hbm4b:s13+s10], $0x80, $0x200038;
	[tilespmem:$0x1F980] =	vst v63  }
0xa4: {  	s10 =	sadd.s32 @!p0 $0xFFFFFF80, s11;
	s13 =	simm.s32 @!p0 $0x80;
	s17 =	simm.s32 @!p0 $0x1600  }
0xa5: {  	[tilespmem:s17], [sflag:$0x1] =	stream.indirect.gather @!p0 [hbm4b:s4+s13], $0x80, s10, s13, $0x2000b8;
	[tilespmem:$0x1F980] =	vst v63  }
0xa6: {  	_ =	swait.ge [sflag:s0], $0x4000  }
0xa7: {  	[sflag:s0] =	ssyncset.done $0x0  }
0xa8: {  	[sflag:s0] =	ssyncadd.s32 $0xFFFFC000  }
0xa9: {  	_ =	swait.ge [sflag:s7], $0x80  }
0xaa: {  	[sflag:s7] =	ssyncset.done $0x0  }
0xab: {  	[sflag:s7] =	ssyncadd.s32 $0xFFFFFF80  }
0xac: {  	[spmem:s1] =	stream.indirect.scatter.add.f32 [tilespmem:s25], [sflag:$0x4], $0x80, s22, s23, $0x2000b8;
	[tilespmem:$0x1F980] =	vst v63  }
0xad: {  	v1 =	vld [tilespmem:$0x1580];
	_ =	sdelay $0x7  }
0xae: {  	[tilespmem:v1+s26+$0x0] =	vst.idx.add.f32.msk $0xffff, v0  }
0xaf: {  	v1 =	vld [tilespmem:$0x1590];
	_ =	sdelay $0x7  }
0xb0: {  	[tilespmem:v1+s26+$0x0] =	vst.idx.add.f32.msk $0xffff, v0  }
0xb1: {  	v1 =	vld [tilespmem:$0x15A0];
	_ =	sdelay $0x7  }
0xb2: {  	[tilespmem:v1+s26+$0x0] =	vst.idx.add.f32.msk $0xffff, v0  }
0xb3: {  	v1 =	vld [tilespmem:$0x15B0];
	_ =	sdelay $0x7  }
0xb4: {  	[tilespmem:v1+s26+$0x0] =	vst.idx.add.f32.msk $0xffff, v0  }
0xb5: {  	v1 =	vld [tilespmem:$0x15C0];
	_ =	sdelay $0x7  }
0xb6: {  	[tilespmem:v1+s26+$0x0] =	vst.idx.add.f32.msk $0xffff, v0  }
0xb7: {  	v1 =	vld [tilespmem:$0x15D0];
	_ =	sdelay $0x7  }
0xb8: {  	[tilespmem:v1+s26+$0x0] =	vst.idx.add.f32.msk $0xffff, v0  }
0xb9: {  	v1 =	vld [tilespmem:$0x15E0];
	_ =	sdelay $0x7  }
0xba: {  	[tilespmem:v1+s26+$0x0] =	vst.idx.add.f32.msk $0xffff, v0  }
0xbb: {  	v1 =	vld [tilespmem:$0x15F0];
	_ =	sdelay $0x6  }
.Ltmp2:
0xbc: {  	_ = 	snop;
	(pc) =	sbr.rel @p0 .LBB2_4-.Ltmp2, $4  }
0xbd: {  	[tilespmem:v1+s26+$0x0] =	vst.idx.add.f32.msk $0xffff, v0  }
0xbe: {  	_ =	swait.ge [sflag:s5], $0x4000  }
0xbf: {  	[sflag:s5] =	ssyncset.done $0x0  }
0xc0: {  	[sflag:s5] =	ssyncadd.s32 $0xFFFFC000  }
0xc1: {  	s10 =	sadd.s32 s12, s8  }
.Ltmp3:
0xc2: {  	s10 =	sadd.s32 $0x70, s10;
	(pc) =	sbr.rel .LBB2_2-.Ltmp3, $4  }
0xc3: {  	[tilespmem:s22], [sflag:$0x8] =	stream.linear.gather [hbm4b:s10+s3], $0x80, $0x200038;
	[tilespmem:$0x1F980] =	vst v63  }
0xc4: {  	_ = 	snop  }
0xc5: {  	[tilespmem:s25], [sflag:$0x2] =	stream.indirect.gather [hbm4b:s4+s23], $0x80, s11, s23, $0x2000b8;
	[tilespmem:$0x1F980] =	vst v63  }
0xc6: {  	s12 =	sadd.s32 $0x40, s12;
	s11 =	sadd.s32 $0x200, s11  }
.LBB2_5:
0xc7: {  	_ =	sfence.sel $0x180000  }
0xc8: {  	[bflag:$0x0] =	sbarrier.arrive $0xFFFF  }
0xc9: {  	_ =	strace $0x90000047  }
0xca: {  	s0 =	stileid.u32;
	[bflag:$0x2] =	sbarrier.arrive $0xFFFF  }
0xcb: {  	p0 =	sne.s32 s0, $0x0;
	s0 =	rddreg [dreg:$0x3]  }
0xcc: {  	s0 =	sadd.s32 @!p0 $0x100000, s0  }
0xcd: {  	[sflag:s0] =	ssyncadd.tile.s32 @!p0 $0x1;
	_ =	shalt  }
.Lfunc_end2:
_tile_overlayer_lowered:
.L_overlay_start_2:
0xce: {  	(tag) =	ssettag $0x2  }
0xcf: {  	s0 =	rddreg [dreg:$0x0];
	s2 =	stileid.u32  }
0xd0: {  	s1 =	rddreg [dreg:$0x1];
	p0 =	sne.s32 s2, $0x0  }
0xd1: {  	s3 =	rddreg [dreg:$0x2];
	[bflag:$0x3] =	sbarrier.arrive $0xFFFF;
	s2 =	simm.s32 @!p0 $0x1C0A  }
0xd2: {  	[timem:s3], [sflag:s2] =	dma.local @!p0 [hbm:s0], s1  }
0xd3: {  	s0 =	simm.s32 @!p0 $0xA  }
0xd4: {  	_ =	swait.ge @!p0 [sflag:s0], s1  }
0xd5: {  	s1 =	ssub.s32 @!p0 $0x0, s1;
	[sflag:s0] =	ssyncset.done @!p0 $0x0  }
0xd6: {  	[sflag:s0] =	ssyncadd.s32 @!p0 s1  }
0xd7: {  	[bflag:$0x3] =	sbarrier.arrive $0xFFFF  }
0xd8: {  	_ =	shalt  }

</sc_bundles>
